<compile_context>
chip_gen: v7x
topology: tpu7x:2x2x1
jax: 0.10.2.dev20260603
libtpu: 0.0.44.dev20260713+nightly
codegen_flags: <defaults>
</compile_context>

<pallas_src>
import functools

import jax
import jax.numpy as jnp
from jax import lax
from jax.experimental import pallas as pl
from jax.experimental.pallas import tpu as pltpu
from jax.experimental.pallas import tpu_sc as plsc

N_NODES = 10000
NP = 10240
N_EDGES = 160000
F = 128
R = 4
NC = 2
NS = 16
CHUNK = 80
EDGES_PER_TILE = N_EDGES // NS
CHUNKS_PER_TILE = EDGES_PER_TILE // CHUNK
ROWS_PER_TILE = NP // NS
ZROWS = 80
DEG_CHUNKS = N_EDGES // CHUNK


def _sc_agg_kernel(x_hbm, srcoff_hbm, dst2_hbm, zrow_hbm, ones_hbm,
                   agg_hbm,
                   acc, src_a, src_b, dstbig, rows_a, rows_b,
                   sem_a, sem_b):
    core = lax.axis_index("c")
    sub = lax.axis_index("s")
    edge_base = sub * EDGES_PER_TILE
    row_base = sub * ROWS_PER_TILE

    pltpu.sync_copy(dst2_hbm.at[sub], dstbig)

    def _zero_acc():
        pltpu.sync_copy(zrow_hbm, rows_a)
        for j in range(ROWS_PER_TILE // ZROWS):
            pltpu.sync_copy(rows_a,
                            acc.at[pl.ds(row_base + j * ZROWS, ZROWS)])

    def _write_out(block):
        out_off = block * NP + row_base
        for j in range(ROWS_PER_TILE // ZROWS):
            pltpu.sync_copy(acc.at[pl.ds(row_base + j * ZROWS, ZROWS)],
                            rows_a)
            pltpu.sync_copy(rows_a, agg_hbm.at[pl.ds(out_off + j * ZROWS,
                                                     ZROWS)])

    for p in range(R // NC):
        rep = NC * p + core
        idx_base = rep * N_EDGES + edge_base

        def _issue(i, sbuf, rbuf, sem):
            pltpu.sync_copy(srcoff_hbm.at[pl.ds(idx_base + i * CHUNK, CHUNK)],
                            sbuf)
            pltpu.async_copy(x_hbm.at[sbuf], rbuf, sem)

        def _drain(i, sbuf, rbuf, sem):
            pltpu.make_async_copy(x_hbm.at[sbuf], rbuf, sem).wait()
            pltpu.sync_copy(rbuf, acc.at[dstbig.at[i]], add=True)

        _zero_acc()
        plsc.subcore_barrier()

        _issue(0, src_a, rows_a, sem_a)
        _issue(1, src_b, rows_b, sem_b)

        def _chunk2(k, carry):
            _drain(2 * k, src_a, rows_a, sem_a)
            _issue(2 * k + 2, src_a, rows_a, sem_a)
            _drain(2 * k + 1, src_b, rows_b, sem_b)
            _issue(2 * k + 3, src_b, rows_b, sem_b)
            return carry

        lax.fori_loop(0, (CHUNKS_PER_TILE - 3) // 2, _chunk2, 0)
        _drain(CHUNKS_PER_TILE - 3, src_a, rows_a, sem_a)
        _drain(CHUNKS_PER_TILE - 2, src_b, rows_b, sem_b)
        _issue(CHUNKS_PER_TILE - 1, src_a, rows_a, sem_a)
        _drain(CHUNKS_PER_TILE - 1, src_a, rows_a, sem_a)
        plsc.subcore_barrier()
        _write_out(rep)

    _zero_acc()
    pltpu.sync_copy(ones_hbm, rows_a)
    plsc.subcore_barrier()

    def _dchunk(i, carry):
        pltpu.sync_copy(rows_a, acc.at[dstbig.at[i]], add=True)
        return carry

    lax.fori_loop(63 * core, 63 + core * (CHUNKS_PER_TILE - 63), _dchunk, 0)
    plsc.subcore_barrier()
    _write_out(R + core)


@functools.partial(
    pl.kernel,
    out_type=jax.ShapeDtypeStruct(((R + NC) * NP, F), jnp.float32),
    mesh=plsc.VectorSubcoreMesh(core_axis_name="c", subcore_axis_name="s"),
    scratch_types=[
        pltpu.VMEM_SHARED((NP, F), jnp.float32),
        pltpu.VMEM((CHUNK,), jnp.int32),
        pltpu.VMEM((CHUNK,), jnp.int32),
        pltpu.VMEM((CHUNKS_PER_TILE, CHUNK), jnp.int32),
        pltpu.VMEM((CHUNK, F), jnp.float32),
        pltpu.VMEM((CHUNK, F), jnp.float32),
        pltpu.SemaphoreType.DMA,
        pltpu.SemaphoreType.DMA,
    ],
)
def _sc_aggregate(*args):
    _sc_agg_kernel(*args)


BLK = 2000
T_DIM = 2


def _dense_body(x_ref, agg_ref, deg_ref, wn_ref, ws_ref, b_ref, o_ref):
    xb = x_ref[...][0]
    ab = agg_ref[...]
    deg = deg_ref[0, :, 0:1] + deg_ref[1, :, 0:1]
    inv = 1.0 / jnp.maximum(deg, 1.0)
    outs = []
    for t in range(T_DIM):
        acc = lax.dot_general(ab[t] * inv, wn_ref[...],
                              (((1,), (1,)), ((), ())),
                              preferred_element_type=jnp.float32)
        acc = acc + lax.dot_general(xb[:, t], ws_ref[...],
                                    (((1,), (1,)), ((), ())),
                                    preferred_element_type=jnp.float32)
        outs.append(jnp.maximum(acc + b_ref[...], 0.0))
    o_ref[...] = jnp.stack(outs, axis=1)[None]


def _dense(x4d, agg4d, deg3d, w_neigh, w_self, b2d):
    nblk = N_NODES // BLK
    nb = R // T_DIM
    return pl.pallas_call(
        _dense_body,
        grid=(nb, nblk),
        in_specs=[
            pl.BlockSpec((1, BLK, T_DIM, F), lambda b_, i: (b_, i, 0, 0)),
            pl.BlockSpec((T_DIM, BLK, F), lambda b_, i: (b_, i, 0)),
            pl.BlockSpec((NC, BLK, F), lambda b_, i: (R // NC, i, 0)),
            pl.BlockSpec((F, F), lambda b_, i: (0, 0)),
            pl.BlockSpec((F, F), lambda b_, i: (0, 0)),
            pl.BlockSpec((1, F), lambda b_, i: (0, 0)),
        ],
        out_specs=pl.BlockSpec((1, BLK, T_DIM, F),
                               lambda b_, i: (b_, i, 0, 0)),
        out_shape=jax.ShapeDtypeStruct(
            (R // T_DIM, N_NODES, T_DIM, F), jnp.float32),
    )(x4d, agg4d, deg3d, w_neigh, w_self, b2d)


def kernel(X, g, W_self, W_neigh, b):
    B, N, T, F_in = X.shape
    x_table = X.reshape(B * N * T, F_in)
    src = g[0]
    dst = g[1]
    rbase = ((jnp.arange(R, dtype=jnp.int32) // T) * (N * T)
             + jnp.arange(R, dtype=jnp.int32) % T)
    srcoff = (src[None, :] * T + rbase[:, None]).reshape(-1)
    zrow = jnp.zeros((ZROWS, F), jnp.float32)
    ones_c = jnp.ones((ZROWS, F), jnp.float32)
    out = _sc_aggregate(x_table, srcoff,
                        dst.reshape(NS, CHUNKS_PER_TILE, CHUNK), zrow,
                        ones_c)
    out6 = out.reshape(R + NC, NP, F)
    return _dense(X, out6, out6, W_neigh, W_self, b.reshape(1, F))

# --- scband reference (transcript-rebuilt; emitter-appended) ---
"""Pipeline reference for scband-gcnblock-16363825397958 (READ-ONLY COPY).

The authoritative reference and input builder live on the scoring server;
editing this copy changes nothing except your own understanding.
"""

import jax, jax.numpy as jnp
import numpy as np

N = 10000
E = 160000
B = 2
T = 2
F_IN = 128
F_OUT = 128


def setup_inputs(seed: int = 0) -> dict:
    key = jax.random.key(seed)
    k1, k2, k3, k4, k5 = jax.random.split(key, 5)
    X = jax.random.normal(k1, (B, N, T, F_IN), dtype=jnp.float32)
    # edge_index: [2, E] with values in [0, N)
    g = jax.random.randint(k2, (2, E), 0, N, dtype=jnp.int32)
    # GraphSAGE (mean aggregator) parameters: lin_r (self) and lin_l (neighbor) + bias
    scale = 1.0 / np.sqrt(F_IN)
    W_self = jax.random.normal(k3, (F_OUT, F_IN), dtype=jnp.float32) * scale
    W_neigh = jax.random.normal(k4, (F_OUT, F_IN), dtype=jnp.float32) * scale
    b = jax.random.normal(k5, (F_OUT,), dtype=jnp.float32) * 0.01
    return {"X": X, "g": g, "W_self": W_self, "W_neigh": W_neigh, "b": b}


def _sage_conv(x, src, dst, W_self, W_neigh, b):
    # x: [N, F_IN]; mean aggregation of neighbor messages by destination node
    msgs = x[src]  # gather: [E, F_IN]
    agg = jax.ops.segment_sum(msgs, dst, num_segments=N)
    deg = jax.ops.segment_sum(jnp.ones((E,), dtype=jnp.float32), dst, num_segments=N)
    mean = agg / jnp.clip(deg, 1.0)[:, None]
    return mean @ W_neigh.T + x @ W_self.T + b


def reference(X, g, W_self, W_neigh, b):
    # X: [B, N, T, F_IN] -> t1: [B*T, N, F_IN]
    t1 = jnp.transpose(X, (0, 2, 1, 3)).reshape(-1, N, F_IN)
    src = g[0]
    dst = g[1]
    conv = jax.vmap(lambda x: _sage_conv(x, src, dst, W_self, W_neigh, b))
    t2 = jax.nn.relu(conv(t1))  # [B*T, N, F_OUT]
    out = t2.reshape(X.shape[0], X.shape[2], N, F_OUT)
    out = jnp.transpose(out, (0, 2, 1, 3))  # [B, N, T, F_OUT]
    return out

if __name__ == "__main__":
    import jax
    _d = setup_inputs()
    print(jax.jit(kernel)(*tuple(_d.values())))

</pallas_src>

<mosaic_0001>
#map = affine_map<(d0, d1) -> (0, 0)>
#map1 = affine_map<(d0, d1) -> (0)>
#map2 = affine_map<(d0, d1) -> (0, 0, 0)>
module attributes {stable_mosaic.version = 14 : i64} {
  func.func @_sc_aggregate(%arg0: i32, %arg1: i32, %arg2: memref<40000x128xf32, #tpu.memory_space<hbm>>, %arg3: memref<640000xi32, #tpu.memory_space<hbm>>, %arg4: memref<16x125x80xi32, #tpu.memory_space<hbm>>, %arg5: memref<80x128xf32, #tpu.memory_space<hbm>>, %arg6: memref<80x128xf32, #tpu.memory_space<hbm>>, %arg7: memref<61440x128xf32, #tpu.memory_space<hbm>>, %arg8: memref<10240x128xf32, #tpu.memory_space<vmem_shared>>, %arg9: memref<80xi32, #tpu.memory_space<vmem>>, %arg10: memref<80xi32, #tpu.memory_space<vmem>>, %arg11: memref<125x80xi32, #tpu.memory_space<vmem>>, %arg12: memref<80x128xf32, #tpu.memory_space<vmem>>, %arg13: memref<80x128xf32, #tpu.memory_space<vmem>>, %arg14: memref<!tpu.dma_semaphore, #tpu.memory_space<semaphore_mem>>, %arg15: memref<!tpu.dma_semaphore, #tpu.memory_space<semaphore_mem>>) attributes {dimension_semantics = [#tpu.dimension_semantics<core_parallel>, #tpu.dimension_semantics<subcore_parallel>], iteration_bounds = array<i64: 2, 16>, scalar_prefetch = 0 : i64, scratch_operands = 8 : i64, tpu.core_type = #tpu.core_type<sc_vector_subcore>, window_params = [{transform_indices = #map}, {transform_indices = #map1}, {transform_indices = #map2}, {transform_indices = #map}, {transform_indices = #map}, {transform_indices = #map}]} {
    %mul3A = arith.constant 10000 : i32
    %mul3A_0 = arith.muli %arg1, %mul3A : i32
    %mul3A_1 = arith.constant 640 : i32
    %mul3A_2 = arith.muli %arg1, %mul3A_1 : i32
    "tpu.region"() ({
      %run_scoped3A_248 = tpu.sem_alloc : memref<!tpu.dma_semaphore, #tpu.memory_space<semaphore_mem>>
      %dma_start3A_249 = arith.constant 0 : i32
      %dma_start3A_250 = arith.constant 0 : i32
      %dma_start3A_251 = tpu.memref_slice %arg4[%arg1, %dma_start3A_249, %dma_start3A_250] : memref<16x125x80xi32, #tpu.memory_space<hbm>> -> memref<1x125x80xi32, #tpu.memory_space<hbm>>
      %dma_start3A_252 = tpu.memref_squeeze %dma_start3A_251 : memref<1x125x80xi32, #tpu.memory_space<hbm>> -> memref<125x80xi32, #tpu.memory_space<hbm>>
      %dma_start3A_253 = arith.constant 0 : i32
      %dma_start3A_254 = arith.constant 0 : i32
      %dma_start3A_255 = tpu.memref_slice %arg4[%arg1, %dma_start3A_253, %dma_start3A_254] : memref<16x125x80xi32, #tpu.memory_space<hbm>> -> memref<1x125x80xi32, #tpu.memory_space<hbm>>
      %dma_start3A_256 = tpu.memref_squeeze %dma_start3A_255 : memref<1x125x80xi32, #tpu.memory_space<hbm>> -> memref<125x80xi32, #tpu.memory_space<hbm>>
      tpu.enqueue_dma source(%dma_start3A_256 : memref<125x80xi32, #tpu.memory_space<hbm>>) target(%arg11 : memref<125x80xi32, #tpu.memory_space<vmem>>) target_semaphore(%run_scoped3A_248 : memref<!tpu.dma_semaphore, #tpu.memory_space<semaphore_mem>>)
      %dma_wait3A_257 = arith.constant 0 : i32
      %dma_wait3A_258 = arith.constant 0 : i32
      %dma_wait3A_259 = tpu.memref_slice %arg4[%arg1, %dma_wait3A_257, %dma_wait3A_258] : memref<16x125x80xi32, #tpu.memory_space<hbm>> -> memref<1x125x80xi32, #tpu.memory_space<hbm>>
      %dma_wait3A_260 = tpu.memref_squeeze %dma_wait3A_259 : memref<1x125x80xi32, #tpu.memory_space<hbm>> -> memref<125x80xi32, #tpu.memory_space<hbm>>
      %dma_wait3A_261 = arith.constant 0 : i32
      %dma_wait3A_262 = arith.constant 0 : i32
      %dma_wait3A_263 = tpu.memref_slice %arg4[%arg1, %dma_wait3A_261, %dma_wait3A_262] : memref<16x125x80xi32, #tpu.memory_space<hbm>> -> memref<1x125x80xi32, #tpu.memory_space<hbm>>
      %dma_wait3A_264 = tpu.memref_squeeze %dma_wait3A_263 : memref<1x125x80xi32, #tpu.memory_space<hbm>> -> memref<125x80xi32, #tpu.memory_space<hbm>>
      tpu.wait_dma2 semaphore(%run_scoped3A_248 : memref<!tpu.dma_semaphore, #tpu.memory_space<semaphore_mem>>) src(%dma_wait3A_264 : memref<125x80xi32, #tpu.memory_space<hbm>>) dst(%arg11 : memref<125x80xi32, #tpu.memory_space<vmem>>)
      tpu.yield
    }) : () -> ()
    %add3A = arith.constant 0 : i32
    %add3A_3 = arith.addi %add3A, %arg0 : i32
    %mul3A_4 = arith.constant 160000 : i32
    %mul3A_5 = arith.muli %add3A_3, %mul3A_4 : i32
    %add3A_6 = arith.addi %mul3A_5, %mul3A_0 : i32
    "tpu.region"() ({
      %run_scoped3A_248 = tpu.sem_alloc : memref<!tpu.dma_semaphore, #tpu.memory_space<semaphore_mem>>
      tpu.enqueue_dma source(%arg5 : memref<80x128xf32, #tpu.memory_space<hbm>>) target(%arg12 : memref<80x128xf32, #tpu.memory_space<vmem>>) target_semaphore(%run_scoped3A_248 : memref<!tpu.dma_semaphore, #tpu.memory_space<semaphore_mem>>)
      tpu.wait_dma2 semaphore(%run_scoped3A_248 : memref<!tpu.dma_semaphore, #tpu.memory_space<semaphore_mem>>) src(%arg5 : memref<80x128xf32, #tpu.memory_space<hbm>>) dst(%arg12 : memref<80x128xf32, #tpu.memory_space<vmem>>)
      tpu.yield
    }) : () -> ()
    %add3A_7 = arith.constant 0 : i32
    %add3A_8 = arith.addi %mul3A_2, %add3A_7 : i32
    "tpu.region"() ({
      %run_scoped3A_248 = tpu.sem_alloc : memref<!tpu.dma_semaphore, #tpu.memory_space<semaphore_mem>>
      %dma_start3A_249 = arith.constant 0 : i32
      %dma_start3A_250 = tpu.memref_slice %arg8[%add3A_8, %dma_start3A_249] : memref<10240x128xf32, #tpu.memory_space<vmem_shared>> -> memref<80x128xf32, #tpu.memory_space<vmem_shared>>
      %dma_start3A_251 = arith.constant 0 : i32
      %dma_start3A_252 = tpu.memref_slice %arg8[%add3A_8, %dma_start3A_251] : memref<10240x128xf32, #tpu.memory_space<vmem_shared>> -> memref<80x128xf32, #tpu.memory_space<vmem_shared>>
      tpu.enqueue_dma source(%arg12 : memref<80x128xf32, #tpu.memory_space<vmem>>) target(%dma_start3A_252 : memref<80x128xf32, #tpu.memory_space<vmem_shared>>) target_semaphore(%run_scoped3A_248 : memref<!tpu.dma_semaphore, #tpu.memory_space<semaphore_mem>>)
      %dma_wait3A_253 = arith.constant 0 : i32
      %dma_wait3A_254 = tpu.memref_slice %arg8[%add3A_8, %dma_wait3A_253] : memref<10240x128xf32, #tpu.memory_space<vmem_shared>> -> memref<80x128xf32, #tpu.memory_space<vmem_shared>>
      %dma_wait3A_255 = arith.constant 0 : i32
      %dma_wait3A_256 = tpu.memref_slice %arg8[%add3A_8, %dma_wait3A_255] : memref<10240x128xf32, #tpu.memory_space<vmem_shared>> -> memref<80x128xf32, #tpu.memory_space<vmem_shared>>
      tpu.wait_dma2 semaphore(%run_scoped3A_248 : memref<!tpu.dma_semaphore, #tpu.memory_space<semaphore_mem>>) src(%arg12 : memref<80x128xf32, #tpu.memory_space<vmem>>) dst(%dma_wait3A_256 : memref<80x128xf32, #tpu.memory_space<vmem_shared>>)
      tpu.yield
    }) : () -> ()
    %add3A_9 = arith.constant 80 : i32
    %add3A_10 = arith.addi %mul3A_2, %add3A_9 : i32
    "tpu.region"() ({
      %run_scoped3A_248 = tpu.sem_alloc : memref<!tpu.dma_semaphore, #tpu.memory_space<semaphore_mem>>
      %dma_start3A_249 = arith.constant 0 : i32
      %dma_start3A_250 = tpu.memref_slice %arg8[%add3A_10, %dma_start3A_249] : memref<10240x128xf32, #tpu.memory_space<vmem_shared>> -> memref<80x128xf32, #tpu.memory_space<vmem_shared>>
      %dma_start3A_251 = arith.constant 0 : i32
      %dma_start3A_252 = tpu.memref_slice %arg8[%add3A_10, %dma_start3A_251] : memref<10240x128xf32, #tpu.memory_space<vmem_shared>> -> memref<80x128xf32, #tpu.memory_space<vmem_shared>>
      tpu.enqueue_dma source(%arg12 : memref<80x128xf32, #tpu.memory_space<vmem>>) target(%dma_start3A_252 : memref<80x128xf32, #tpu.memory_space<vmem_shared>>) target_semaphore(%run_scoped3A_248 : memref<!tpu.dma_semaphore, #tpu.memory_space<semaphore_mem>>)
      %dma_wait3A_253 = arith.constant 0 : i32
      %dma_wait3A_254 = tpu.memref_slice %arg8[%add3A_10, %dma_wait3A_253] : memref<10240x128xf32, #tpu.memory_space<vmem_shared>> -> memref<80x128xf32, #tpu.memory_space<vmem_shared>>
      %dma_wait3A_255 = arith.constant 0 : i32
      %dma_wait3A_256 = tpu.memref_slice %arg8[%add3A_10, %dma_wait3A_255] : memref<10240x128xf32, #tpu.memory_space<vmem_shared>> -> memref<80x128xf32, #tpu.memory_space<vmem_shared>>
      tpu.wait_dma2 semaphore(%run_scoped3A_248 : memref<!tpu.dma_semaphore, #tpu.memory_space<semaphore_mem>>) src(%arg12 : memref<80x128xf32, #tpu.memory_space<vmem>>) dst(%dma_wait3A_256 : memref<80x128xf32, #tpu.memory_space<vmem_shared>>)
      tpu.yield
    }) : () -> ()
    %add3A_11 = arith.constant 160 : i32
    %add3A_12 = arith.addi %mul3A_2, %add3A_11 : i32
    "tpu.region"() ({
      %run_scoped3A_248 = tpu.sem_alloc : memref<!tpu.dma_semaphore, #tpu.memory_space<semaphore_mem>>
      %dma_start3A_249 = arith.constant 0 : i32
      %dma_start3A_250 = tpu.memref_slice %arg8[%add3A_12, %dma_start3A_249] : memref<10240x128xf32, #tpu.memory_space<vmem_shared>> -> memref<80x128xf32, #tpu.memory_space<vmem_shared>>
      %dma_start3A_251 = arith.constant 0 : i32
      %dma_start3A_252 = tpu.memref_slice %arg8[%add3A_12, %dma_start3A_251] : memref<10240x128xf32, #tpu.memory_space<vmem_shared>> -> memref<80x128xf32, #tpu.memory_space<vmem_shared>>
      tpu.enqueue_dma source(%arg12 : memref<80x128xf32, #tpu.memory_space<vmem>>) target(%dma_start3A_252 : memref<80x128xf32, #tpu.memory_space<vmem_shared>>) target_semaphore(%run_scoped3A_248 : memref<!tpu.dma_semaphore, #tpu.memory_space<semaphore_mem>>)
      %dma_wait3A_253 = arith.constant 0 : i32
      %dma_wait3A_254 = tpu.memref_slice %arg8[%add3A_12, %dma_wait3A_253] : memref<10240x128xf32, #tpu.memory_space<vmem_shared>> -> memref<80x128xf32, #tpu.memory_space<vmem_shared>>
      %dma_wait3A_255 = arith.constant 0 : i32
      %dma_wait3A_256 = tpu.memref_slice %arg8[%add3A_12, %dma_wait3A_255] : memref<10240x128xf32, #tpu.memory_space<vmem_shared>> -> memref<80x128xf32, #tpu.memory_space<vmem_shared>>
      tpu.wait_dma2 semaphore(%run_scoped3A_248 : memref<!tpu.dma_semaphore, #tpu.memory_space<semaphore_mem>>) src(%arg12 : memref<80x128xf32, #tpu.memory_space<vmem>>) dst(%dma_wait3A_256 : memref<80x128xf32, #tpu.memory_space<vmem_shared>>)
      tpu.yield
    }) : () -> ()
    %add3A_13 = arith.constant 240 : i32
    %add3A_14 = arith.addi %mul3A_2, %add3A_13 : i32
    "tpu.region"() ({
      %run_scoped3A_248 = tpu.sem_alloc : memref<!tpu.dma_semaphore, #tpu.memory_space<semaphore_mem>>
      %dma_start3A_249 = arith.constant 0 : i32
      %dma_start3A_250 = tpu.memref_slice %arg8[%add3A_14, %dma_start3A_249] : memref<10240x128xf32, #tpu.memory_space<vmem_shared>> -> memref<80x128xf32, #tpu.memory_space<vmem_shared>>
      %dma_start3A_251 = arith.constant 0 : i32
      %dma_start3A_252 = tpu.memref_slice %arg8[%add3A_14, %dma_start3A_251] : memref<10240x128xf32, #tpu.memory_space<vmem_shared>> -> memref<80x128xf32, #tpu.memory_space<vmem_shared>>
      tpu.enqueue_dma source(%arg12 : memref<80x128xf32, #tpu.memory_space<vmem>>) target(%dma_start3A_252 : memref<80x128xf32, #tpu.memory_space<vmem_shared>>) target_semaphore(%run_scoped3A_248 : memref<!tpu.dma_semaphore, #tpu.memory_space<semaphore_mem>>)
      %dma_wait3A_253 = arith.constant 0 : i32
      %dma_wait3A_254 = tpu.memref_slice %arg8[%add3A_14, %dma_wait3A_253] : memref<10240x128xf32, #tpu.memory_space<vmem_shared>> -> memref<80x128xf32, #tpu.memory_space<vmem_shared>>
      %dma_wait3A_255 = arith.constant 0 : i32
      %dma_wait3A_256 = tpu.memref_slice %arg8[%add3A_14, %dma_wait3A_255] : memref<10240x128xf32, #tpu.memory_space<vmem_shared>> -> memref<80x128xf32, #tpu.memory_space<vmem_shared>>
      tpu.wait_dma2 semaphore(%run_scoped3A_248 : memref<!tpu.dma_semaphore, #tpu.memory_space<semaphore_mem>>) src(%arg12 : memref<80x128xf32, #tpu.memory_space<vmem>>) dst(%dma_wait3A_256 : memref<80x128xf32, #tpu.memory_space<vmem_shared>>)
      tpu.yield
    }) : () -> ()
    %add3A_15 = arith.constant 320 : i32
    %add3A_16 = arith.addi %mul3A_2, %add3A_15 : i32
    "tpu.region"() ({
      %run_scoped3A_248 = tpu.sem_alloc : memref<!tpu.dma_semaphore, #tpu.memory_space<semaphore_mem>>
      %dma_start3A_249 = arith.constant 0 : i32
      %dma_start3A_250 = tpu.memref_slice %arg8[%add3A_16, %dma_start3A_249] : memref<10240x128xf32, #tpu.memory_space<vmem_shared>> -> memref<80x128xf32, #tpu.memory_space<vmem_shared>>
      %dma_start3A_251 = arith.constant 0 : i32
      %dma_start3A_252 = tpu.memref_slice %arg8[%add3A_16, %dma_start3A_251] : memref<10240x128xf32, #tpu.memory_space<vmem_shared>> -> memref<80x128xf32, #tpu.memory_space<vmem_shared>>
      tpu.enqueue_dma source(%arg12 : memref<80x128xf32, #tpu.memory_space<vmem>>) target(%dma_start3A_252 : memref<80x128xf32, #tpu.memory_space<vmem_shared>>) target_semaphore(%run_scoped3A_248 : memref<!tpu.dma_semaphore, #tpu.memory_space<semaphore_mem>>)
      %dma_wait3A_253 = arith.constant 0 : i32
      %dma_wait3A_254 = tpu.memref_slice %arg8[%add3A_16, %dma_wait3A_253] : memref<10240x128xf32, #tpu.memory_space<vmem_shared>> -> memref<80x128xf32, #tpu.memory_space<vmem_shared>>
      %dma_wait3A_255 = arith.constant 0 : i32
      %dma_wait3A_256 = tpu.memref_slice %arg8[%add3A_16, %dma_wait3A_255] : memref<10240x128xf32, #tpu.memory_space<vmem_shared>> -> memref<80x128xf32, #tpu.memory_space<vmem_shared>>
      tpu.wait_dma2 semaphore(%run_scoped3A_248 : memref<!tpu.dma_semaphore, #tpu.memory_space<semaphore_mem>>) src(%arg12 : memref<80x128xf32, #tpu.memory_space<vmem>>) dst(%dma_wait3A_256 : memref<80x128xf32, #tpu.memory_space<vmem_shared>>)
      tpu.yield
    }) : () -> ()
    %add3A_17 = arith.constant 400 : i32
    %add3A_18 = arith.addi %mul3A_2, %add3A_17 : i32
    "tpu.region"() ({
      %run_scoped3A_248 = tpu.sem_alloc : memref<!tpu.dma_semaphore, #tpu.memory_space<semaphore_mem>>
      %dma_start3A_249 = arith.constant 0 : i32
      %dma_start3A_250 = tpu.memref_slice %arg8[%add3A_18, %dma_start3A_249] : memref<10240x128xf32, #tpu.memory_space<vmem_shared>> -> memref<80x128xf32, #tpu.memory_space<vmem_shared>>
      %dma_start3A_251 = arith.constant 0 : i32
      %dma_start3A_252 = tpu.memref_slice %arg8[%add3A_18, %dma_start3A_251] : memref<10240x128xf32, #tpu.memory_space<vmem_shared>> -> memref<80x128xf32, #tpu.memory_space<vmem_shared>>
      tpu.enqueue_dma source(%arg12 : memref<80x128xf32, #tpu.memory_space<vmem>>) target(%dma_start3A_252 : memref<80x128xf32, #tpu.memory_space<vmem_shared>>) target_semaphore(%run_scoped3A_248 : memref<!tpu.dma_semaphore, #tpu.memory_space<semaphore_mem>>)
      %dma_wait3A_253 = arith.constant 0 : i32
      %dma_wait3A_254 = tpu.memref_slice %arg8[%add3A_18, %dma_wait3A_253] : memref<10240x128xf32, #tpu.memory_space<vmem_shared>> -> memref<80x128xf32, #tpu.memory_space<vmem_shared>>
      %dma_wait3A_255 = arith.constant 0 : i32
      %dma_wait3A_256 = tpu.memref_slice %arg8[%add3A_18, %dma_wait3A_255] : memref<10240x128xf32, #tpu.memory_space<vmem_shared>> -> memref<80x128xf32, #tpu.memory_space<vmem_shared>>
      tpu.wait_dma2 semaphore(%run_scoped3A_248 : memref<!tpu.dma_semaphore, #tpu.memory_space<semaphore_mem>>) src(%arg12 : memref<80x128xf32, #tpu.memory_space<vmem>>) dst(%dma_wait3A_256 : memref<80x128xf32, #tpu.memory_space<vmem_shared>>)
      tpu.yield
    }) : () -> ()
    %add3A_19 = arith.constant 480 : i32
    %add3A_20 = arith.addi %mul3A_2, %add3A_19 : i32
    "tpu.region"() ({
      %run_scoped3A_248 = tpu.sem_alloc : memref<!tpu.dma_semaphore, #tpu.memory_space<semaphore_mem>>
      %dma_start3A_249 = arith.constant 0 : i32
      %dma_start3A_250 = tpu.memref_slice %arg8[%add3A_20, %dma_start3A_249] : memref<10240x128xf32, #tpu.memory_space<vmem_shared>> -> memref<80x128xf32, #tpu.memory_space<vmem_shared>>
      %dma_start3A_251 = arith.constant 0 : i32
      %dma_start3A_252 = tpu.memref_slice %arg8[%add3A_20, %dma_start3A_251] : memref<10240x128xf32, #tpu.memory_space<vmem_shared>> -> memref<80x128xf32, #tpu.memory_space<vmem_shared>>
      tpu.enqueue_dma source(%arg12 : memref<80x128xf32, #tpu.memory_space<vmem>>) target(%dma_start3A_252 : memref<80x128xf32, #tpu.memory_space<vmem_shared>>) target_semaphore(%run_scoped3A_248 : memref<!tpu.dma_semaphore, #tpu.memory_space<semaphore_mem>>)
      %dma_wait3A_253 = arith.constant 0 : i32
      %dma_wait3A_254 = tpu.memref_slice %arg8[%add3A_20, %dma_wait3A_253] : memref<10240x128xf32, #tpu.memory_space<vmem_shared>> -> memref<80x128xf32, #tpu.memory_space<vmem_shared>>
      %dma_wait3A_255 = arith.constant 0 : i32
      %dma_wait3A_256 = tpu.memref_slice %arg8[%add3A_20, %dma_wait3A_255] : memref<10240x128xf32, #tpu.memory_space<vmem_shared>> -> memref<80x128xf32, #tpu.memory_space<vmem_shared>>
      tpu.wait_dma2 semaphore(%run_scoped3A_248 : memref<!tpu.dma_semaphore, #tpu.memory_space<semaphore_mem>>) src(%arg12 : memref<80x128xf32, #tpu.memory_space<vmem>>) dst(%dma_wait3A_256 : memref<80x128xf32, #tpu.memory_space<vmem_shared>>)
      tpu.yield
    }) : () -> ()
    %add3A_21 = arith.constant 560 : i32
    %add3A_22 = arith.addi %mul3A_2, %add3A_21 : i32
    "tpu.region"() ({
      %run_scoped3A_248 = tpu.sem_alloc : memref<!tpu.dma_semaphore, #tpu.memory_space<semaphore_mem>>
      %dma_start3A_249 = arith.constant 0 : i32
      %dma_start3A_250 = tpu.memref_slice %arg8[%add3A_22, %dma_start3A_249] : memref<10240x128xf32, #tpu.memory_space<vmem_shared>> -> memref<80x128xf32, #tpu.memory_space<vmem_shared>>
      %dma_start3A_251 = arith.constant 0 : i32
      %dma_start3A_252 = tpu.memref_slice %arg8[%add3A_22, %dma_start3A_251] : memref<10240x128xf32, #tpu.memory_space<vmem_shared>> -> memref<80x128xf32, #tpu.memory_space<vmem_shared>>
      tpu.enqueue_dma source(%arg12 : memref<80x128xf32, #tpu.memory_space<vmem>>) target(%dma_start3A_252 : memref<80x128xf32, #tpu.memory_space<vmem_shared>>) target_semaphore(%run_scoped3A_248 : memref<!tpu.dma_semaphore, #tpu.memory_space<semaphore_mem>>)
      %dma_wait3A_253 = arith.constant 0 : i32
      %dma_wait3A_254 = tpu.memref_slice %arg8[%add3A_22, %dma_wait3A_253] : memref<10240x128xf32, #tpu.memory_space<vmem_shared>> -> memref<80x128xf32, #tpu.memory_space<vmem_shared>>
      %dma_wait3A_255 = arith.constant 0 : i32
      %dma_wait3A_256 = tpu.memref_slice %arg8[%add3A_22, %dma_wait3A_255] : memref<10240x128xf32, #tpu.memory_space<vmem_shared>> -> memref<80x128xf32, #tpu.memory_space<vmem_shared>>
      tpu.wait_dma2 semaphore(%run_scoped3A_248 : memref<!tpu.dma_semaphore, #tpu.memory_space<semaphore_mem>>) src(%arg12 : memref<80x128xf32, #tpu.memory_space<vmem>>) dst(%dma_wait3A_256 : memref<80x128xf32, #tpu.memory_space<vmem_shared>>)
      tpu.yield
    }) : () -> ()
    %barrier3A = arith.constant 0 : index
    tpu.barrier barrier_id(%barrier3A)
    %add3A_23 = arith.constant 0 : i32
    %add3A_24 = arith.addi %add3A_6, %add3A_23 : i32
    "tpu.region"() ({
      %run_scoped3A_248 = tpu.sem_alloc : memref<!tpu.dma_semaphore, #tpu.memory_space<semaphore_mem>>
      %dma_start3A_249 = tpu.memref_slice %arg3[%add3A_24] : memref<640000xi32, #tpu.memory_space<hbm>> -> memref<80xi32, #tpu.memory_space<hbm>>
      %dma_start3A_250 = tpu.memref_slice %arg3[%add3A_24] : memref<640000xi32, #tpu.memory_space<hbm>> -> memref<80xi32, #tpu.memory_space<hbm>>
      tpu.enqueue_dma source(%dma_start3A_250 : memref<80xi32, #tpu.memory_space<hbm>>) target(%arg9 : memref<80xi32, #tpu.memory_space<vmem>>) target_semaphore(%run_scoped3A_248 : memref<!tpu.dma_semaphore, #tpu.memory_space<semaphore_mem>>)
      %dma_wait3A_251 = tpu.memref_slice %arg3[%add3A_24] : memref<640000xi32, #tpu.memory_space<hbm>> -> memref<80xi32, #tpu.memory_space<hbm>>
      %dma_wait3A_252 = tpu.memref_slice %arg3[%add3A_24] : memref<640000xi32, #tpu.memory_space<hbm>> -> memref<80xi32, #tpu.memory_space<hbm>>
      tpu.wait_dma2 semaphore(%run_scoped3A_248 : memref<!tpu.dma_semaphore, #tpu.memory_space<semaphore_mem>>) src(%dma_wait3A_252 : memref<80xi32, #tpu.memory_space<hbm>>) dst(%arg9 : memref<80xi32, #tpu.memory_space<vmem>>)
      tpu.yield
    }) : () -> ()
    %dma_start3A = arith.constant 0 : i32
    %dma_start3A_25 = arith.constant 0 : i32
    %dma_start3A_26 = tpu.memref_slice %arg2[%dma_start3A, %dma_start3A_25] : memref<40000x128xf32, #tpu.memory_space<hbm>> -> memref<40000x128xf32, #tpu.memory_space<hbm>>
    tpu.enqueue_indirect_dma source(%dma_start3A_26 : memref<40000x128xf32, #tpu.memory_space<hbm>>) target(%arg12 : memref<80x128xf32, #tpu.memory_space<vmem>>) offsets(%arg9 : memref<80xi32, #tpu.memory_space<vmem>>) semaphore(%arg14 : memref<!tpu.dma_semaphore, #tpu.memory_space<semaphore_mem>>)
    %add3A_27 = arith.constant 80 : i32
    %add3A_28 = arith.addi %add3A_6, %add3A_27 : i32
    "tpu.region"() ({
      %run_scoped3A_248 = tpu.sem_alloc : memref<!tpu.dma_semaphore, #tpu.memory_space<semaphore_mem>>
      %dma_start3A_249 = tpu.memref_slice %arg3[%add3A_28] : memref<640000xi32, #tpu.memory_space<hbm>> -> memref<80xi32, #tpu.memory_space<hbm>>
      %dma_start3A_250 = tpu.memref_slice %arg3[%add3A_28] : memref<640000xi32, #tpu.memory_space<hbm>> -> memref<80xi32, #tpu.memory_space<hbm>>
      tpu.enqueue_dma source(%dma_start3A_250 : memref<80xi32, #tpu.memory_space<hbm>>) target(%arg10 : memref<80xi32, #tpu.memory_space<vmem>>) target_semaphore(%run_scoped3A_248 : memref<!tpu.dma_semaphore, #tpu.memory_space<semaphore_mem>>)
      %dma_wait3A_251 = tpu.memref_slice %arg3[%add3A_28] : memref<640000xi32, #tpu.memory_space<hbm>> -> memref<80xi32, #tpu.memory_space<hbm>>
      %dma_wait3A_252 = tpu.memref_slice %arg3[%add3A_28] : memref<640000xi32, #tpu.memory_space<hbm>> -> memref<80xi32, #tpu.memory_space<hbm>>
      tpu.wait_dma2 semaphore(%run_scoped3A_248 : memref<!tpu.dma_semaphore, #tpu.memory_space<semaphore_mem>>) src(%dma_wait3A_252 : memref<80xi32, #tpu.memory_space<hbm>>) dst(%arg10 : memref<80xi32, #tpu.memory_space<vmem>>)
      tpu.yield
    }) : () -> ()
    %dma_start3A_29 = arith.constant 0 : i32
    %dma_start3A_30 = arith.constant 0 : i32
    %dma_start3A_31 = tpu.memref_slice %arg2[%dma_start3A_29, %dma_start3A_30] : memref<40000x128xf32, #tpu.memory_space<hbm>> -> memref<40000x128xf32, #tpu.memory_space<hbm>>
    tpu.enqueue_indirect_dma source(%dma_start3A_31 : memref<40000x128xf32, #tpu.memory_space<hbm>>) target(%arg13 : memref<80x128xf32, #tpu.memory_space<vmem>>) offsets(%arg10 : memref<80xi32, #tpu.memory_space<vmem>>) semaphore(%arg15 : memref<!tpu.dma_semaphore, #tpu.memory_space<semaphore_mem>>)
    %scan3A = arith.constant 0 : i32
    %scan3A_32 = arith.constant 0 : i32
    %scan3A_33 = arith.constant 61 : i32
    %scan3A_34 = arith.addi %scan3A_32, %scan3A_33 : i32
    %scan3A_35 = arith.constant 1 : i32
    scf.for %scan3A_248 = %scan3A_32 to %scan3A_34 step %scan3A_35  : i32 {
      %mul3A_249 = arith.constant 2 : i32
      %mul3A_250 = arith.muli %mul3A_249, %scan3A_248 : i32
      %dma_wait3A_251 = arith.constant 0 : i32
      %dma_wait3A_252 = arith.constant 0 : i32
      %dma_wait3A_253 = tpu.memref_slice %arg2[%dma_wait3A_251, %dma_wait3A_252] : memref<40000x128xf32, #tpu.memory_space<hbm>> -> memref<40000x128xf32, #tpu.memory_space<hbm>>
      tpu.wait_indirect_dma semaphore(%arg14 : memref<!tpu.dma_semaphore, #tpu.memory_space<semaphore_mem>>) src(%dma_wait3A_253 : memref<40000x128xf32, #tpu.memory_space<hbm>>) dst(%arg12 : memref<80x128xf32, #tpu.memory_space<vmem>>)
      "tpu.region"() ({
        %run_scoped3A_281 = tpu.sem_alloc : memref<!tpu.dma_semaphore, #tpu.memory_space<semaphore_mem>>
        %dma_start3A_282 = arith.constant 0 : i32
        %dma_start3A_283 = tpu.memref_slice %arg11[%mul3A_250, %dma_start3A_282] : memref<125x80xi32, #tpu.memory_space<vmem>> -> memref<1x80xi32, #tpu.memory_space<vmem>>
        %dma_start3A_284 = tpu.memref_squeeze %dma_start3A_283 : memref<1x80xi32, #tpu.memory_space<vmem>> -> memref<80xi32, #tpu.memory_space<vmem>>
        %dma_start3A_285 = arith.constant 0 : i32
        %dma_start3A_286 = arith.constant 0 : i32
        %dma_start3A_287 = tpu.memref_slice %arg8[%dma_start3A_285, %dma_start3A_286] : memref<10240x128xf32, #tpu.memory_space<vmem_shared>> -> memref<10240x128xf32, #tpu.memory_space<vmem_shared>>
        tpu.enqueue_indirect_dma source(%arg12 : memref<80x128xf32, #tpu.memory_space<vmem>>) target(%dma_start3A_287 : memref<10240x128xf32, #tpu.memory_space<vmem_shared>>) offsets(%dma_start3A_284 : memref<80xi32, #tpu.memory_space<vmem>>) semaphore(%run_scoped3A_281 : memref<!tpu.dma_semaphore, #tpu.memory_space<semaphore_mem>>) {add = true}
        %dma_wait3A_288 = arith.constant 0 : i32
        %dma_wait3A_289 = tpu.memref_slice %arg11[%mul3A_250, %dma_wait3A_288] : memref<125x80xi32, #tpu.memory_space<vmem>> -> memref<1x80xi32, #tpu.memory_space<vmem>>
        %dma_wait3A_290 = tpu.memref_squeeze %dma_wait3A_289 : memref<1x80xi32, #tpu.memory_space<vmem>> -> memref<80xi32, #tpu.memory_space<vmem>>
        %dma_wait3A_291 = arith.constant 0 : i32
        %dma_wait3A_292 = arith.constant 0 : i32
        %dma_wait3A_293 = tpu.memref_slice %arg8[%dma_wait3A_291, %dma_wait3A_292] : memref<10240x128xf32, #tpu.memory_space<vmem_shared>> -> memref<10240x128xf32, #tpu.memory_space<vmem_shared>>
        tpu.wait_indirect_dma semaphore(%run_scoped3A_281 : memref<!tpu.dma_semaphore, #tpu.memory_space<semaphore_mem>>) src(%arg12 : memref<80x128xf32, #tpu.memory_space<vmem>>) dst(%dma_wait3A_293 : memref<10240x128xf32, #tpu.memory_space<vmem_shared>>)
        tpu.yield
      }) : () -> ()
      %mul3A_254 = arith.constant 2 : i32
      %mul3A_255 = arith.muli %mul3A_254, %scan3A_248 : i32
      %add3A_256 = arith.constant 2 : i32
      %add3A_257 = arith.addi %mul3A_255, %add3A_256 : i32
      %mul3A_258 = arith.constant 80 : i32
      %mul3A_259 = arith.muli %add3A_257, %mul3A_258 : i32
      %add3A_260 = arith.addi %add3A_6, %mul3A_259 : i32
      "tpu.region"() ({
        %run_scoped3A_281 = tpu.sem_alloc : memref<!tpu.dma_semaphore, #tpu.memory_space<semaphore_mem>>
        %dma_start3A_282 = tpu.memref_slice %arg3[%add3A_260] : memref<640000xi32, #tpu.memory_space<hbm>> -> memref<80xi32, #tpu.memory_space<hbm>>
        %dma_start3A_283 = tpu.memref_slice %arg3[%add3A_260] : memref<640000xi32, #tpu.memory_space<hbm>> -> memref<80xi32, #tpu.memory_space<hbm>>
        tpu.enqueue_dma source(%dma_start3A_283 : memref<80xi32, #tpu.memory_space<hbm>>) target(%arg9 : memref<80xi32, #tpu.memory_space<vmem>>) target_semaphore(%run_scoped3A_281 : memref<!tpu.dma_semaphore, #tpu.memory_space<semaphore_mem>>)
        %dma_wait3A_284 = tpu.memref_slice %arg3[%add3A_260] : memref<640000xi32, #tpu.memory_space<hbm>> -> memref<80xi32, #tpu.memory_space<hbm>>
        %dma_wait3A_285 = tpu.memref_slice %arg3[%add3A_260] : memref<640000xi32, #tpu.memory_space<hbm>> -> memref<80xi32, #tpu.memory_space<hbm>>
        tpu.wait_dma2 semaphore(%run_scoped3A_281 : memref<!tpu.dma_semaphore, #tpu.memory_space<semaphore_mem>>) src(%dma_wait3A_285 : memref<80xi32, #tpu.memory_space<hbm>>) dst(%arg9 : memref<80xi32, #tpu.memory_space<vmem>>)
        tpu.yield
      }) : () -> ()
      %dma_start3A_261 = arith.constant 0 : i32
      %dma_start3A_262 = arith.constant 0 : i32
      %dma_start3A_263 = tpu.memref_slice %arg2[%dma_start3A_261, %dma_start3A_262] : memref<40000x128xf32, #tpu.memory_space<hbm>> -> memref<40000x128xf32, #tpu.memory_space<hbm>>
      tpu.enqueue_indirect_dma source(%dma_start3A_263 : memref<40000x128xf32, #tpu.memory_space<hbm>>) target(%arg12 : memref<80x128xf32, #tpu.memory_space<vmem>>) offsets(%arg9 : memref<80xi32, #tpu.memory_space<vmem>>) semaphore(%arg14 : memref<!tpu.dma_semaphore, #tpu.memory_space<semaphore_mem>>)
      %mul3A_264 = arith.constant 2 : i32
      %mul3A_265 = arith.muli %mul3A_264, %scan3A_248 : i32
      %add3A_266 = arith.constant 1 : i32
      %add3A_267 = arith.addi %mul3A_265, %add3A_266 : i32
      %dma_wait3A_268 = arith.constant 0 : i32
      %dma_wait3A_269 = arith.constant 0 : i32
      %dma_wait3A_270 = tpu.memref_slice %arg2[%dma_wait3A_268, %dma_wait3A_269] : memref<40000x128xf32, #tpu.memory_space<hbm>> -> memref<40000x128xf32, #tpu.memory_space<hbm>>
      tpu.wait_indirect_dma semaphore(%arg15 : memref<!tpu.dma_semaphore, #tpu.memory_space<semaphore_mem>>) src(%dma_wait3A_270 : memref<40000x128xf32, #tpu.memory_space<hbm>>) dst(%arg13 : memref<80x128xf32, #tpu.memory_space<vmem>>)
      "tpu.region"() ({
        %run_scoped3A_281 = tpu.sem_alloc : memref<!tpu.dma_semaphore, #tpu.memory_space<semaphore_mem>>
        %dma_start3A_282 = arith.constant 0 : i32
        %dma_start3A_283 = tpu.memref_slice %arg11[%add3A_267, %dma_start3A_282] : memref<125x80xi32, #tpu.memory_space<vmem>> -> memref<1x80xi32, #tpu.memory_space<vmem>>
        %dma_start3A_284 = tpu.memref_squeeze %dma_start3A_283 : memref<1x80xi32, #tpu.memory_space<vmem>> -> memref<80xi32, #tpu.memory_space<vmem>>
        %dma_start3A_285 = arith.constant 0 : i32
        %dma_start3A_286 = arith.constant 0 : i32
        %dma_start3A_287 = tpu.memref_slice %arg8[%dma_start3A_285, %dma_start3A_286] : memref<10240x128xf32, #tpu.memory_space<vmem_shared>> -> memref<10240x128xf32, #tpu.memory_space<vmem_shared>>
        tpu.enqueue_indirect_dma source(%arg13 : memref<80x128xf32, #tpu.memory_space<vmem>>) target(%dma_start3A_287 : memref<10240x128xf32, #tpu.memory_space<vmem_shared>>) offsets(%dma_start3A_284 : memref<80xi32, #tpu.memory_space<vmem>>) semaphore(%run_scoped3A_281 : memref<!tpu.dma_semaphore, #tpu.memory_space<semaphore_mem>>) {add = true}
        %dma_wait3A_288 = arith.constant 0 : i32
        %dma_wait3A_289 = tpu.memref_slice %arg11[%add3A_267, %dma_wait3A_288] : memref<125x80xi32, #tpu.memory_space<vmem>> -> memref<1x80xi32, #tpu.memory_space<vmem>>
        %dma_wait3A_290 = tpu.memref_squeeze %dma_wait3A_289 : memref<1x80xi32, #tpu.memory_space<vmem>> -> memref<80xi32, #tpu.memory_space<vmem>>
        %dma_wait3A_291 = arith.constant 0 : i32
        %dma_wait3A_292 = arith.constant 0 : i32
        %dma_wait3A_293 = tpu.memref_slice %arg8[%dma_wait3A_291, %dma_wait3A_292] : memref<10240x128xf32, #tpu.memory_space<vmem_shared>> -> memref<10240x128xf32, #tpu.memory_space<vmem_shared>>
        tpu.wait_indirect_dma semaphore(%run_scoped3A_281 : memref<!tpu.dma_semaphore, #tpu.memory_space<semaphore_mem>>) src(%arg13 : memref<80x128xf32, #tpu.memory_space<vmem>>) dst(%dma_wait3A_293 : memref<10240x128xf32, #tpu.memory_space<vmem_shared>>)
        tpu.yield
      }) : () -> ()
      %mul3A_271 = arith.constant 2 : i32
      %mul3A_272 = arith.muli %mul3A_271, %scan3A_248 : i32
      %add3A_273 = arith.constant 3 : i32
      %add3A_274 = arith.addi %mul3A_272, %add3A_273 : i32
      %mul3A_275 = arith.constant 80 : i32
      %mul3A_276 = arith.muli %add3A_274, %mul3A_275 : i32
      %add3A_277 = arith.addi %add3A_6, %mul3A_276 : i32
      "tpu.region"() ({
        %run_scoped3A_281 = tpu.sem_alloc : memref<!tpu.dma_semaphore, #tpu.memory_space<semaphore_mem>>
        %dma_start3A_282 = tpu.memref_slice %arg3[%add3A_277] : memref<640000xi32, #tpu.memory_space<hbm>> -> memref<80xi32, #tpu.memory_space<hbm>>
        %dma_start3A_283 = tpu.memref_slice %arg3[%add3A_277] : memref<640000xi32, #tpu.memory_space<hbm>> -> memref<80xi32, #tpu.memory_space<hbm>>
        tpu.enqueue_dma source(%dma_start3A_283 : memref<80xi32, #tpu.memory_space<hbm>>) target(%arg10 : memref<80xi32, #tpu.memory_space<vmem>>) target_semaphore(%run_scoped3A_281 : memref<!tpu.dma_semaphore, #tpu.memory_space<semaphore_mem>>)
        %dma_wait3A_284 = tpu.memref_slice %arg3[%add3A_277] : memref<640000xi32, #tpu.memory_space<hbm>> -> memref<80xi32, #tpu.memory_space<hbm>>
        %dma_wait3A_285 = tpu.memref_slice %arg3[%add3A_277] : memref<640000xi32, #tpu.memory_space<hbm>> -> memref<80xi32, #tpu.memory_space<hbm>>
        tpu.wait_dma2 semaphore(%run_scoped3A_281 : memref<!tpu.dma_semaphore, #tpu.memory_space<semaphore_mem>>) src(%dma_wait3A_285 : memref<80xi32, #tpu.memory_space<hbm>>) dst(%arg10 : memref<80xi32, #tpu.memory_space<vmem>>)
        tpu.yield
      }) : () -> ()
      %dma_start3A_278 = arith.constant 0 : i32
      %dma_start3A_279 = arith.constant 0 : i32
      %dma_start3A_280 = tpu.memref_slice %arg2[%dma_start3A_278, %dma_start3A_279] : memref<40000x128xf32, #tpu.memory_space<hbm>> -> memref<40000x128xf32, #tpu.memory_space<hbm>>
      tpu.enqueue_indirect_dma source(%dma_start3A_280 : memref<40000x128xf32, #tpu.memory_space<hbm>>) target(%arg13 : memref<80x128xf32, #tpu.memory_space<vmem>>) offsets(%arg10 : memref<80xi32, #tpu.memory_space<vmem>>) semaphore(%arg15 : memref<!tpu.dma_semaphore, #tpu.memory_space<semaphore_mem>>)
    }
    %scan3A_36 = arith.constant 61 : i32
    %dma_wait3A = arith.constant 0 : i32
    %dma_wait3A_37 = arith.constant 0 : i32
    %dma_wait3A_38 = tpu.memref_slice %arg2[%dma_wait3A, %dma_wait3A_37] : memref<40000x128xf32, #tpu.memory_space<hbm>> -> memref<40000x128xf32, #tpu.memory_space<hbm>>
    tpu.wait_indirect_dma semaphore(%arg14 : memref<!tpu.dma_semaphore, #tpu.memory_space<semaphore_mem>>) src(%dma_wait3A_38 : memref<40000x128xf32, #tpu.memory_space<hbm>>) dst(%arg12 : memref<80x128xf32, #tpu.memory_space<vmem>>)
    %run_scoped3A = arith.constant 122 : i32
    "tpu.region"() ({
      %run_scoped3A_248 = tpu.sem_alloc : memref<!tpu.dma_semaphore, #tpu.memory_space<semaphore_mem>>
      %dma_start3A_249 = arith.constant 0 : i32
      %dma_start3A_250 = tpu.memref_slice %arg11[%run_scoped3A, %dma_start3A_249] : memref<125x80xi32, #tpu.memory_space<vmem>> -> memref<1x80xi32, #tpu.memory_space<vmem>>
      %dma_start3A_251 = tpu.memref_squeeze %dma_start3A_250 : memref<1x80xi32, #tpu.memory_space<vmem>> -> memref<80xi32, #tpu.memory_space<vmem>>
      %dma_start3A_252 = arith.constant 0 : i32
      %dma_start3A_253 = arith.constant 0 : i32
      %dma_start3A_254 = tpu.memref_slice %arg8[%dma_start3A_252, %dma_start3A_253] : memref<10240x128xf32, #tpu.memory_space<vmem_shared>> -> memref<10240x128xf32, #tpu.memory_space<vmem_shared>>
      tpu.enqueue_indirect_dma source(%arg12 : memref<80x128xf32, #tpu.memory_space<vmem>>) target(%dma_start3A_254 : memref<10240x128xf32, #tpu.memory_space<vmem_shared>>) offsets(%dma_start3A_251 : memref<80xi32, #tpu.memory_space<vmem>>) semaphore(%run_scoped3A_248 : memref<!tpu.dma_semaphore, #tpu.memory_space<semaphore_mem>>) {add = true}
      %dma_wait3A_255 = arith.constant 0 : i32
      %dma_wait3A_256 = tpu.memref_slice %arg11[%run_scoped3A, %dma_wait3A_255] : memref<125x80xi32, #tpu.memory_space<vmem>> -> memref<1x80xi32, #tpu.memory_space<vmem>>
      %dma_wait3A_257 = tpu.memref_squeeze %dma_wait3A_256 : memref<1x80xi32, #tpu.memory_space<vmem>> -> memref<80xi32, #tpu.memory_space<vmem>>
      %dma_wait3A_258 = arith.constant 0 : i32
      %dma_wait3A_259 = arith.constant 0 : i32
      %dma_wait3A_260 = tpu.memref_slice %arg8[%dma_wait3A_258, %dma_wait3A_259] : memref<10240x128xf32, #tpu.memory_space<vmem_shared>> -> memref<10240x128xf32, #tpu.memory_space<vmem_shared>>
      tpu.wait_indirect_dma semaphore(%run_scoped3A_248 : memref<!tpu.dma_semaphore, #tpu.memory_space<semaphore_mem>>) src(%arg12 : memref<80x128xf32, #tpu.memory_space<vmem>>) dst(%dma_wait3A_260 : memref<10240x128xf32, #tpu.memory_space<vmem_shared>>)
      tpu.yield
    }) : () -> ()
    %dma_wait3A_39 = arith.constant 0 : i32
    %dma_wait3A_40 = arith.constant 0 : i32
    %dma_wait3A_41 = tpu.memref_slice %arg2[%dma_wait3A_39, %dma_wait3A_40] : memref<40000x128xf32, #tpu.memory_space<hbm>> -> memref<40000x128xf32, #tpu.memory_space<hbm>>
    tpu.wait_indirect_dma semaphore(%arg15 : memref<!tpu.dma_semaphore, #tpu.memory_space<semaphore_mem>>) src(%dma_wait3A_41 : memref<40000x128xf32, #tpu.memory_space<hbm>>) dst(%arg13 : memref<80x128xf32, #tpu.memory_space<vmem>>)
    %run_scoped3A_42 = arith.constant 123 : i32
    "tpu.region"() ({
      %run_scoped3A_248 = tpu.sem_alloc : memref<!tpu.dma_semaphore, #tpu.memory_space<semaphore_mem>>
      %dma_start3A_249 = arith.constant 0 : i32
      %dma_start3A_250 = tpu.memref_slice %arg11[%run_scoped3A_42, %dma_start3A_249] : memref<125x80xi32, #tpu.memory_space<vmem>> -> memref<1x80xi32, #tpu.memory_space<vmem>>
      %dma_start3A_251 = tpu.memref_squeeze %dma_start3A_250 : memref<1x80xi32, #tpu.memory_space<vmem>> -> memref<80xi32, #tpu.memory_space<vmem>>
      %dma_start3A_252 = arith.constant 0 : i32
      %dma_start3A_253 = arith.constant 0 : i32
      %dma_start3A_254 = tpu.memref_slice %arg8[%dma_start3A_252, %dma_start3A_253] : memref<10240x128xf32, #tpu.memory_space<vmem_shared>> -> memref<10240x128xf32, #tpu.memory_space<vmem_shared>>
      tpu.enqueue_indirect_dma source(%arg13 : memref<80x128xf32, #tpu.memory_space<vmem>>) target(%dma_start3A_254 : memref<10240x128xf32, #tpu.memory_space<vmem_shared>>) offsets(%dma_start3A_251 : memref<80xi32, #tpu.memory_space<vmem>>) semaphore(%run_scoped3A_248 : memref<!tpu.dma_semaphore, #tpu.memory_space<semaphore_mem>>) {add = true}
      %dma_wait3A_255 = arith.constant 0 : i32
      %dma_wait3A_256 = tpu.memref_slice %arg11[%run_scoped3A_42, %dma_wait3A_255] : memref<125x80xi32, #tpu.memory_space<vmem>> -> memref<1x80xi32, #tpu.memory_space<vmem>>
      %dma_wait3A_257 = tpu.memref_squeeze %dma_wait3A_256 : memref<1x80xi32, #tpu.memory_space<vmem>> -> memref<80xi32, #tpu.memory_space<vmem>>
      %dma_wait3A_258 = arith.constant 0 : i32
      %dma_wait3A_259 = arith.constant 0 : i32
      %dma_wait3A_260 = tpu.memref_slice %arg8[%dma_wait3A_258, %dma_wait3A_259] : memref<10240x128xf32, #tpu.memory_space<vmem_shared>> -> memref<10240x128xf32, #tpu.memory_space<vmem_shared>>
      tpu.wait_indirect_dma semaphore(%run_scoped3A_248 : memref<!tpu.dma_semaphore, #tpu.memory_space<semaphore_mem>>) src(%arg13 : memref<80x128xf32, #tpu.memory_space<vmem>>) dst(%dma_wait3A_260 : memref<10240x128xf32, #tpu.memory_space<vmem_shared>>)
      tpu.yield
    }) : () -> ()
    %add3A_43 = arith.constant 9920 : i32
    %add3A_44 = arith.addi %add3A_6, %add3A_43 : i32
    "tpu.region"() ({
      %run_scoped3A_248 = tpu.sem_alloc : memref<!tpu.dma_semaphore, #tpu.memory_space<semaphore_mem>>
      %dma_start3A_249 = tpu.memref_slice %arg3[%add3A_44] : memref<640000xi32, #tpu.memory_space<hbm>> -> memref<80xi32, #tpu.memory_space<hbm>>
      %dma_start3A_250 = tpu.memref_slice %arg3[%add3A_44] : memref<640000xi32, #tpu.memory_space<hbm>> -> memref<80xi32, #tpu.memory_space<hbm>>
      tpu.enqueue_dma source(%dma_start3A_250 : memref<80xi32, #tpu.memory_space<hbm>>) target(%arg9 : memref<80xi32, #tpu.memory_space<vmem>>) target_semaphore(%run_scoped3A_248 : memref<!tpu.dma_semaphore, #tpu.memory_space<semaphore_mem>>)
      %dma_wait3A_251 = tpu.memref_slice %arg3[%add3A_44] : memref<640000xi32, #tpu.memory_space<hbm>> -> memref<80xi32, #tpu.memory_space<hbm>>
      %dma_wait3A_252 = tpu.memref_slice %arg3[%add3A_44] : memref<640000xi32, #tpu.memory_space<hbm>> -> memref<80xi32, #tpu.memory_space<hbm>>
      tpu.wait_dma2 semaphore(%run_scoped3A_248 : memref<!tpu.dma_semaphore, #tpu.memory_space<semaphore_mem>>) src(%dma_wait3A_252 : memref<80xi32, #tpu.memory_space<hbm>>) dst(%arg9 : memref<80xi32, #tpu.memory_space<vmem>>)
      tpu.yield
    }) : () -> ()
    %dma_start3A_45 = arith.constant 0 : i32
    %dma_start3A_46 = arith.constant 0 : i32
    %dma_start3A_47 = tpu.memref_slice %arg2[%dma_start3A_45, %dma_start3A_46] : memref<40000x128xf32, #tpu.memory_space<hbm>> -> memref<40000x128xf32, #tpu.memory_space<hbm>>
    tpu.enqueue_indirect_dma source(%dma_start3A_47 : memref<40000x128xf32, #tpu.memory_space<hbm>>) target(%arg12 : memref<80x128xf32, #tpu.memory_space<vmem>>) offsets(%arg9 : memref<80xi32, #tpu.memory_space<vmem>>) semaphore(%arg14 : memref<!tpu.dma_semaphore, #tpu.memory_space<semaphore_mem>>)
    %dma_wait3A_48 = arith.constant 0 : i32
    %dma_wait3A_49 = arith.constant 0 : i32
    %dma_wait3A_50 = tpu.memref_slice %arg2[%dma_wait3A_48, %dma_wait3A_49] : memref<40000x128xf32, #tpu.memory_space<hbm>> -> memref<40000x128xf32, #tpu.memory_space<hbm>>
    tpu.wait_indirect_dma semaphore(%arg14 : memref<!tpu.dma_semaphore, #tpu.memory_space<semaphore_mem>>) src(%dma_wait3A_50 : memref<40000x128xf32, #tpu.memory_space<hbm>>) dst(%arg12 : memref<80x128xf32, #tpu.memory_space<vmem>>)
    %run_scoped3A_51 = arith.constant 124 : i32
    "tpu.region"() ({
      %run_scoped3A_248 = tpu.sem_alloc : memref<!tpu.dma_semaphore, #tpu.memory_space<semaphore_mem>>
      %dma_start3A_249 = arith.constant 0 : i32
      %dma_start3A_250 = tpu.memref_slice %arg11[%run_scoped3A_51, %dma_start3A_249] : memref<125x80xi32, #tpu.memory_space<vmem>> -> memref<1x80xi32, #tpu.memory_space<vmem>>
      %dma_start3A_251 = tpu.memref_squeeze %dma_start3A_250 : memref<1x80xi32, #tpu.memory_space<vmem>> -> memref<80xi32, #tpu.memory_space<vmem>>
      %dma_start3A_252 = arith.constant 0 : i32
      %dma_start3A_253 = arith.constant 0 : i32
      %dma_start3A_254 = tpu.memref_slice %arg8[%dma_start3A_252, %dma_start3A_253] : memref<10240x128xf32, #tpu.memory_space<vmem_shared>> -> memref<10240x128xf32, #tpu.memory_space<vmem_shared>>
      tpu.enqueue_indirect_dma source(%arg12 : memref<80x128xf32, #tpu.memory_space<vmem>>) target(%dma_start3A_254 : memref<10240x128xf32, #tpu.memory_space<vmem_shared>>) offsets(%dma_start3A_251 : memref<80xi32, #tpu.memory_space<vmem>>) semaphore(%run_scoped3A_248 : memref<!tpu.dma_semaphore, #tpu.memory_space<semaphore_mem>>) {add = true}
      %dma_wait3A_255 = arith.constant 0 : i32
      %dma_wait3A_256 = tpu.memref_slice %arg11[%run_scoped3A_51, %dma_wait3A_255] : memref<125x80xi32, #tpu.memory_space<vmem>> -> memref<1x80xi32, #tpu.memory_space<vmem>>
      %dma_wait3A_257 = tpu.memref_squeeze %dma_wait3A_256 : memref<1x80xi32, #tpu.memory_space<vmem>> -> memref<80xi32, #tpu.memory_space<vmem>>
      %dma_wait3A_258 = arith.constant 0 : i32
      %dma_wait3A_259 = arith.constant 0 : i32
      %dma_wait3A_260 = tpu.memref_slice %arg8[%dma_wait3A_258, %dma_wait3A_259] : memref<10240x128xf32, #tpu.memory_space<vmem_shared>> -> memref<10240x128xf32, #tpu.memory_space<vmem_shared>>
      tpu.wait_indirect_dma semaphore(%run_scoped3A_248 : memref<!tpu.dma_semaphore, #tpu.memory_space<semaphore_mem>>) src(%arg12 : memref<80x128xf32, #tpu.memory_space<vmem>>) dst(%dma_wait3A_260 : memref<10240x128xf32, #tpu.memory_space<vmem_shared>>)
      tpu.yield
    }) : () -> ()
    %barrier3A_52 = arith.constant 0 : index
    tpu.barrier barrier_id(%barrier3A_52)
    %mul3A_53 = arith.constant 10240 : i32
    %mul3A_54 = arith.muli %add3A_3, %mul3A_53 : i32
    %add3A_55 = arith.addi %mul3A_54, %mul3A_2 : i32
    %add3A_56 = arith.constant 0 : i32
    %add3A_57 = arith.addi %mul3A_2, %add3A_56 : i32
    "tpu.region"() ({
      %run_scoped3A_248 = tpu.sem_alloc : memref<!tpu.dma_semaphore, #tpu.memory_space<semaphore_mem>>
      %dma_start3A_249 = arith.constant 0 : i32
      %dma_start3A_250 = tpu.memref_slice %arg8[%add3A_57, %dma_start3A_249] : memref<10240x128xf32, #tpu.memory_space<vmem_shared>> -> memref<80x128xf32, #tpu.memory_space<vmem_shared>>
      %dma_start3A_251 = arith.constant 0 : i32
      %dma_start3A_252 = tpu.memref_slice %arg8[%add3A_57, %dma_start3A_251] : memref<10240x128xf32, #tpu.memory_space<vmem_shared>> -> memref<80x128xf32, #tpu.memory_space<vmem_shared>>
      tpu.enqueue_dma source(%dma_start3A_252 : memref<80x128xf32, #tpu.memory_space<vmem_shared>>) target(%arg12 : memref<80x128xf32, #tpu.memory_space<vmem>>) target_semaphore(%run_scoped3A_248 : memref<!tpu.dma_semaphore, #tpu.memory_space<semaphore_mem>>)
      %dma_wait3A_253 = arith.constant 0 : i32
      %dma_wait3A_254 = tpu.memref_slice %arg8[%add3A_57, %dma_wait3A_253] : memref<10240x128xf32, #tpu.memory_space<vmem_shared>> -> memref<80x128xf32, #tpu.memory_space<vmem_shared>>
      %dma_wait3A_255 = arith.constant 0 : i32
      %dma_wait3A_256 = tpu.memref_slice %arg8[%add3A_57, %dma_wait3A_255] : memref<10240x128xf32, #tpu.memory_space<vmem_shared>> -> memref<80x128xf32, #tpu.memory_space<vmem_shared>>
      tpu.wait_dma2 semaphore(%run_scoped3A_248 : memref<!tpu.dma_semaphore, #tpu.memory_space<semaphore_mem>>) src(%dma_wait3A_256 : memref<80x128xf32, #tpu.memory_space<vmem_shared>>) dst(%arg12 : memref<80x128xf32, #tpu.memory_space<vmem>>)
      tpu.yield
    }) : () -> ()
    %add3A_58 = arith.constant 0 : i32
    %add3A_59 = arith.addi %add3A_55, %add3A_58 : i32
    "tpu.region"() ({
      %run_scoped3A_248 = tpu.sem_alloc : memref<!tpu.dma_semaphore, #tpu.memory_space<semaphore_mem>>
      %dma_start3A_249 = arith.constant 0 : i32
      %dma_start3A_250 = tpu.memref_slice %arg7[%add3A_59, %dma_start3A_249] : memref<61440x128xf32, #tpu.memory_space<hbm>> -> memref<80x128xf32, #tpu.memory_space<hbm>>
      %dma_start3A_251 = arith.constant 0 : i32
      %dma_start3A_252 = tpu.memref_slice %arg7[%add3A_59, %dma_start3A_251] : memref<61440x128xf32, #tpu.memory_space<hbm>> -> memref<80x128xf32, #tpu.memory_space<hbm>>
      tpu.enqueue_dma source(%arg12 : memref<80x128xf32, #tpu.memory_space<vmem>>) target(%dma_start3A_252 : memref<80x128xf32, #tpu.memory_space<hbm>>) target_semaphore(%run_scoped3A_248 : memref<!tpu.dma_semaphore, #tpu.memory_space<semaphore_mem>>)
      %dma_wait3A_253 = arith.constant 0 : i32
      %dma_wait3A_254 = tpu.memref_slice %arg7[%add3A_59, %dma_wait3A_253] : memref<61440x128xf32, #tpu.memory_space<hbm>> -> memref<80x128xf32, #tpu.memory_space<hbm>>
      %dma_wait3A_255 = arith.constant 0 : i32
      %dma_wait3A_256 = tpu.memref_slice %arg7[%add3A_59, %dma_wait3A_255] : memref<61440x128xf32, #tpu.memory_space<hbm>> -> memref<80x128xf32, #tpu.memory_space<hbm>>
      tpu.wait_dma2 semaphore(%run_scoped3A_248 : memref<!tpu.dma_semaphore, #tpu.memory_space<semaphore_mem>>) src(%arg12 : memref<80x128xf32, #tpu.memory_space<vmem>>) dst(%dma_wait3A_256 : memref<80x128xf32, #tpu.memory_space<hbm>>)
      tpu.yield
    }) : () -> ()
    %add3A_60 = arith.constant 80 : i32
    %add3A_61 = arith.addi %mul3A_2, %add3A_60 : i32
    "tpu.region"() ({
      %run_scoped3A_248 = tpu.sem_alloc : memref<!tpu.dma_semaphore, #tpu.memory_space<semaphore_mem>>
      %dma_start3A_249 = arith.constant 0 : i32
      %dma_start3A_250 = tpu.memref_slice %arg8[%add3A_61, %dma_start3A_249] : memref<10240x128xf32, #tpu.memory_space<vmem_shared>> -> memref<80x128xf32, #tpu.memory_space<vmem_shared>>
      %dma_start3A_251 = arith.constant 0 : i32
      %dma_start3A_252 = tpu.memref_slice %arg8[%add3A_61, %dma_start3A_251] : memref<10240x128xf32, #tpu.memory_space<vmem_shared>> -> memref<80x128xf32, #tpu.memory_space<vmem_shared>>
      tpu.enqueue_dma source(%dma_start3A_252 : memref<80x128xf32, #tpu.memory_space<vmem_shared>>) target(%arg12 : memref<80x128xf32, #tpu.memory_space<vmem>>) target_semaphore(%run_scoped3A_248 : memref<!tpu.dma_semaphore, #tpu.memory_space<semaphore_mem>>)
      %dma_wait3A_253 = arith.constant 0 : i32
      %dma_wait3A_254 = tpu.memref_slice %arg8[%add3A_61, %dma_wait3A_253] : memref<10240x128xf32, #tpu.memory_space<vmem_shared>> -> memref<80x128xf32, #tpu.memory_space<vmem_shared>>
      %dma_wait3A_255 = arith.constant 0 : i32
      %dma_wait3A_256 = tpu.memref_slice %arg8[%add3A_61, %dma_wait3A_255] : memref<10240x128xf32, #tpu.memory_space<vmem_shared>> -> memref<80x128xf32, #tpu.memory_space<vmem_shared>>
      tpu.wait_dma2 semaphore(%run_scoped3A_248 : memref<!tpu.dma_semaphore, #tpu.memory_space<semaphore_mem>>) src(%dma_wait3A_256 : memref<80x128xf32, #tpu.memory_space<vmem_shared>>) dst(%arg12 : memref<80x128xf32, #tpu.memory_space<vmem>>)
      tpu.yield
    }) : () -> ()
    %add3A_62 = arith.constant 80 : i32
    %add3A_63 = arith.addi %add3A_55, %add3A_62 : i32
    "tpu.region"() ({
      %run_scoped3A_248 = tpu.sem_alloc : memref<!tpu.dma_semaphore, #tpu.memory_space<semaphore_mem>>
      %dma_start3A_249 = arith.constant 0 : i32
      %dma_start3A_250 = tpu.memref_slice %arg7[%add3A_63, %dma_start3A_249] : memref<61440x128xf32, #tpu.memory_space<hbm>> -> memref<80x128xf32, #tpu.memory_space<hbm>>
      %dma_start3A_251 = arith.constant 0 : i32
      %dma_start3A_252 = tpu.memref_slice %arg7[%add3A_63, %dma_start3A_251] : memref<61440x128xf32, #tpu.memory_space<hbm>> -> memref<80x128xf32, #tpu.memory_space<hbm>>
      tpu.enqueue_dma source(%arg12 : memref<80x128xf32, #tpu.memory_space<vmem>>) target(%dma_start3A_252 : memref<80x128xf32, #tpu.memory_space<hbm>>) target_semaphore(%run_scoped3A_248 : memref<!tpu.dma_semaphore, #tpu.memory_space<semaphore_mem>>)
      %dma_wait3A_253 = arith.constant 0 : i32
      %dma_wait3A_254 = tpu.memref_slice %arg7[%add3A_63, %dma_wait3A_253] : memref<61440x128xf32, #tpu.memory_space<hbm>> -> memref<80x128xf32, #tpu.memory_space<hbm>>
      %dma_wait3A_255 = arith.constant 0 : i32
      %dma_wait3A_256 = tpu.memref_slice %arg7[%add3A_63, %dma_wait3A_255] : memref<61440x128xf32, #tpu.memory_space<hbm>> -> memref<80x128xf32, #tpu.memory_space<hbm>>
      tpu.wait_dma2 semaphore(%run_scoped3A_248 : memref<!tpu.dma_semaphore, #tpu.memory_space<semaphore_mem>>) src(%arg12 : memref<80x128xf32, #tpu.memory_space<vmem>>) dst(%dma_wait3A_256 : memref<80x128xf32, #tpu.memory_space<hbm>>)
      tpu.yield
    }) : () -> ()
    %add3A_64 = arith.constant 160 : i32
    %add3A_65 = arith.addi %mul3A_2, %add3A_64 : i32
    "tpu.region"() ({
      %run_scoped3A_248 = tpu.sem_alloc : memref<!tpu.dma_semaphore, #tpu.memory_space<semaphore_mem>>
      %dma_start3A_249 = arith.constant 0 : i32
      %dma_start3A_250 = tpu.memref_slice %arg8[%add3A_65, %dma_start3A_249] : memref<10240x128xf32, #tpu.memory_space<vmem_shared>> -> memref<80x128xf32, #tpu.memory_space<vmem_shared>>
      %dma_start3A_251 = arith.constant 0 : i32
      %dma_start3A_252 = tpu.memref_slice %arg8[%add3A_65, %dma_start3A_251] : memref<10240x128xf32, #tpu.memory_space<vmem_shared>> -> memref<80x128xf32, #tpu.memory_space<vmem_shared>>
      tpu.enqueue_dma source(%dma_start3A_252 : memref<80x128xf32, #tpu.memory_space<vmem_shared>>) target(%arg12 : memref<80x128xf32, #tpu.memory_space<vmem>>) target_semaphore(%run_scoped3A_248 : memref<!tpu.dma_semaphore, #tpu.memory_space<semaphore_mem>>)
      %dma_wait3A_253 = arith.constant 0 : i32
      %dma_wait3A_254 = tpu.memref_slice %arg8[%add3A_65, %dma_wait3A_253] : memref<10240x128xf32, #tpu.memory_space<vmem_shared>> -> memref<80x128xf32, #tpu.memory_space<vmem_shared>>
      %dma_wait3A_255 = arith.constant 0 : i32
      %dma_wait3A_256 = tpu.memref_slice %arg8[%add3A_65, %dma_wait3A_255] : memref<10240x128xf32, #tpu.memory_space<vmem_shared>> -> memref<80x128xf32, #tpu.memory_space<vmem_shared>>
      tpu.wait_dma2 semaphore(%run_scoped3A_248 : memref<!tpu.dma_semaphore, #tpu.memory_space<semaphore_mem>>) src(%dma_wait3A_256 : memref<80x128xf32, #tpu.memory_space<vmem_shared>>) dst(%arg12 : memref<80x128xf32, #tpu.memory_space<vmem>>)
      tpu.yield
    }) : () -> ()
    %add3A_66 = arith.constant 160 : i32
    %add3A_67 = arith.addi %add3A_55, %add3A_66 : i32
    "tpu.region"() ({
      %run_scoped3A_248 = tpu.sem_alloc : memref<!tpu.dma_semaphore, #tpu.memory_space<semaphore_mem>>
      %dma_start3A_249 = arith.constant 0 : i32
      %dma_start3A_250 = tpu.memref_slice %arg7[%add3A_67, %dma_start3A_249] : memref<61440x128xf32, #tpu.memory_space<hbm>> -> memref<80x128xf32, #tpu.memory_space<hbm>>
      %dma_start3A_251 = arith.constant 0 : i32
      %dma_start3A_252 = tpu.memref_slice %arg7[%add3A_67, %dma_start3A_251] : memref<61440x128xf32, #tpu.memory_space<hbm>> -> memref<80x128xf32, #tpu.memory_space<hbm>>
      tpu.enqueue_dma source(%arg12 : memref<80x128xf32, #tpu.memory_space<vmem>>) target(%dma_start3A_252 : memref<80x128xf32, #tpu.memory_space<hbm>>) target_semaphore(%run_scoped3A_248 : memref<!tpu.dma_semaphore, #tpu.memory_space<semaphore_mem>>)
      %dma_wait3A_253 = arith.constant 0 : i32
      %dma_wait3A_254 = tpu.memref_slice %arg7[%add3A_67, %dma_wait3A_253] : memref<61440x128xf32, #tpu.memory_space<hbm>> -> memref<80x128xf32, #tpu.memory_space<hbm>>
      %dma_wait3A_255 = arith.constant 0 : i32
      %dma_wait3A_256 = tpu.memref_slice %arg7[%add3A_67, %dma_wait3A_255] : memref<61440x128xf32, #tpu.memory_space<hbm>> -> memref<80x128xf32, #tpu.memory_space<hbm>>
      tpu.wait_dma2 semaphore(%run_scoped3A_248 : memref<!tpu.dma_semaphore, #tpu.memory_space<semaphore_mem>>) src(%arg12 : memref<80x128xf32, #tpu.memory_space<vmem>>) dst(%dma_wait3A_256 : memref<80x128xf32, #tpu.memory_space<hbm>>)
      tpu.yield
    }) : () -> ()
    %add3A_68 = arith.constant 240 : i32
    %add3A_69 = arith.addi %mul3A_2, %add3A_68 : i32
    "tpu.region"() ({
      %run_scoped3A_248 = tpu.sem_alloc : memref<!tpu.dma_semaphore, #tpu.memory_space<semaphore_mem>>
      %dma_start3A_249 = arith.constant 0 : i32
      %dma_start3A_250 = tpu.memref_slice %arg8[%add3A_69, %dma_start3A_249] : memref<10240x128xf32, #tpu.memory_space<vmem_shared>> -> memref<80x128xf32, #tpu.memory_space<vmem_shared>>
      %dma_start3A_251 = arith.constant 0 : i32
      %dma_start3A_252 = tpu.memref_slice %arg8[%add3A_69, %dma_start3A_251] : memref<10240x128xf32, #tpu.memory_space<vmem_shared>> -> memref<80x128xf32, #tpu.memory_space<vmem_shared>>
      tpu.enqueue_dma source(%dma_start3A_252 : memref<80x128xf32, #tpu.memory_space<vmem_shared>>) target(%arg12 : memref<80x128xf32, #tpu.memory_space<vmem>>) target_semaphore(%run_scoped3A_248 : memref<!tpu.dma_semaphore, #tpu.memory_space<semaphore_mem>>)
      %dma_wait3A_253 = arith.constant 0 : i32
      %dma_wait3A_254 = tpu.memref_slice %arg8[%add3A_69, %dma_wait3A_253] : memref<10240x128xf32, #tpu.memory_space<vmem_shared>> -> memref<80x128xf32, #tpu.memory_space<vmem_shared>>
      %dma_wait3A_255 = arith.constant 0 : i32
      %dma_wait3A_256 = tpu.memref_slice %arg8[%add3A_69, %dma_wait3A_255] : memref<10240x128xf32, #tpu.memory_space<vmem_shared>> -> memref<80x128xf32, #tpu.memory_space<vmem_shared>>
      tpu.wait_dma2 semaphore(%run_scoped3A_248 : memref<!tpu.dma_semaphore, #tpu.memory_space<semaphore_mem>>) src(%dma_wait3A_256 : memref<80x128xf32, #tpu.memory_space<vmem_shared>>) dst(%arg12 : memref<80x128xf32, #tpu.memory_space<vmem>>)
      tpu.yield
    }) : () -> ()
    %add3A_70 = arith.constant 240 : i32
    %add3A_71 = arith.addi %add3A_55, %add3A_70 : i32
    "tpu.region"() ({
      %run_scoped3A_248 = tpu.sem_alloc : memref<!tpu.dma_semaphore, #tpu.memory_space<semaphore_mem>>
      %dma_start3A_249 = arith.constant 0 : i32
      %dma_start3A_250 = tpu.memref_slice %arg7[%add3A_71, %dma_start3A_249] : memref<61440x128xf32, #tpu.memory_space<hbm>> -> memref<80x128xf32, #tpu.memory_space<hbm>>
      %dma_start3A_251 = arith.constant 0 : i32
      %dma_start3A_252 = tpu.memref_slice %arg7[%add3A_71, %dma_start3A_251] : memref<61440x128xf32, #tpu.memory_space<hbm>> -> memref<80x128xf32, #tpu.memory_space<hbm>>
      tpu.enqueue_dma source(%arg12 : memref<80x128xf32, #tpu.memory_space<vmem>>) target(%dma_start3A_252 : memref<80x128xf32, #tpu.memory_space<hbm>>) target_semaphore(%run_scoped3A_248 : memref<!tpu.dma_semaphore, #tpu.memory_space<semaphore_mem>>)
      %dma_wait3A_253 = arith.constant 0 : i32
      %dma_wait3A_254 = tpu.memref_slice %arg7[%add3A_71, %dma_wait3A_253] : memref<61440x128xf32, #tpu.memory_space<hbm>> -> memref<80x128xf32, #tpu.memory_space<hbm>>
      %dma_wait3A_255 = arith.constant 0 : i32
      %dma_wait3A_256 = tpu.memref_slice %arg7[%add3A_71, %dma_wait3A_255] : memref<61440x128xf32, #tpu.memory_space<hbm>> -> memref<80x128xf32, #tpu.memory_space<hbm>>
      tpu.wait_dma2 semaphore(%run_scoped3A_248 : memref<!tpu.dma_semaphore, #tpu.memory_space<semaphore_mem>>) src(%arg12 : memref<80x128xf32, #tpu.memory_space<vmem>>) dst(%dma_wait3A_256 : memref<80x128xf32, #tpu.memory_space<hbm>>)
      tpu.yield
    }) : () -> ()
    %add3A_72 = arith.constant 320 : i32
    %add3A_73 = arith.addi %mul3A_2, %add3A_72 : i32
    "tpu.region"() ({
      %run_scoped3A_248 = tpu.sem_alloc : memref<!tpu.dma_semaphore, #tpu.memory_space<semaphore_mem>>
      %dma_start3A_249 = arith.constant 0 : i32
      %dma_start3A_250 = tpu.memref_slice %arg8[%add3A_73, %dma_start3A_249] : memref<10240x128xf32, #tpu.memory_space<vmem_shared>> -> memref<80x128xf32, #tpu.memory_space<vmem_shared>>
      %dma_start3A_251 = arith.constant 0 : i32
      %dma_start3A_252 = tpu.memref_slice %arg8[%add3A_73, %dma_start3A_251] : memref<10240x128xf32, #tpu.memory_space<vmem_shared>> -> memref<80x128xf32, #tpu.memory_space<vmem_shared>>
      tpu.enqueue_dma source(%dma_start3A_252 : memref<80x128xf32, #tpu.memory_space<vmem_shared>>) target(%arg12 : memref<80x128xf32, #tpu.memory_space<vmem>>) target_semaphore(%run_scoped3A_248 : memref<!tpu.dma_semaphore, #tpu.memory_space<semaphore_mem>>)
      %dma_wait3A_253 = arith.constant 0 : i32
      %dma_wait3A_254 = tpu.memref_slice %arg8[%add3A_73, %dma_wait3A_253] : memref<10240x128xf32, #tpu.memory_space<vmem_shared>> -> memref<80x128xf32, #tpu.memory_space<vmem_shared>>
      %dma_wait3A_255 = arith.constant 0 : i32
      %dma_wait3A_256 = tpu.memref_slice %arg8[%add3A_73, %dma_wait3A_255] : memref<10240x128xf32, #tpu.memory_space<vmem_shared>> -> memref<80x128xf32, #tpu.memory_space<vmem_shared>>
      tpu.wait_dma2 semaphore(%run_scoped3A_248 : memref<!tpu.dma_semaphore, #tpu.memory_space<semaphore_mem>>) src(%dma_wait3A_256 : memref<80x128xf32, #tpu.memory_space<vmem_shared>>) dst(%arg12 : memref<80x128xf32, #tpu.memory_space<vmem>>)
      tpu.yield
    }) : () -> ()
    %add3A_74 = arith.constant 320 : i32
    %add3A_75 = arith.addi %add3A_55, %add3A_74 : i32
    "tpu.region"() ({
      %run_scoped3A_248 = tpu.sem_alloc : memref<!tpu.dma_semaphore, #tpu.memory_space<semaphore_mem>>
      %dma_start3A_249 = arith.constant 0 : i32
      %dma_start3A_250 = tpu.memref_slice %arg7[%add3A_75, %dma_start3A_249] : memref<61440x128xf32, #tpu.memory_space<hbm>> -> memref<80x128xf32, #tpu.memory_space<hbm>>
      %dma_start3A_251 = arith.constant 0 : i32
      %dma_start3A_252 = tpu.memref_slice %arg7[%add3A_75, %dma_start3A_251] : memref<61440x128xf32, #tpu.memory_space<hbm>> -> memref<80x128xf32, #tpu.memory_space<hbm>>
      tpu.enqueue_dma source(%arg12 : memref<80x128xf32, #tpu.memory_space<vmem>>) target(%dma_start3A_252 : memref<80x128xf32, #tpu.memory_space<hbm>>) target_semaphore(%run_scoped3A_248 : memref<!tpu.dma_semaphore, #tpu.memory_space<semaphore_mem>>)
      %dma_wait3A_253 = arith.constant 0 : i32
      %dma_wait3A_254 = tpu.memref_slice %arg7[%add3A_75, %dma_wait3A_253] : memref<61440x128xf32, #tpu.memory_space<hbm>> -> memref<80x128xf32, #tpu.memory_space<hbm>>
      %dma_wait3A_255 = arith.constant 0 : i32
      %dma_wait3A_256 = tpu.memref_slice %arg7[%add3A_75, %dma_wait3A_255] : memref<61440x128xf32, #tpu.memory_space<hbm>> -> memref<80x128xf32, #tpu.memory_space<hbm>>
      tpu.wait_dma2 semaphore(%run_scoped3A_248 : memref<!tpu.dma_semaphore, #tpu.memory_space<semaphore_mem>>) src(%arg12 : memref<80x128xf32, #tpu.memory_space<vmem>>) dst(%dma_wait3A_256 : memref<80x128xf32, #tpu.memory_space<hbm>>)
      tpu.yield
    }) : () -> ()
    %add3A_76 = arith.constant 400 : i32
    %add3A_77 = arith.addi %mul3A_2, %add3A_76 : i32
    "tpu.region"() ({
      %run_scoped3A_248 = tpu.sem_alloc : memref<!tpu.dma_semaphore, #tpu.memory_space<semaphore_mem>>
      %dma_start3A_249 = arith.constant 0 : i32
      %dma_start3A_250 = tpu.memref_slice %arg8[%add3A_77, %dma_start3A_249] : memref<10240x128xf32, #tpu.memory_space<vmem_shared>> -> memref<80x128xf32, #tpu.memory_space<vmem_shared>>
      %dma_start3A_251 = arith.constant 0 : i32
      %dma_start3A_252 = tpu.memref_slice %arg8[%add3A_77, %dma_start3A_251] : memref<10240x128xf32, #tpu.memory_space<vmem_shared>> -> memref<80x128xf32, #tpu.memory_space<vmem_shared>>
      tpu.enqueue_dma source(%dma_start3A_252 : memref<80x128xf32, #tpu.memory_space<vmem_shared>>) target(%arg12 : memref<80x128xf32, #tpu.memory_space<vmem>>) target_semaphore(%run_scoped3A_248 : memref<!tpu.dma_semaphore, #tpu.memory_space<semaphore_mem>>)
      %dma_wait3A_253 = arith.constant 0 : i32
      %dma_wait3A_254 = tpu.memref_slice %arg8[%add3A_77, %dma_wait3A_253] : memref<10240x128xf32, #tpu.memory_space<vmem_shared>> -> memref<80x128xf32, #tpu.memory_space<vmem_shared>>
      %dma_wait3A_255 = arith.constant 0 : i32
      %dma_wait3A_256 = tpu.memref_slice %arg8[%add3A_77, %dma_wait3A_255] : memref<10240x128xf32, #tpu.memory_space<vmem_shared>> -> memref<80x128xf32, #tpu.memory_space<vmem_shared>>
      tpu.wait_dma2 semaphore(%run_scoped3A_248 : memref<!tpu.dma_semaphore, #tpu.memory_space<semaphore_mem>>) src(%dma_wait3A_256 : memref<80x128xf32, #tpu.memory_space<vmem_shared>>) dst(%arg12 : memref<80x128xf32, #tpu.memory_space<vmem>>)
      tpu.yield
    }) : () -> ()
    %add3A_78 = arith.constant 400 : i32
    %add3A_79 = arith.addi %add3A_55, %add3A_78 : i32
    "tpu.region"() ({
      %run_scoped3A_248 = tpu.sem_alloc : memref<!tpu.dma_semaphore, #tpu.memory_space<semaphore_mem>>
      %dma_start3A_249 = arith.constant 0 : i32
      %dma_start3A_250 = tpu.memref_slice %arg7[%add3A_79, %dma_start3A_249] : memref<61440x128xf32, #tpu.memory_space<hbm>> -> memref<80x128xf32, #tpu.memory_space<hbm>>
      %dma_start3A_251 = arith.constant 0 : i32
      %dma_start3A_252 = tpu.memref_slice %arg7[%add3A_79, %dma_start3A_251] : memref<61440x128xf32, #tpu.memory_space<hbm>> -> memref<80x128xf32, #tpu.memory_space<hbm>>
      tpu.enqueue_dma source(%arg12 : memref<80x128xf32, #tpu.memory_space<vmem>>) target(%dma_start3A_252 : memref<80x128xf32, #tpu.memory_space<hbm>>) target_semaphore(%run_scoped3A_248 : memref<!tpu.dma_semaphore, #tpu.memory_space<semaphore_mem>>)
      %dma_wait3A_253 = arith.constant 0 : i32
      %dma_wait3A_254 = tpu.memref_slice %arg7[%add3A_79, %dma_wait3A_253] : memref<61440x128xf32, #tpu.memory_space<hbm>> -> memref<80x128xf32, #tpu.memory_space<hbm>>
      %dma_wait3A_255 = arith.constant 0 : i32
      %dma_wait3A_256 = tpu.memref_slice %arg7[%add3A_79, %dma_wait3A_255] : memref<61440x128xf32, #tpu.memory_space<hbm>> -> memref<80x128xf32, #tpu.memory_space<hbm>>
      tpu.wait_dma2 semaphore(%run_scoped3A_248 : memref<!tpu.dma_semaphore, #tpu.memory_space<semaphore_mem>>) src(%arg12 : memref<80x128xf32, #tpu.memory_space<vmem>>) dst(%dma_wait3A_256 : memref<80x128xf32, #tpu.memory_space<hbm>>)
      tpu.yield
    }) : () -> ()
    %add3A_80 = arith.constant 480 : i32
    %add3A_81 = arith.addi %mul3A_2, %add3A_80 : i32
    "tpu.region"() ({
      %run_scoped3A_248 = tpu.sem_alloc : memref<!tpu.dma_semaphore, #tpu.memory_space<semaphore_mem>>
      %dma_start3A_249 = arith.constant 0 : i32
      %dma_start3A_250 = tpu.memref_slice %arg8[%add3A_81, %dma_start3A_249] : memref<10240x128xf32, #tpu.memory_space<vmem_shared>> -> memref<80x128xf32, #tpu.memory_space<vmem_shared>>
      %dma_start3A_251 = arith.constant 0 : i32
      %dma_start3A_252 = tpu.memref_slice %arg8[%add3A_81, %dma_start3A_251] : memref<10240x128xf32, #tpu.memory_space<vmem_shared>> -> memref<80x128xf32, #tpu.memory_space<vmem_shared>>
      tpu.enqueue_dma source(%dma_start3A_252 : memref<80x128xf32, #tpu.memory_space<vmem_shared>>) target(%arg12 : memref<80x128xf32, #tpu.memory_space<vmem>>) target_semaphore(%run_scoped3A_248 : memref<!tpu.dma_semaphore, #tpu.memory_space<semaphore_mem>>)
      %dma_wait3A_253 = arith.constant 0 : i32
      %dma_wait3A_254 = tpu.memref_slice %arg8[%add3A_81, %dma_wait3A_253] : memref<10240x128xf32, #tpu.memory_space<vmem_shared>> -> memref<80x128xf32, #tpu.memory_space<vmem_shared>>
      %dma_wait3A_255 = arith.constant 0 : i32
      %dma_wait3A_256 = tpu.memref_slice %arg8[%add3A_81, %dma_wait3A_255] : memref<10240x128xf32, #tpu.memory_space<vmem_shared>> -> memref<80x128xf32, #tpu.memory_space<vmem_shared>>
      tpu.wait_dma2 semaphore(%run_scoped3A_248 : memref<!tpu.dma_semaphore, #tpu.memory_space<semaphore_mem>>) src(%dma_wait3A_256 : memref<80x128xf32, #tpu.memory_space<vmem_shared>>) dst(%arg12 : memref<80x128xf32, #tpu.memory_space<vmem>>)
      tpu.yield
    }) : () -> ()
    %add3A_82 = arith.constant 480 : i32
    %add3A_83 = arith.addi %add3A_55, %add3A_82 : i32
    "tpu.region"() ({
      %run_scoped3A_248 = tpu.sem_alloc : memref<!tpu.dma_semaphore, #tpu.memory_space<semaphore_mem>>
      %dma_start3A_249 = arith.constant 0 : i32
      %dma_start3A_250 = tpu.memref_slice %arg7[%add3A_83, %dma_start3A_249] : memref<61440x128xf32, #tpu.memory_space<hbm>> -> memref<80x128xf32, #tpu.memory_space<hbm>>
      %dma_start3A_251 = arith.constant 0 : i32
      %dma_start3A_252 = tpu.memref_slice %arg7[%add3A_83, %dma_start3A_251] : memref<61440x128xf32, #tpu.memory_space<hbm>> -> memref<80x128xf32, #tpu.memory_space<hbm>>
      tpu.enqueue_dma source(%arg12 : memref<80x128xf32, #tpu.memory_space<vmem>>) target(%dma_start3A_252 : memref<80x128xf32, #tpu.memory_space<hbm>>) target_semaphore(%run_scoped3A_248 : memref<!tpu.dma_semaphore, #tpu.memory_space<semaphore_mem>>)
      %dma_wait3A_253 = arith.constant 0 : i32
      %dma_wait3A_254 = tpu.memref_slice %arg7[%add3A_83, %dma_wait3A_253] : memref<61440x128xf32, #tpu.memory_space<hbm>> -> memref<80x128xf32, #tpu.memory_space<hbm>>
      %dma_wait3A_255 = arith.constant 0 : i32
      %dma_wait3A_256 = tpu.memref_slice %arg7[%add3A_83, %dma_wait3A_255] : memref<61440x128xf32, #tpu.memory_space<hbm>> -> memref<80x128xf32, #tpu.memory_space<hbm>>
      tpu.wait_dma2 semaphore(%run_scoped3A_248 : memref<!tpu.dma_semaphore, #tpu.memory_space<semaphore_mem>>) src(%arg12 : memref<80x128xf32, #tpu.memory_space<vmem>>) dst(%dma_wait3A_256 : memref<80x128xf32, #tpu.memory_space<hbm>>)
      tpu.yield
    }) : () -> ()
    %add3A_84 = arith.constant 560 : i32
    %add3A_85 = arith.addi %mul3A_2, %add3A_84 : i32
    "tpu.region"() ({
      %run_scoped3A_248 = tpu.sem_alloc : memref<!tpu.dma_semaphore, #tpu.memory_space<semaphore_mem>>
      %dma_start3A_249 = arith.constant 0 : i32
      %dma_start3A_250 = tpu.memref_slice %arg8[%add3A_85, %dma_start3A_249] : memref<10240x128xf32, #tpu.memory_space<vmem_shared>> -> memref<80x128xf32, #tpu.memory_space<vmem_shared>>
      %dma_start3A_251 = arith.constant 0 : i32
      %dma_start3A_252 = tpu.memref_slice %arg8[%add3A_85, %dma_start3A_251] : memref<10240x128xf32, #tpu.memory_space<vmem_shared>> -> memref<80x128xf32, #tpu.memory_space<vmem_shared>>
      tpu.enqueue_dma source(%dma_start3A_252 : memref<80x128xf32, #tpu.memory_space<vmem_shared>>) target(%arg12 : memref<80x128xf32, #tpu.memory_space<vmem>>) target_semaphore(%run_scoped3A_248 : memref<!tpu.dma_semaphore, #tpu.memory_space<semaphore_mem>>)
      %dma_wait3A_253 = arith.constant 0 : i32
      %dma_wait3A_254 = tpu.memref_slice %arg8[%add3A_85, %dma_wait3A_253] : memref<10240x128xf32, #tpu.memory_space<vmem_shared>> -> memref<80x128xf32, #tpu.memory_space<vmem_shared>>
      %dma_wait3A_255 = arith.constant 0 : i32
      %dma_wait3A_256 = tpu.memref_slice %arg8[%add3A_85, %dma_wait3A_255] : memref<10240x128xf32, #tpu.memory_space<vmem_shared>> -> memref<80x128xf32, #tpu.memory_space<vmem_shared>>
      tpu.wait_dma2 semaphore(%run_scoped3A_248 : memref<!tpu.dma_semaphore, #tpu.memory_space<semaphore_mem>>) src(%dma_wait3A_256 : memref<80x128xf32, #tpu.memory_space<vmem_shared>>) dst(%arg12 : memref<80x128xf32, #tpu.memory_space<vmem>>)
      tpu.yield
    }) : () -> ()
    %add3A_86 = arith.constant 560 : i32
    %add3A_87 = arith.addi %add3A_55, %add3A_86 : i32
    "tpu.region"() ({
      %run_scoped3A_248 = tpu.sem_alloc : memref<!tpu.dma_semaphore, #tpu.memory_space<semaphore_mem>>
      %dma_start3A_249 = arith.constant 0 : i32
      %dma_start3A_250 = tpu.memref_slice %arg7[%add3A_87, %dma_start3A_249] : memref<61440x128xf32, #tpu.memory_space<hbm>> -> memref<80x128xf32, #tpu.memory_space<hbm>>
      %dma_start3A_251 = arith.constant 0 : i32
      %dma_start3A_252 = tpu.memref_slice %arg7[%add3A_87, %dma_start3A_251] : memref<61440x128xf32, #tpu.memory_space<hbm>> -> memref<80x128xf32, #tpu.memory_space<hbm>>
      tpu.enqueue_dma source(%arg12 : memref<80x128xf32, #tpu.memory_space<vmem>>) target(%dma_start3A_252 : memref<80x128xf32, #tpu.memory_space<hbm>>) target_semaphore(%run_scoped3A_248 : memref<!tpu.dma_semaphore, #tpu.memory_space<semaphore_mem>>)
      %dma_wait3A_253 = arith.constant 0 : i32
      %dma_wait3A_254 = tpu.memref_slice %arg7[%add3A_87, %dma_wait3A_253] : memref<61440x128xf32, #tpu.memory_space<hbm>> -> memref<80x128xf32, #tpu.memory_space<hbm>>
      %dma_wait3A_255 = arith.constant 0 : i32
      %dma_wait3A_256 = tpu.memref_slice %arg7[%add3A_87, %dma_wait3A_255] : memref<61440x128xf32, #tpu.memory_space<hbm>> -> memref<80x128xf32, #tpu.memory_space<hbm>>
      tpu.wait_dma2 semaphore(%run_scoped3A_248 : memref<!tpu.dma_semaphore, #tpu.memory_space<semaphore_mem>>) src(%arg12 : memref<80x128xf32, #tpu.memory_space<vmem>>) dst(%dma_wait3A_256 : memref<80x128xf32, #tpu.memory_space<hbm>>)
      tpu.yield
    }) : () -> ()
    %add3A_88 = arith.constant 2 : i32
    %add3A_89 = arith.addi %add3A_88, %arg0 : i32
    %mul3A_90 = arith.constant 160000 : i32
    %mul3A_91 = arith.muli %add3A_89, %mul3A_90 : i32
    %add3A_92 = arith.addi %mul3A_91, %mul3A_0 : i32
    "tpu.region"() ({
      %run_scoped3A_248 = tpu.sem_alloc : memref<!tpu.dma_semaphore, #tpu.memory_space<semaphore_mem>>
      tpu.enqueue_dma source(%arg5 : memref<80x128xf32, #tpu.memory_space<hbm>>) target(%arg12 : memref<80x128xf32, #tpu.memory_space<vmem>>) target_semaphore(%run_scoped3A_248 : memref<!tpu.dma_semaphore, #tpu.memory_space<semaphore_mem>>)
      tpu.wait_dma2 semaphore(%run_scoped3A_248 : memref<!tpu.dma_semaphore, #tpu.memory_space<semaphore_mem>>) src(%arg5 : memref<80x128xf32, #tpu.memory_space<hbm>>) dst(%arg12 : memref<80x128xf32, #tpu.memory_space<vmem>>)
      tpu.yield
    }) : () -> ()
    %add3A_93 = arith.constant 0 : i32
    %add3A_94 = arith.addi %mul3A_2, %add3A_93 : i32
    "tpu.region"() ({
      %run_scoped3A_248 = tpu.sem_alloc : memref<!tpu.dma_semaphore, #tpu.memory_space<semaphore_mem>>
      %dma_start3A_249 = arith.constant 0 : i32
      %dma_start3A_250 = tpu.memref_slice %arg8[%add3A_94, %dma_start3A_249] : memref<10240x128xf32, #tpu.memory_space<vmem_shared>> -> memref<80x128xf32, #tpu.memory_space<vmem_shared>>
      %dma_start3A_251 = arith.constant 0 : i32
      %dma_start3A_252 = tpu.memref_slice %arg8[%add3A_94, %dma_start3A_251] : memref<10240x128xf32, #tpu.memory_space<vmem_shared>> -> memref<80x128xf32, #tpu.memory_space<vmem_shared>>
      tpu.enqueue_dma source(%arg12 : memref<80x128xf32, #tpu.memory_space<vmem>>) target(%dma_start3A_252 : memref<80x128xf32, #tpu.memory_space<vmem_shared>>) target_semaphore(%run_scoped3A_248 : memref<!tpu.dma_semaphore, #tpu.memory_space<semaphore_mem>>)
      %dma_wait3A_253 = arith.constant 0 : i32
      %dma_wait3A_254 = tpu.memref_slice %arg8[%add3A_94, %dma_wait3A_253] : memref<10240x128xf32, #tpu.memory_space<vmem_shared>> -> memref<80x128xf32, #tpu.memory_space<vmem_shared>>
      %dma_wait3A_255 = arith.constant 0 : i32
      %dma_wait3A_256 = tpu.memref_slice %arg8[%add3A_94, %dma_wait3A_255] : memref<10240x128xf32, #tpu.memory_space<vmem_shared>> -> memref<80x128xf32, #tpu.memory_space<vmem_shared>>
      tpu.wait_dma2 semaphore(%run_scoped3A_248 : memref<!tpu.dma_semaphore, #tpu.memory_space<semaphore_mem>>) src(%arg12 : memref<80x128xf32, #tpu.memory_space<vmem>>) dst(%dma_wait3A_256 : memref<80x128xf32, #tpu.memory_space<vmem_shared>>)
      tpu.yield
    }) : () -> ()
    %add3A_95 = arith.constant 80 : i32
    %add3A_96 = arith.addi %mul3A_2, %add3A_95 : i32
    "tpu.region"() ({
      %run_scoped3A_248 = tpu.sem_alloc : memref<!tpu.dma_semaphore, #tpu.memory_space<semaphore_mem>>
      %dma_start3A_249 = arith.constant 0 : i32
      %dma_start3A_250 = tpu.memref_slice %arg8[%add3A_96, %dma_start3A_249] : memref<10240x128xf32, #tpu.memory_space<vmem_shared>> -> memref<80x128xf32, #tpu.memory_space<vmem_shared>>
      %dma_start3A_251 = arith.constant 0 : i32
      %dma_start3A_252 = tpu.memref_slice %arg8[%add3A_96, %dma_start3A_251] : memref<10240x128xf32, #tpu.memory_space<vmem_shared>> -> memref<80x128xf32, #tpu.memory_space<vmem_shared>>
      tpu.enqueue_dma source(%arg12 : memref<80x128xf32, #tpu.memory_space<vmem>>) target(%dma_start3A_252 : memref<80x128xf32, #tpu.memory_space<vmem_shared>>) target_semaphore(%run_scoped3A_248 : memref<!tpu.dma_semaphore, #tpu.memory_space<semaphore_mem>>)
      %dma_wait3A_253 = arith.constant 0 : i32
      %dma_wait3A_254 = tpu.memref_slice %arg8[%add3A_96, %dma_wait3A_253] : memref<10240x128xf32, #tpu.memory_space<vmem_shared>> -> memref<80x128xf32, #tpu.memory_space<vmem_shared>>
      %dma_wait3A_255 = arith.constant 0 : i32
      %dma_wait3A_256 = tpu.memref_slice %arg8[%add3A_96, %dma_wait3A_255] : memref<10240x128xf32, #tpu.memory_space<vmem_shared>> -> memref<80x128xf32, #tpu.memory_space<vmem_shared>>
      tpu.wait_dma2 semaphore(%run_scoped3A_248 : memref<!tpu.dma_semaphore, #tpu.memory_space<semaphore_mem>>) src(%arg12 : memref<80x128xf32, #tpu.memory_space<vmem>>) dst(%dma_wait3A_256 : memref<80x128xf32, #tpu.memory_space<vmem_shared>>)
      tpu.yield
    }) : () -> ()
    %add3A_97 = arith.constant 160 : i32
    %add3A_98 = arith.addi %mul3A_2, %add3A_97 : i32
    "tpu.region"() ({
      %run_scoped3A_248 = tpu.sem_alloc : memref<!tpu.dma_semaphore, #tpu.memory_space<semaphore_mem>>
      %dma_start3A_249 = arith.constant 0 : i32
      %dma_start3A_250 = tpu.memref_slice %arg8[%add3A_98, %dma_start3A_249] : memref<10240x128xf32, #tpu.memory_space<vmem_shared>> -> memref<80x128xf32, #tpu.memory_space<vmem_shared>>
      %dma_start3A_251 = arith.constant 0 : i32
      %dma_start3A_252 = tpu.memref_slice %arg8[%add3A_98, %dma_start3A_251] : memref<10240x128xf32, #tpu.memory_space<vmem_shared>> -> memref<80x128xf32, #tpu.memory_space<vmem_shared>>
      tpu.enqueue_dma source(%arg12 : memref<80x128xf32, #tpu.memory_space<vmem>>) target(%dma_start3A_252 : memref<80x128xf32, #tpu.memory_space<vmem_shared>>) target_semaphore(%run_scoped3A_248 : memref<!tpu.dma_semaphore, #tpu.memory_space<semaphore_mem>>)
      %dma_wait3A_253 = arith.constant 0 : i32
      %dma_wait3A_254 = tpu.memref_slice %arg8[%add3A_98, %dma_wait3A_253] : memref<10240x128xf32, #tpu.memory_space<vmem_shared>> -> memref<80x128xf32, #tpu.memory_space<vmem_shared>>
      %dma_wait3A_255 = arith.constant 0 : i32
      %dma_wait3A_256 = tpu.memref_slice %arg8[%add3A_98, %dma_wait3A_255] : memref<10240x128xf32, #tpu.memory_space<vmem_shared>> -> memref<80x128xf32, #tpu.memory_space<vmem_shared>>
      tpu.wait_dma2 semaphore(%run_scoped3A_248 : memref<!tpu.dma_semaphore, #tpu.memory_space<semaphore_mem>>) src(%arg12 : memref<80x128xf32, #tpu.memory_space<vmem>>) dst(%dma_wait3A_256 : memref<80x128xf32, #tpu.memory_space<vmem_shared>>)
      tpu.yield
    }) : () -> ()
    %add3A_99 = arith.constant 240 : i32
    %add3A_100 = arith.addi %mul3A_2, %add3A_99 : i32
    "tpu.region"() ({
      %run_scoped3A_248 = tpu.sem_alloc : memref<!tpu.dma_semaphore, #tpu.memory_space<semaphore_mem>>
      %dma_start3A_249 = arith.constant 0 : i32
      %dma_start3A_250 = tpu.memref_slice %arg8[%add3A_100, %dma_start3A_249] : memref<10240x128xf32, #tpu.memory_space<vmem_shared>> -> memref<80x128xf32, #tpu.memory_space<vmem_shared>>
      %dma_start3A_251 = arith.constant 0 : i32
      %dma_start3A_252 = tpu.memref_slice %arg8[%add3A_100, %dma_start3A_251] : memref<10240x128xf32, #tpu.memory_space<vmem_shared>> -> memref<80x128xf32, #tpu.memory_space<vmem_shared>>
      tpu.enqueue_dma source(%arg12 : memref<80x128xf32, #tpu.memory_space<vmem>>) target(%dma_start3A_252 : memref<80x128xf32, #tpu.memory_space<vmem_shared>>) target_semaphore(%run_scoped3A_248 : memref<!tpu.dma_semaphore, #tpu.memory_space<semaphore_mem>>)
      %dma_wait3A_253 = arith.constant 0 : i32
      %dma_wait3A_254 = tpu.memref_slice %arg8[%add3A_100, %dma_wait3A_253] : memref<10240x128xf32, #tpu.memory_space<vmem_shared>> -> memref<80x128xf32, #tpu.memory_space<vmem_shared>>
      %dma_wait3A_255 = arith.constant 0 : i32
      %dma_wait3A_256 = tpu.memref_slice %arg8[%add3A_100, %dma_wait3A_255] : memref<10240x128xf32, #tpu.memory_space<vmem_shared>> -> memref<80x128xf32, #tpu.memory_space<vmem_shared>>
      tpu.wait_dma2 semaphore(%run_scoped3A_248 : memref<!tpu.dma_semaphore, #tpu.memory_space<semaphore_mem>>) src(%arg12 : memref<80x128xf32, #tpu.memory_space<vmem>>) dst(%dma_wait3A_256 : memref<80x128xf32, #tpu.memory_space<vmem_shared>>)
      tpu.yield
    }) : () -> ()
    %add3A_101 = arith.constant 320 : i32
    %add3A_102 = arith.addi %mul3A_2, %add3A_101 : i32
    "tpu.region"() ({
      %run_scoped3A_248 = tpu.sem_alloc : memref<!tpu.dma_semaphore, #tpu.memory_space<semaphore_mem>>
      %dma_start3A_249 = arith.constant 0 : i32
      %dma_start3A_250 = tpu.memref_slice %arg8[%add3A_102, %dma_start3A_249] : memref<10240x128xf32, #tpu.memory_space<vmem_shared>> -> memref<80x128xf32, #tpu.memory_space<vmem_shared>>
      %dma_start3A_251 = arith.constant 0 : i32
      %dma_start3A_252 = tpu.memref_slice %arg8[%add3A_102, %dma_start3A_251] : memref<10240x128xf32, #tpu.memory_space<vmem_shared>> -> memref<80x128xf32, #tpu.memory_space<vmem_shared>>
      tpu.enqueue_dma source(%arg12 : memref<80x128xf32, #tpu.memory_space<vmem>>) target(%dma_start3A_252 : memref<80x128xf32, #tpu.memory_space<vmem_shared>>) target_semaphore(%run_scoped3A_248 : memref<!tpu.dma_semaphore, #tpu.memory_space<semaphore_mem>>)
      %dma_wait3A_253 = arith.constant 0 : i32
      %dma_wait3A_254 = tpu.memref_slice %arg8[%add3A_102, %dma_wait3A_253] : memref<10240x128xf32, #tpu.memory_space<vmem_shared>> -> memref<80x128xf32, #tpu.memory_space<vmem_shared>>
      %dma_wait3A_255 = arith.constant 0 : i32
      %dma_wait3A_256 = tpu.memref_slice %arg8[%add3A_102, %dma_wait3A_255] : memref<10240x128xf32, #tpu.memory_space<vmem_shared>> -> memref<80x128xf32, #tpu.memory_space<vmem_shared>>
      tpu.wait_dma2 semaphore(%run_scoped3A_248 : memref<!tpu.dma_semaphore, #tpu.memory_space<semaphore_mem>>) src(%arg12 : memref<80x128xf32, #tpu.memory_space<vmem>>) dst(%dma_wait3A_256 : memref<80x128xf32, #tpu.memory_space<vmem_shared>>)
      tpu.yield
    }) : () -> ()
    %add3A_103 = arith.constant 400 : i32
    %add3A_104 = arith.addi %mul3A_2, %add3A_103 : i32
    "tpu.region"() ({
      %run_scoped3A_248 = tpu.sem_alloc : memref<!tpu.dma_semaphore, #tpu.memory_space<semaphore_mem>>
      %dma_start3A_249 = arith.constant 0 : i32
      %dma_start3A_250 = tpu.memref_slice %arg8[%add3A_104, %dma_start3A_249] : memref<10240x128xf32, #tpu.memory_space<vmem_shared>> -> memref<80x128xf32, #tpu.memory_space<vmem_shared>>
      %dma_start3A_251 = arith.constant 0 : i32
      %dma_start3A_252 = tpu.memref_slice %arg8[%add3A_104, %dma_start3A_251] : memref<10240x128xf32, #tpu.memory_space<vmem_shared>> -> memref<80x128xf32, #tpu.memory_space<vmem_shared>>
      tpu.enqueue_dma source(%arg12 : memref<80x128xf32, #tpu.memory_space<vmem>>) target(%dma_start3A_252 : memref<80x128xf32, #tpu.memory_space<vmem_shared>>) target_semaphore(%run_scoped3A_248 : memref<!tpu.dma_semaphore, #tpu.memory_space<semaphore_mem>>)
      %dma_wait3A_253 = arith.constant 0 : i32
      %dma_wait3A_254 = tpu.memref_slice %arg8[%add3A_104, %dma_wait3A_253] : memref<10240x128xf32, #tpu.memory_space<vmem_shared>> -> memref<80x128xf32, #tpu.memory_space<vmem_shared>>
      %dma_wait3A_255 = arith.constant 0 : i32
      %dma_wait3A_256 = tpu.memref_slice %arg8[%add3A_104, %dma_wait3A_255] : memref<10240x128xf32, #tpu.memory_space<vmem_shared>> -> memref<80x128xf32, #tpu.memory_space<vmem_shared>>
      tpu.wait_dma2 semaphore(%run_scoped3A_248 : memref<!tpu.dma_semaphore, #tpu.memory_space<semaphore_mem>>) src(%arg12 : memref<80x128xf32, #tpu.memory_space<vmem>>) dst(%dma_wait3A_256 : memref<80x128xf32, #tpu.memory_space<vmem_shared>>)
      tpu.yield
    }) : () -> ()
    %add3A_105 = arith.constant 480 : i32
    %add3A_106 = arith.addi %mul3A_2, %add3A_105 : i32
    "tpu.region"() ({
      %run_scoped3A_248 = tpu.sem_alloc : memref<!tpu.dma_semaphore, #tpu.memory_space<semaphore_mem>>
      %dma_start3A_249 = arith.constant 0 : i32
      %dma_start3A_250 = tpu.memref_slice %arg8[%add3A_106, %dma_start3A_249] : memref<10240x128xf32, #tpu.memory_space<vmem_shared>> -> memref<80x128xf32, #tpu.memory_space<vmem_shared>>
      %dma_start3A_251 = arith.constant 0 : i32
      %dma_start3A_252 = tpu.memref_slice %arg8[%add3A_106, %dma_start3A_251] : memref<10240x128xf32, #tpu.memory_space<vmem_shared>> -> memref<80x128xf32, #tpu.memory_space<vmem_shared>>
      tpu.enqueue_dma source(%arg12 : memref<80x128xf32, #tpu.memory_space<vmem>>) target(%dma_start3A_252 : memref<80x128xf32, #tpu.memory_space<vmem_shared>>) target_semaphore(%run_scoped3A_248 : memref<!tpu.dma_semaphore, #tpu.memory_space<semaphore_mem>>)
      %dma_wait3A_253 = arith.constant 0 : i32
      %dma_wait3A_254 = tpu.memref_slice %arg8[%add3A_106, %dma_wait3A_253] : memref<10240x128xf32, #tpu.memory_space<vmem_shared>> -> memref<80x128xf32, #tpu.memory_space<vmem_shared>>
      %dma_wait3A_255 = arith.constant 0 : i32
      %dma_wait3A_256 = tpu.memref_slice %arg8[%add3A_106, %dma_wait3A_255] : memref<10240x128xf32, #tpu.memory_space<vmem_shared>> -> memref<80x128xf32, #tpu.memory_space<vmem_shared>>
      tpu.wait_dma2 semaphore(%run_scoped3A_248 : memref<!tpu.dma_semaphore, #tpu.memory_space<semaphore_mem>>) src(%arg12 : memref<80x128xf32, #tpu.memory_space<vmem>>) dst(%dma_wait3A_256 : memref<80x128xf32, #tpu.memory_space<vmem_shared>>)
      tpu.yield
    }) : () -> ()
    %add3A_107 = arith.constant 560 : i32
    %add3A_108 = arith.addi %mul3A_2, %add3A_107 : i32
    "tpu.region"() ({
      %run_scoped3A_248 = tpu.sem_alloc : memref<!tpu.dma_semaphore, #tpu.memory_space<semaphore_mem>>
      %dma_start3A_249 = arith.constant 0 : i32
      %dma_start3A_250 = tpu.memref_slice %arg8[%add3A_108, %dma_start3A_249] : memref<10240x128xf32, #tpu.memory_space<vmem_shared>> -> memref<80x128xf32, #tpu.memory_space<vmem_shared>>
      %dma_start3A_251 = arith.constant 0 : i32
      %dma_start3A_252 = tpu.memref_slice %arg8[%add3A_108, %dma_start3A_251] : memref<10240x128xf32, #tpu.memory_space<vmem_shared>> -> memref<80x128xf32, #tpu.memory_space<vmem_shared>>
      tpu.enqueue_dma source(%arg12 : memref<80x128xf32, #tpu.memory_space<vmem>>) target(%dma_start3A_252 : memref<80x128xf32, #tpu.memory_space<vmem_shared>>) target_semaphore(%run_scoped3A_248 : memref<!tpu.dma_semaphore, #tpu.memory_space<semaphore_mem>>)
      %dma_wait3A_253 = arith.constant 0 : i32
      %dma_wait3A_254 = tpu.memref_slice %arg8[%add3A_108, %dma_wait3A_253] : memref<10240x128xf32, #tpu.memory_space<vmem_shared>> -> memref<80x128xf32, #tpu.memory_space<vmem_shared>>
      %dma_wait3A_255 = arith.constant 0 : i32
      %dma_wait3A_256 = tpu.memref_slice %arg8[%add3A_108, %dma_wait3A_255] : memref<10240x128xf32, #tpu.memory_space<vmem_shared>> -> memref<80x128xf32, #tpu.memory_space<vmem_shared>>
      tpu.wait_dma2 semaphore(%run_scoped3A_248 : memref<!tpu.dma_semaphore, #tpu.memory_space<semaphore_mem>>) src(%arg12 : memref<80x128xf32, #tpu.memory_space<vmem>>) dst(%dma_wait3A_256 : memref<80x128xf32, #tpu.memory_space<vmem_shared>>)
      tpu.yield
    }) : () -> ()
    %barrier3A_109 = arith.constant 0 : index
    tpu.barrier barrier_id(%barrier3A_109)
    %add3A_110 = arith.constant 0 : i32
    %add3A_111 = arith.addi %add3A_92, %add3A_110 : i32
    "tpu.region"() ({
      %run_scoped3A_248 = tpu.sem_alloc : memref<!tpu.dma_semaphore, #tpu.memory_space<semaphore_mem>>
      %dma_start3A_249 = tpu.memref_slice %arg3[%add3A_111] : memref<640000xi32, #tpu.memory_space<hbm>> -> memref<80xi32, #tpu.memory_space<hbm>>
      %dma_start3A_250 = tpu.memref_slice %arg3[%add3A_111] : memref<640000xi32, #tpu.memory_space<hbm>> -> memref<80xi32, #tpu.memory_space<hbm>>
      tpu.enqueue_dma source(%dma_start3A_250 : memref<80xi32, #tpu.memory_space<hbm>>) target(%arg9 : memref<80xi32, #tpu.memory_space<vmem>>) target_semaphore(%run_scoped3A_248 : memref<!tpu.dma_semaphore, #tpu.memory_space<semaphore_mem>>)
      %dma_wait3A_251 = tpu.memref_slice %arg3[%add3A_111] : memref<640000xi32, #tpu.memory_space<hbm>> -> memref<80xi32, #tpu.memory_space<hbm>>
      %dma_wait3A_252 = tpu.memref_slice %arg3[%add3A_111] : memref<640000xi32, #tpu.memory_space<hbm>> -> memref<80xi32, #tpu.memory_space<hbm>>
      tpu.wait_dma2 semaphore(%run_scoped3A_248 : memref<!tpu.dma_semaphore, #tpu.memory_space<semaphore_mem>>) src(%dma_wait3A_252 : memref<80xi32, #tpu.memory_space<hbm>>) dst(%arg9 : memref<80xi32, #tpu.memory_space<vmem>>)
      tpu.yield
    }) : () -> ()
    %dma_start3A_112 = arith.constant 0 : i32
    %dma_start3A_113 = arith.constant 0 : i32
    %dma_start3A_114 = tpu.memref_slice %arg2[%dma_start3A_112, %dma_start3A_113] : memref<40000x128xf32, #tpu.memory_space<hbm>> -> memref<40000x128xf32, #tpu.memory_space<hbm>>
    tpu.enqueue_indirect_dma source(%dma_start3A_114 : memref<40000x128xf32, #tpu.memory_space<hbm>>) target(%arg12 : memref<80x128xf32, #tpu.memory_space<vmem>>) offsets(%arg9 : memref<80xi32, #tpu.memory_space<vmem>>) semaphore(%arg14 : memref<!tpu.dma_semaphore, #tpu.memory_space<semaphore_mem>>)
    %add3A_115 = arith.constant 80 : i32
    %add3A_116 = arith.addi %add3A_92, %add3A_115 : i32
    "tpu.region"() ({
      %run_scoped3A_248 = tpu.sem_alloc : memref<!tpu.dma_semaphore, #tpu.memory_space<semaphore_mem>>
      %dma_start3A_249 = tpu.memref_slice %arg3[%add3A_116] : memref<640000xi32, #tpu.memory_space<hbm>> -> memref<80xi32, #tpu.memory_space<hbm>>
      %dma_start3A_250 = tpu.memref_slice %arg3[%add3A_116] : memref<640000xi32, #tpu.memory_space<hbm>> -> memref<80xi32, #tpu.memory_space<hbm>>
      tpu.enqueue_dma source(%dma_start3A_250 : memref<80xi32, #tpu.memory_space<hbm>>) target(%arg10 : memref<80xi32, #tpu.memory_space<vmem>>) target_semaphore(%run_scoped3A_248 : memref<!tpu.dma_semaphore, #tpu.memory_space<semaphore_mem>>)
      %dma_wait3A_251 = tpu.memref_slice %arg3[%add3A_116] : memref<640000xi32, #tpu.memory_space<hbm>> -> memref<80xi32, #tpu.memory_space<hbm>>
      %dma_wait3A_252 = tpu.memref_slice %arg3[%add3A_116] : memref<640000xi32, #tpu.memory_space<hbm>> -> memref<80xi32, #tpu.memory_space<hbm>>
      tpu.wait_dma2 semaphore(%run_scoped3A_248 : memref<!tpu.dma_semaphore, #tpu.memory_space<semaphore_mem>>) src(%dma_wait3A_252 : memref<80xi32, #tpu.memory_space<hbm>>) dst(%arg10 : memref<80xi32, #tpu.memory_space<vmem>>)
      tpu.yield
    }) : () -> ()
    %dma_start3A_117 = arith.constant 0 : i32
    %dma_start3A_118 = arith.constant 0 : i32
    %dma_start3A_119 = tpu.memref_slice %arg2[%dma_start3A_117, %dma_start3A_118] : memref<40000x128xf32, #tpu.memory_space<hbm>> -> memref<40000x128xf32, #tpu.memory_space<hbm>>
    tpu.enqueue_indirect_dma source(%dma_start3A_119 : memref<40000x128xf32, #tpu.memory_space<hbm>>) target(%arg13 : memref<80x128xf32, #tpu.memory_space<vmem>>) offsets(%arg10 : memref<80xi32, #tpu.memory_space<vmem>>) semaphore(%arg15 : memref<!tpu.dma_semaphore, #tpu.memory_space<semaphore_mem>>)
    %scan3A_120 = arith.constant 0 : i32
    %scan3A_121 = arith.constant 0 : i32
    %scan3A_122 = arith.constant 61 : i32
    %scan3A_123 = arith.addi %scan3A_121, %scan3A_122 : i32
    %scan3A_124 = arith.constant 1 : i32
    scf.for %scan3A_248 = %scan3A_121 to %scan3A_123 step %scan3A_124  : i32 {
      %mul3A_249 = arith.constant 2 : i32
      %mul3A_250 = arith.muli %mul3A_249, %scan3A_248 : i32
      %dma_wait3A_251 = arith.constant 0 : i32
      %dma_wait3A_252 = arith.constant 0 : i32
      %dma_wait3A_253 = tpu.memref_slice %arg2[%dma_wait3A_251, %dma_wait3A_252] : memref<40000x128xf32, #tpu.memory_space<hbm>> -> memref<40000x128xf32, #tpu.memory_space<hbm>>
      tpu.wait_indirect_dma semaphore(%arg14 : memref<!tpu.dma_semaphore, #tpu.memory_space<semaphore_mem>>) src(%dma_wait3A_253 : memref<40000x128xf32, #tpu.memory_space<hbm>>) dst(%arg12 : memref<80x128xf32, #tpu.memory_space<vmem>>)
      "tpu.region"() ({
        %run_scoped3A_281 = tpu.sem_alloc : memref<!tpu.dma_semaphore, #tpu.memory_space<semaphore_mem>>
        %dma_start3A_282 = arith.constant 0 : i32
        %dma_start3A_283 = tpu.memref_slice %arg11[%mul3A_250, %dma_start3A_282] : memref<125x80xi32, #tpu.memory_space<vmem>> -> memref<1x80xi32, #tpu.memory_space<vmem>>
        %dma_start3A_284 = tpu.memref_squeeze %dma_start3A_283 : memref<1x80xi32, #tpu.memory_space<vmem>> -> memref<80xi32, #tpu.memory_space<vmem>>
        %dma_start3A_285 = arith.constant 0 : i32
        %dma_start3A_286 = arith.constant 0 : i32
        %dma_start3A_287 = tpu.memref_slice %arg8[%dma_start3A_285, %dma_start3A_286] : memref<10240x128xf32, #tpu.memory_space<vmem_shared>> -> memref<10240x128xf32, #tpu.memory_space<vmem_shared>>
        tpu.enqueue_indirect_dma source(%arg12 : memref<80x128xf32, #tpu.memory_space<vmem>>) target(%dma_start3A_287 : memref<10240x128xf32, #tpu.memory_space<vmem_shared>>) offsets(%dma_start3A_284 : memref<80xi32, #tpu.memory_space<vmem>>) semaphore(%run_scoped3A_281 : memref<!tpu.dma_semaphore, #tpu.memory_space<semaphore_mem>>) {add = true}
        %dma_wait3A_288 = arith.constant 0 : i32
        %dma_wait3A_289 = tpu.memref_slice %arg11[%mul3A_250, %dma_wait3A_288] : memref<125x80xi32, #tpu.memory_space<vmem>> -> memref<1x80xi32, #tpu.memory_space<vmem>>
        %dma_wait3A_290 = tpu.memref_squeeze %dma_wait3A_289 : memref<1x80xi32, #tpu.memory_space<vmem>> -> memref<80xi32, #tpu.memory_space<vmem>>
        %dma_wait3A_291 = arith.constant 0 : i32
        %dma_wait3A_292 = arith.constant 0 : i32
        %dma_wait3A_293 = tpu.memref_slice %arg8[%dma_wait3A_291, %dma_wait3A_292] : memref<10240x128xf32, #tpu.memory_space<vmem_shared>> -> memref<10240x128xf32, #tpu.memory_space<vmem_shared>>
        tpu.wait_indirect_dma semaphore(%run_scoped3A_281 : memref<!tpu.dma_semaphore, #tpu.memory_space<semaphore_mem>>) src(%arg12 : memref<80x128xf32, #tpu.memory_space<vmem>>) dst(%dma_wait3A_293 : memref<10240x128xf32, #tpu.memory_space<vmem_shared>>)
        tpu.yield
      }) : () -> ()
      %mul3A_254 = arith.constant 2 : i32
      %mul3A_255 = arith.muli %mul3A_254, %scan3A_248 : i32
      %add3A_256 = arith.constant 2 : i32
      %add3A_257 = arith.addi %mul3A_255, %add3A_256 : i32
      %mul3A_258 = arith.constant 80 : i32
      %mul3A_259 = arith.muli %add3A_257, %mul3A_258 : i32
      %add3A_260 = arith.addi %add3A_92, %mul3A_259 : i32
      "tpu.region"() ({
        %run_scoped3A_281 = tpu.sem_alloc : memref<!tpu.dma_semaphore, #tpu.memory_space<semaphore_mem>>
        %dma_start3A_282 = tpu.memref_slice %arg3[%add3A_260] : memref<640000xi32, #tpu.memory_space<hbm>> -> memref<80xi32, #tpu.memory_space<hbm>>
        %dma_start3A_283 = tpu.memref_slice %arg3[%add3A_260] : memref<640000xi32, #tpu.memory_space<hbm>> -> memref<80xi32, #tpu.memory_space<hbm>>
        tpu.enqueue_dma source(%dma_start3A_283 : memref<80xi32, #tpu.memory_space<hbm>>) target(%arg9 : memref<80xi32, #tpu.memory_space<vmem>>) target_semaphore(%run_scoped3A_281 : memref<!tpu.dma_semaphore, #tpu.memory_space<semaphore_mem>>)
        %dma_wait3A_284 = tpu.memref_slice %arg3[%add3A_260] : memref<640000xi32, #tpu.memory_space<hbm>> -> memref<80xi32, #tpu.memory_space<hbm>>
        %dma_wait3A_285 = tpu.memref_slice %arg3[%add3A_260] : memref<640000xi32, #tpu.memory_space<hbm>> -> memref<80xi32, #tpu.memory_space<hbm>>
        tpu.wait_dma2 semaphore(%run_scoped3A_281 : memref<!tpu.dma_semaphore, #tpu.memory_space<semaphore_mem>>) src(%dma_wait3A_285 : memref<80xi32, #tpu.memory_space<hbm>>) dst(%arg9 : memref<80xi32, #tpu.memory_space<vmem>>)
        tpu.yield
      }) : () -> ()
      %dma_start3A_261 = arith.constant 0 : i32
      %dma_start3A_262 = arith.constant 0 : i32
      %dma_start3A_263 = tpu.memref_slice %arg2[%dma_start3A_261, %dma_start3A_262] : memref<40000x128xf32, #tpu.memory_space<hbm>> -> memref<40000x128xf32, #tpu.memory_space<hbm>>
      tpu.enqueue_indirect_dma source(%dma_start3A_263 : memref<40000x128xf32, #tpu.memory_space<hbm>>) target(%arg12 : memref<80x128xf32, #tpu.memory_space<vmem>>) offsets(%arg9 : memref<80xi32, #tpu.memory_space<vmem>>) semaphore(%arg14 : memref<!tpu.dma_semaphore, #tpu.memory_space<semaphore_mem>>)
      %mul3A_264 = arith.constant 2 : i32
      %mul3A_265 = arith.muli %mul3A_264, %scan3A_248 : i32
      %add3A_266 = arith.constant 1 : i32
      %add3A_267 = arith.addi %mul3A_265, %add3A_266 : i32
      %dma_wait3A_268 = arith.constant 0 : i32
      %dma_wait3A_269 = arith.constant 0 : i32
      %dma_wait3A_270 = tpu.memref_slice %arg2[%dma_wait3A_268, %dma_wait3A_269] : memref<40000x128xf32, #tpu.memory_space<hbm>> -> memref<40000x128xf32, #tpu.memory_space<hbm>>
      tpu.wait_indirect_dma semaphore(%arg15 : memref<!tpu.dma_semaphore, #tpu.memory_space<semaphore_mem>>) src(%dma_wait3A_270 : memref<40000x128xf32, #tpu.memory_space<hbm>>) dst(%arg13 : memref<80x128xf32, #tpu.memory_space<vmem>>)
      "tpu.region"() ({
        %run_scoped3A_281 = tpu.sem_alloc : memref<!tpu.dma_semaphore, #tpu.memory_space<semaphore_mem>>
        %dma_start3A_282 = arith.constant 0 : i32
        %dma_start3A_283 = tpu.memref_slice %arg11[%add3A_267, %dma_start3A_282] : memref<125x80xi32, #tpu.memory_space<vmem>> -> memref<1x80xi32, #tpu.memory_space<vmem>>
        %dma_start3A_284 = tpu.memref_squeeze %dma_start3A_283 : memref<1x80xi32, #tpu.memory_space<vmem>> -> memref<80xi32, #tpu.memory_space<vmem>>
        %dma_start3A_285 = arith.constant 0 : i32
        %dma_start3A_286 = arith.constant 0 : i32
        %dma_start3A_287 = tpu.memref_slice %arg8[%dma_start3A_285, %dma_start3A_286] : memref<10240x128xf32, #tpu.memory_space<vmem_shared>> -> memref<10240x128xf32, #tpu.memory_space<vmem_shared>>
        tpu.enqueue_indirect_dma source(%arg13 : memref<80x128xf32, #tpu.memory_space<vmem>>) target(%dma_start3A_287 : memref<10240x128xf32, #tpu.memory_space<vmem_shared>>) offsets(%dma_start3A_284 : memref<80xi32, #tpu.memory_space<vmem>>) semaphore(%run_scoped3A_281 : memref<!tpu.dma_semaphore, #tpu.memory_space<semaphore_mem>>) {add = true}
        %dma_wait3A_288 = arith.constant 0 : i32
        %dma_wait3A_289 = tpu.memref_slice %arg11[%add3A_267, %dma_wait3A_288] : memref<125x80xi32, #tpu.memory_space<vmem>> -> memref<1x80xi32, #tpu.memory_space<vmem>>
        %dma_wait3A_290 = tpu.memref_squeeze %dma_wait3A_289 : memref<1x80xi32, #tpu.memory_space<vmem>> -> memref<80xi32, #tpu.memory_space<vmem>>
        %dma_wait3A_291 = arith.constant 0 : i32
        %dma_wait3A_292 = arith.constant 0 : i32
        %dma_wait3A_293 = tpu.memref_slice %arg8[%dma_wait3A_291, %dma_wait3A_292] : memref<10240x128xf32, #tpu.memory_space<vmem_shared>> -> memref<10240x128xf32, #tpu.memory_space<vmem_shared>>
        tpu.wait_indirect_dma semaphore(%run_scoped3A_281 : memref<!tpu.dma_semaphore, #tpu.memory_space<semaphore_mem>>) src(%arg13 : memref<80x128xf32, #tpu.memory_space<vmem>>) dst(%dma_wait3A_293 : memref<10240x128xf32, #tpu.memory_space<vmem_shared>>)
        tpu.yield
      }) : () -> ()
      %mul3A_271 = arith.constant 2 : i32
      %mul3A_272 = arith.muli %mul3A_271, %scan3A_248 : i32
      %add3A_273 = arith.constant 3 : i32
      %add3A_274 = arith.addi %mul3A_272, %add3A_273 : i32
      %mul3A_275 = arith.constant 80 : i32
      %mul3A_276 = arith.muli %add3A_274, %mul3A_275 : i32
      %add3A_277 = arith.addi %add3A_92, %mul3A_276 : i32
      "tpu.region"() ({
        %run_scoped3A_281 = tpu.sem_alloc : memref<!tpu.dma_semaphore, #tpu.memory_space<semaphore_mem>>
        %dma_start3A_282 = tpu.memref_slice %arg3[%add3A_277] : memref<640000xi32, #tpu.memory_space<hbm>> -> memref<80xi32, #tpu.memory_space<hbm>>
        %dma_start3A_283 = tpu.memref_slice %arg3[%add3A_277] : memref<640000xi32, #tpu.memory_space<hbm>> -> memref<80xi32, #tpu.memory_space<hbm>>
        tpu.enqueue_dma source(%dma_start3A_283 : memref<80xi32, #tpu.memory_space<hbm>>) target(%arg10 : memref<80xi32, #tpu.memory_space<vmem>>) target_semaphore(%run_scoped3A_281 : memref<!tpu.dma_semaphore, #tpu.memory_space<semaphore_mem>>)
        %dma_wait3A_284 = tpu.memref_slice %arg3[%add3A_277] : memref<640000xi32, #tpu.memory_space<hbm>> -> memref<80xi32, #tpu.memory_space<hbm>>
        %dma_wait3A_285 = tpu.memref_slice %arg3[%add3A_277] : memref<640000xi32, #tpu.memory_space<hbm>> -> memref<80xi32, #tpu.memory_space<hbm>>
        tpu.wait_dma2 semaphore(%run_scoped3A_281 : memref<!tpu.dma_semaphore, #tpu.memory_space<semaphore_mem>>) src(%dma_wait3A_285 : memref<80xi32, #tpu.memory_space<hbm>>) dst(%arg10 : memref<80xi32, #tpu.memory_space<vmem>>)
        tpu.yield
      }) : () -> ()
      %dma_start3A_278 = arith.constant 0 : i32
      %dma_start3A_279 = arith.constant 0 : i32
      %dma_start3A_280 = tpu.memref_slice %arg2[%dma_start3A_278, %dma_start3A_279] : memref<40000x128xf32, #tpu.memory_space<hbm>> -> memref<40000x128xf32, #tpu.memory_space<hbm>>
      tpu.enqueue_indirect_dma source(%dma_start3A_280 : memref<40000x128xf32, #tpu.memory_space<hbm>>) target(%arg13 : memref<80x128xf32, #tpu.memory_space<vmem>>) offsets(%arg10 : memref<80xi32, #tpu.memory_space<vmem>>) semaphore(%arg15 : memref<!tpu.dma_semaphore, #tpu.memory_space<semaphore_mem>>)
    }
    %scan3A_125 = arith.constant 61 : i32
    %dma_wait3A_126 = arith.constant 0 : i32
    %dma_wait3A_127 = arith.constant 0 : i32
    %dma_wait3A_128 = tpu.memref_slice %arg2[%dma_wait3A_126, %dma_wait3A_127] : memref<40000x128xf32, #tpu.memory_space<hbm>> -> memref<40000x128xf32, #tpu.memory_space<hbm>>
    tpu.wait_indirect_dma semaphore(%arg14 : memref<!tpu.dma_semaphore, #tpu.memory_space<semaphore_mem>>) src(%dma_wait3A_128 : memref<40000x128xf32, #tpu.memory_space<hbm>>) dst(%arg12 : memref<80x128xf32, #tpu.memory_space<vmem>>)
    %run_scoped3A_129 = arith.constant 122 : i32
    "tpu.region"() ({
      %run_scoped3A_248 = tpu.sem_alloc : memref<!tpu.dma_semaphore, #tpu.memory_space<semaphore_mem>>
      %dma_start3A_249 = arith.constant 0 : i32
      %dma_start3A_250 = tpu.memref_slice %arg11[%run_scoped3A_129, %dma_start3A_249] : memref<125x80xi32, #tpu.memory_space<vmem>> -> memref<1x80xi32, #tpu.memory_space<vmem>>
      %dma_start3A_251 = tpu.memref_squeeze %dma_start3A_250 : memref<1x80xi32, #tpu.memory_space<vmem>> -> memref<80xi32, #tpu.memory_space<vmem>>
      %dma_start3A_252 = arith.constant 0 : i32
      %dma_start3A_253 = arith.constant 0 : i32
      %dma_start3A_254 = tpu.memref_slice %arg8[%dma_start3A_252, %dma_start3A_253] : memref<10240x128xf32, #tpu.memory_space<vmem_shared>> -> memref<10240x128xf32, #tpu.memory_space<vmem_shared>>
      tpu.enqueue_indirect_dma source(%arg12 : memref<80x128xf32, #tpu.memory_space<vmem>>) target(%dma_start3A_254 : memref<10240x128xf32, #tpu.memory_space<vmem_shared>>) offsets(%dma_start3A_251 : memref<80xi32, #tpu.memory_space<vmem>>) semaphore(%run_scoped3A_248 : memref<!tpu.dma_semaphore, #tpu.memory_space<semaphore_mem>>) {add = true}
      %dma_wait3A_255 = arith.constant 0 : i32
      %dma_wait3A_256 = tpu.memref_slice %arg11[%run_scoped3A_129, %dma_wait3A_255] : memref<125x80xi32, #tpu.memory_space<vmem>> -> memref<1x80xi32, #tpu.memory_space<vmem>>
      %dma_wait3A_257 = tpu.memref_squeeze %dma_wait3A_256 : memref<1x80xi32, #tpu.memory_space<vmem>> -> memref<80xi32, #tpu.memory_space<vmem>>
      %dma_wait3A_258 = arith.constant 0 : i32
      %dma_wait3A_259 = arith.constant 0 : i32
      %dma_wait3A_260 = tpu.memref_slice %arg8[%dma_wait3A_258, %dma_wait3A_259] : memref<10240x128xf32, #tpu.memory_space<vmem_shared>> -> memref<10240x128xf32, #tpu.memory_space<vmem_shared>>
      tpu.wait_indirect_dma semaphore(%run_scoped3A_248 : memref<!tpu.dma_semaphore, #tpu.memory_space<semaphore_mem>>) src(%arg12 : memref<80x128xf32, #tpu.memory_space<vmem>>) dst(%dma_wait3A_260 : memref<10240x128xf32, #tpu.memory_space<vmem_shared>>)
      tpu.yield
    }) : () -> ()
    %dma_wait3A_130 = arith.constant 0 : i32
    %dma_wait3A_131 = arith.constant 0 : i32
    %dma_wait3A_132 = tpu.memref_slice %arg2[%dma_wait3A_130, %dma_wait3A_131] : memref<40000x128xf32, #tpu.memory_space<hbm>> -> memref<40000x128xf32, #tpu.memory_space<hbm>>
    tpu.wait_indirect_dma semaphore(%arg15 : memref<!tpu.dma_semaphore, #tpu.memory_space<semaphore_mem>>) src(%dma_wait3A_132 : memref<40000x128xf32, #tpu.memory_space<hbm>>) dst(%arg13 : memref<80x128xf32, #tpu.memory_space<vmem>>)
    %run_scoped3A_133 = arith.constant 123 : i32
    "tpu.region"() ({
      %run_scoped3A_248 = tpu.sem_alloc : memref<!tpu.dma_semaphore, #tpu.memory_space<semaphore_mem>>
      %dma_start3A_249 = arith.constant 0 : i32
      %dma_start3A_250 = tpu.memref_slice %arg11[%run_scoped3A_133, %dma_start3A_249] : memref<125x80xi32, #tpu.memory_space<vmem>> -> memref<1x80xi32, #tpu.memory_space<vmem>>
      %dma_start3A_251 = tpu.memref_squeeze %dma_start3A_250 : memref<1x80xi32, #tpu.memory_space<vmem>> -> memref<80xi32, #tpu.memory_space<vmem>>
      %dma_start3A_252 = arith.constant 0 : i32
      %dma_start3A_253 = arith.constant 0 : i32
      %dma_start3A_254 = tpu.memref_slice %arg8[%dma_start3A_252, %dma_start3A_253] : memref<10240x128xf32, #tpu.memory_space<vmem_shared>> -> memref<10240x128xf32, #tpu.memory_space<vmem_shared>>
      tpu.enqueue_indirect_dma source(%arg13 : memref<80x128xf32, #tpu.memory_space<vmem>>) target(%dma_start3A_254 : memref<10240x128xf32, #tpu.memory_space<vmem_shared>>) offsets(%dma_start3A_251 : memref<80xi32, #tpu.memory_space<vmem>>) semaphore(%run_scoped3A_248 : memref<!tpu.dma_semaphore, #tpu.memory_space<semaphore_mem>>) {add = true}
      %dma_wait3A_255 = arith.constant 0 : i32
      %dma_wait3A_256 = tpu.memref_slice %arg11[%run_scoped3A_133, %dma_wait3A_255] : memref<125x80xi32, #tpu.memory_space<vmem>> -> memref<1x80xi32, #tpu.memory_space<vmem>>
      %dma_wait3A_257 = tpu.memref_squeeze %dma_wait3A_256 : memref<1x80xi32, #tpu.memory_space<vmem>> -> memref<80xi32, #tpu.memory_space<vmem>>
      %dma_wait3A_258 = arith.constant 0 : i32
      %dma_wait3A_259 = arith.constant 0 : i32
      %dma_wait3A_260 = tpu.memref_slice %arg8[%dma_wait3A_258, %dma_wait3A_259] : memref<10240x128xf32, #tpu.memory_space<vmem_shared>> -> memref<10240x128xf32, #tpu.memory_space<vmem_shared>>
      tpu.wait_indirect_dma semaphore(%run_scoped3A_248 : memref<!tpu.dma_semaphore, #tpu.memory_space<semaphore_mem>>) src(%arg13 : memref<80x128xf32, #tpu.memory_space<vmem>>) dst(%dma_wait3A_260 : memref<10240x128xf32, #tpu.memory_space<vmem_shared>>)
      tpu.yield
    }) : () -> ()
    %add3A_134 = arith.constant 9920 : i32
    %add3A_135 = arith.addi %add3A_92, %add3A_134 : i32
    "tpu.region"() ({
      %run_scoped3A_248 = tpu.sem_alloc : memref<!tpu.dma_semaphore, #tpu.memory_space<semaphore_mem>>
      %dma_start3A_249 = tpu.memref_slice %arg3[%add3A_135] : memref<640000xi32, #tpu.memory_space<hbm>> -> memref<80xi32, #tpu.memory_space<hbm>>
      %dma_start3A_250 = tpu.memref_slice %arg3[%add3A_135] : memref<640000xi32, #tpu.memory_space<hbm>> -> memref<80xi32, #tpu.memory_space<hbm>>
      tpu.enqueue_dma source(%dma_start3A_250 : memref<80xi32, #tpu.memory_space<hbm>>) target(%arg9 : memref<80xi32, #tpu.memory_space<vmem>>) target_semaphore(%run_scoped3A_248 : memref<!tpu.dma_semaphore, #tpu.memory_space<semaphore_mem>>)
      %dma_wait3A_251 = tpu.memref_slice %arg3[%add3A_135] : memref<640000xi32, #tpu.memory_space<hbm>> -> memref<80xi32, #tpu.memory_space<hbm>>
      %dma_wait3A_252 = tpu.memref_slice %arg3[%add3A_135] : memref<640000xi32, #tpu.memory_space<hbm>> -> memref<80xi32, #tpu.memory_space<hbm>>
      tpu.wait_dma2 semaphore(%run_scoped3A_248 : memref<!tpu.dma_semaphore, #tpu.memory_space<semaphore_mem>>) src(%dma_wait3A_252 : memref<80xi32, #tpu.memory_space<hbm>>) dst(%arg9 : memref<80xi32, #tpu.memory_space<vmem>>)
      tpu.yield
    }) : () -> ()
    %dma_start3A_136 = arith.constant 0 : i32
    %dma_start3A_137 = arith.constant 0 : i32
    %dma_start3A_138 = tpu.memref_slice %arg2[%dma_start3A_136, %dma_start3A_137] : memref<40000x128xf32, #tpu.memory_space<hbm>> -> memref<40000x128xf32, #tpu.memory_space<hbm>>
    tpu.enqueue_indirect_dma source(%dma_start3A_138 : memref<40000x128xf32, #tpu.memory_space<hbm>>) target(%arg12 : memref<80x128xf32, #tpu.memory_space<vmem>>) offsets(%arg9 : memref<80xi32, #tpu.memory_space<vmem>>) semaphore(%arg14 : memref<!tpu.dma_semaphore, #tpu.memory_space<semaphore_mem>>)
    %dma_wait3A_139 = arith.constant 0 : i32
    %dma_wait3A_140 = arith.constant 0 : i32
    %dma_wait3A_141 = tpu.memref_slice %arg2[%dma_wait3A_139, %dma_wait3A_140] : memref<40000x128xf32, #tpu.memory_space<hbm>> -> memref<40000x128xf32, #tpu.memory_space<hbm>>
    tpu.wait_indirect_dma semaphore(%arg14 : memref<!tpu.dma_semaphore, #tpu.memory_space<semaphore_mem>>) src(%dma_wait3A_141 : memref<40000x128xf32, #tpu.memory_space<hbm>>) dst(%arg12 : memref<80x128xf32, #tpu.memory_space<vmem>>)
    %run_scoped3A_142 = arith.constant 124 : i32
    "tpu.region"() ({
      %run_scoped3A_248 = tpu.sem_alloc : memref<!tpu.dma_semaphore, #tpu.memory_space<semaphore_mem>>
      %dma_start3A_249 = arith.constant 0 : i32
      %dma_start3A_250 = tpu.memref_slice %arg11[%run_scoped3A_142, %dma_start3A_249] : memref<125x80xi32, #tpu.memory_space<vmem>> -> memref<1x80xi32, #tpu.memory_space<vmem>>
      %dma_start3A_251 = tpu.memref_squeeze %dma_start3A_250 : memref<1x80xi32, #tpu.memory_space<vmem>> -> memref<80xi32, #tpu.memory_space<vmem>>
      %dma_start3A_252 = arith.constant 0 : i32
      %dma_start3A_253 = arith.constant 0 : i32
      %dma_start3A_254 = tpu.memref_slice %arg8[%dma_start3A_252, %dma_start3A_253] : memref<10240x128xf32, #tpu.memory_space<vmem_shared>> -> memref<10240x128xf32, #tpu.memory_space<vmem_shared>>
      tpu.enqueue_indirect_dma source(%arg12 : memref<80x128xf32, #tpu.memory_space<vmem>>) target(%dma_start3A_254 : memref<10240x128xf32, #tpu.memory_space<vmem_shared>>) offsets(%dma_start3A_251 : memref<80xi32, #tpu.memory_space<vmem>>) semaphore(%run_scoped3A_248 : memref<!tpu.dma_semaphore, #tpu.memory_space<semaphore_mem>>) {add = true}
      %dma_wait3A_255 = arith.constant 0 : i32
      %dma_wait3A_256 = tpu.memref_slice %arg11[%run_scoped3A_142, %dma_wait3A_255] : memref<125x80xi32, #tpu.memory_space<vmem>> -> memref<1x80xi32, #tpu.memory_space<vmem>>
      %dma_wait3A_257 = tpu.memref_squeeze %dma_wait3A_256 : memref<1x80xi32, #tpu.memory_space<vmem>> -> memref<80xi32, #tpu.memory_space<vmem>>
      %dma_wait3A_258 = arith.constant 0 : i32
      %dma_wait3A_259 = arith.constant 0 : i32
      %dma_wait3A_260 = tpu.memref_slice %arg8[%dma_wait3A_258, %dma_wait3A_259] : memref<10240x128xf32, #tpu.memory_space<vmem_shared>> -> memref<10240x128xf32, #tpu.memory_space<vmem_shared>>
      tpu.wait_indirect_dma semaphore(%run_scoped3A_248 : memref<!tpu.dma_semaphore, #tpu.memory_space<semaphore_mem>>) src(%arg12 : memref<80x128xf32, #tpu.memory_space<vmem>>) dst(%dma_wait3A_260 : memref<10240x128xf32, #tpu.memory_space<vmem_shared>>)
      tpu.yield
    }) : () -> ()
    %barrier3A_143 = arith.constant 0 : index
    tpu.barrier barrier_id(%barrier3A_143)
    %mul3A_144 = arith.constant 10240 : i32
    %mul3A_145 = arith.muli %add3A_89, %mul3A_144 : i32
    %add3A_146 = arith.addi %mul3A_145, %mul3A_2 : i32
    %add3A_147 = arith.constant 0 : i32
    %add3A_148 = arith.addi %mul3A_2, %add3A_147 : i32
    "tpu.region"() ({
      %run_scoped3A_248 = tpu.sem_alloc : memref<!tpu.dma_semaphore, #tpu.memory_space<semaphore_mem>>
      %dma_start3A_249 = arith.constant 0 : i32
      %dma_start3A_250 = tpu.memref_slice %arg8[%add3A_148, %dma_start3A_249] : memref<10240x128xf32, #tpu.memory_space<vmem_shared>> -> memref<80x128xf32, #tpu.memory_space<vmem_shared>>
      %dma_start3A_251 = arith.constant 0 : i32
      %dma_start3A_252 = tpu.memref_slice %arg8[%add3A_148, %dma_start3A_251] : memref<10240x128xf32, #tpu.memory_space<vmem_shared>> -> memref<80x128xf32, #tpu.memory_space<vmem_shared>>
      tpu.enqueue_dma source(%dma_start3A_252 : memref<80x128xf32, #tpu.memory_space<vmem_shared>>) target(%arg12 : memref<80x128xf32, #tpu.memory_space<vmem>>) target_semaphore(%run_scoped3A_248 : memref<!tpu.dma_semaphore, #tpu.memory_space<semaphore_mem>>)
      %dma_wait3A_253 = arith.constant 0 : i32
      %dma_wait3A_254 = tpu.memref_slice %arg8[%add3A_148, %dma_wait3A_253] : memref<10240x128xf32, #tpu.memory_space<vmem_shared>> -> memref<80x128xf32, #tpu.memory_space<vmem_shared>>
      %dma_wait3A_255 = arith.constant 0 : i32
      %dma_wait3A_256 = tpu.memref_slice %arg8[%add3A_148, %dma_wait3A_255] : memref<10240x128xf32, #tpu.memory_space<vmem_shared>> -> memref<80x128xf32, #tpu.memory_space<vmem_shared>>
      tpu.wait_dma2 semaphore(%run_scoped3A_248 : memref<!tpu.dma_semaphore, #tpu.memory_space<semaphore_mem>>) src(%dma_wait3A_256 : memref<80x128xf32, #tpu.memory_space<vmem_shared>>) dst(%arg12 : memref<80x128xf32, #tpu.memory_space<vmem>>)
      tpu.yield
    }) : () -> ()
    %add3A_149 = arith.constant 0 : i32
    %add3A_150 = arith.addi %add3A_146, %add3A_149 : i32
    "tpu.region"() ({
      %run_scoped3A_248 = tpu.sem_alloc : memref<!tpu.dma_semaphore, #tpu.memory_space<semaphore_mem>>
      %dma_start3A_249 = arith.constant 0 : i32
      %dma_start3A_250 = tpu.memref_slice %arg7[%add3A_150, %dma_start3A_249] : memref<61440x128xf32, #tpu.memory_space<hbm>> -> memref<80x128xf32, #tpu.memory_space<hbm>>
      %dma_start3A_251 = arith.constant 0 : i32
      %dma_start3A_252 = tpu.memref_slice %arg7[%add3A_150, %dma_start3A_251] : memref<61440x128xf32, #tpu.memory_space<hbm>> -> memref<80x128xf32, #tpu.memory_space<hbm>>
      tpu.enqueue_dma source(%arg12 : memref<80x128xf32, #tpu.memory_space<vmem>>) target(%dma_start3A_252 : memref<80x128xf32, #tpu.memory_space<hbm>>) target_semaphore(%run_scoped3A_248 : memref<!tpu.dma_semaphore, #tpu.memory_space<semaphore_mem>>)
      %dma_wait3A_253 = arith.constant 0 : i32
      %dma_wait3A_254 = tpu.memref_slice %arg7[%add3A_150, %dma_wait3A_253] : memref<61440x128xf32, #tpu.memory_space<hbm>> -> memref<80x128xf32, #tpu.memory_space<hbm>>
      %dma_wait3A_255 = arith.constant 0 : i32
      %dma_wait3A_256 = tpu.memref_slice %arg7[%add3A_150, %dma_wait3A_255] : memref<61440x128xf32, #tpu.memory_space<hbm>> -> memref<80x128xf32, #tpu.memory_space<hbm>>
      tpu.wait_dma2 semaphore(%run_scoped3A_248 : memref<!tpu.dma_semaphore, #tpu.memory_space<semaphore_mem>>) src(%arg12 : memref<80x128xf32, #tpu.memory_space<vmem>>) dst(%dma_wait3A_256 : memref<80x128xf32, #tpu.memory_space<hbm>>)
      tpu.yield
    }) : () -> ()
    %add3A_151 = arith.constant 80 : i32
    %add3A_152 = arith.addi %mul3A_2, %add3A_151 : i32
    "tpu.region"() ({
      %run_scoped3A_248 = tpu.sem_alloc : memref<!tpu.dma_semaphore, #tpu.memory_space<semaphore_mem>>
      %dma_start3A_249 = arith.constant 0 : i32
      %dma_start3A_250 = tpu.memref_slice %arg8[%add3A_152, %dma_start3A_249] : memref<10240x128xf32, #tpu.memory_space<vmem_shared>> -> memref<80x128xf32, #tpu.memory_space<vmem_shared>>
      %dma_start3A_251 = arith.constant 0 : i32
      %dma_start3A_252 = tpu.memref_slice %arg8[%add3A_152, %dma_start3A_251] : memref<10240x128xf32, #tpu.memory_space<vmem_shared>> -> memref<80x128xf32, #tpu.memory_space<vmem_shared>>
      tpu.enqueue_dma source(%dma_start3A_252 : memref<80x128xf32, #tpu.memory_space<vmem_shared>>) target(%arg12 : memref<80x128xf32, #tpu.memory_space<vmem>>) target_semaphore(%run_scoped3A_248 : memref<!tpu.dma_semaphore, #tpu.memory_space<semaphore_mem>>)
      %dma_wait3A_253 = arith.constant 0 : i32
      %dma_wait3A_254 = tpu.memref_slice %arg8[%add3A_152, %dma_wait3A_253] : memref<10240x128xf32, #tpu.memory_space<vmem_shared>> -> memref<80x128xf32, #tpu.memory_space<vmem_shared>>
      %dma_wait3A_255 = arith.constant 0 : i32
      %dma_wait3A_256 = tpu.memref_slice %arg8[%add3A_152, %dma_wait3A_255] : memref<10240x128xf32, #tpu.memory_space<vmem_shared>> -> memref<80x128xf32, #tpu.memory_space<vmem_shared>>
      tpu.wait_dma2 semaphore(%run_scoped3A_248 : memref<!tpu.dma_semaphore, #tpu.memory_space<semaphore_mem>>) src(%dma_wait3A_256 : memref<80x128xf32, #tpu.memory_space<vmem_shared>>) dst(%arg12 : memref<80x128xf32, #tpu.memory_space<vmem>>)
      tpu.yield
    }) : () -> ()
    %add3A_153 = arith.constant 80 : i32
    %add3A_154 = arith.addi %add3A_146, %add3A_153 : i32
    "tpu.region"() ({
      %run_scoped3A_248 = tpu.sem_alloc : memref<!tpu.dma_semaphore, #tpu.memory_space<semaphore_mem>>
      %dma_start3A_249 = arith.constant 0 : i32
      %dma_start3A_250 = tpu.memref_slice %arg7[%add3A_154, %dma_start3A_249] : memref<61440x128xf32, #tpu.memory_space<hbm>> -> memref<80x128xf32, #tpu.memory_space<hbm>>
      %dma_start3A_251 = arith.constant 0 : i32
      %dma_start3A_252 = tpu.memref_slice %arg7[%add3A_154, %dma_start3A_251] : memref<61440x128xf32, #tpu.memory_space<hbm>> -> memref<80x128xf32, #tpu.memory_space<hbm>>
      tpu.enqueue_dma source(%arg12 : memref<80x128xf32, #tpu.memory_space<vmem>>) target(%dma_start3A_252 : memref<80x128xf32, #tpu.memory_space<hbm>>) target_semaphore(%run_scoped3A_248 : memref<!tpu.dma_semaphore, #tpu.memory_space<semaphore_mem>>)
      %dma_wait3A_253 = arith.constant 0 : i32
      %dma_wait3A_254 = tpu.memref_slice %arg7[%add3A_154, %dma_wait3A_253] : memref<61440x128xf32, #tpu.memory_space<hbm>> -> memref<80x128xf32, #tpu.memory_space<hbm>>
      %dma_wait3A_255 = arith.constant 0 : i32
      %dma_wait3A_256 = tpu.memref_slice %arg7[%add3A_154, %dma_wait3A_255] : memref<61440x128xf32, #tpu.memory_space<hbm>> -> memref<80x128xf32, #tpu.memory_space<hbm>>
      tpu.wait_dma2 semaphore(%run_scoped3A_248 : memref<!tpu.dma_semaphore, #tpu.memory_space<semaphore_mem>>) src(%arg12 : memref<80x128xf32, #tpu.memory_space<vmem>>) dst(%dma_wait3A_256 : memref<80x128xf32, #tpu.memory_space<hbm>>)
      tpu.yield
    }) : () -> ()
    %add3A_155 = arith.constant 160 : i32
    %add3A_156 = arith.addi %mul3A_2, %add3A_155 : i32
    "tpu.region"() ({
      %run_scoped3A_248 = tpu.sem_alloc : memref<!tpu.dma_semaphore, #tpu.memory_space<semaphore_mem>>
      %dma_start3A_249 = arith.constant 0 : i32
      %dma_start3A_250 = tpu.memref_slice %arg8[%add3A_156, %dma_start3A_249] : memref<10240x128xf32, #tpu.memory_space<vmem_shared>> -> memref<80x128xf32, #tpu.memory_space<vmem_shared>>
      %dma_start3A_251 = arith.constant 0 : i32
      %dma_start3A_252 = tpu.memref_slice %arg8[%add3A_156, %dma_start3A_251] : memref<10240x128xf32, #tpu.memory_space<vmem_shared>> -> memref<80x128xf32, #tpu.memory_space<vmem_shared>>
      tpu.enqueue_dma source(%dma_start3A_252 : memref<80x128xf32, #tpu.memory_space<vmem_shared>>) target(%arg12 : memref<80x128xf32, #tpu.memory_space<vmem>>) target_semaphore(%run_scoped3A_248 : memref<!tpu.dma_semaphore, #tpu.memory_space<semaphore_mem>>)
      %dma_wait3A_253 = arith.constant 0 : i32
      %dma_wait3A_254 = tpu.memref_slice %arg8[%add3A_156, %dma_wait3A_253] : memref<10240x128xf32, #tpu.memory_space<vmem_shared>> -> memref<80x128xf32, #tpu.memory_space<vmem_shared>>
      %dma_wait3A_255 = arith.constant 0 : i32
      %dma_wait3A_256 = tpu.memref_slice %arg8[%add3A_156, %dma_wait3A_255] : memref<10240x128xf32, #tpu.memory_space<vmem_shared>> -> memref<80x128xf32, #tpu.memory_space<vmem_shared>>
      tpu.wait_dma2 semaphore(%run_scoped3A_248 : memref<!tpu.dma_semaphore, #tpu.memory_space<semaphore_mem>>) src(%dma_wait3A_256 : memref<80x128xf32, #tpu.memory_space<vmem_shared>>) dst(%arg12 : memref<80x128xf32, #tpu.memory_space<vmem>>)
      tpu.yield
    }) : () -> ()
    %add3A_157 = arith.constant 160 : i32
    %add3A_158 = arith.addi %add3A_146, %add3A_157 : i32
    "tpu.region"() ({
      %run_scoped3A_248 = tpu.sem_alloc : memref<!tpu.dma_semaphore, #tpu.memory_space<semaphore_mem>>
      %dma_start3A_249 = arith.constant 0 : i32
      %dma_start3A_250 = tpu.memref_slice %arg7[%add3A_158, %dma_start3A_249] : memref<61440x128xf32, #tpu.memory_space<hbm>> -> memref<80x128xf32, #tpu.memory_space<hbm>>
      %dma_start3A_251 = arith.constant 0 : i32
      %dma_start3A_252 = tpu.memref_slice %arg7[%add3A_158, %dma_start3A_251] : memref<61440x128xf32, #tpu.memory_space<hbm>> -> memref<80x128xf32, #tpu.memory_space<hbm>>
      tpu.enqueue_dma source(%arg12 : memref<80x128xf32, #tpu.memory_space<vmem>>) target(%dma_start3A_252 : memref<80x128xf32, #tpu.memory_space<hbm>>) target_semaphore(%run_scoped3A_248 : memref<!tpu.dma_semaphore, #tpu.memory_space<semaphore_mem>>)
      %dma_wait3A_253 = arith.constant 0 : i32
      %dma_wait3A_254 = tpu.memref_slice %arg7[%add3A_158, %dma_wait3A_253] : memref<61440x128xf32, #tpu.memory_space<hbm>> -> memref<80x128xf32, #tpu.memory_space<hbm>>
      %dma_wait3A_255 = arith.constant 0 : i32
      %dma_wait3A_256 = tpu.memref_slice %arg7[%add3A_158, %dma_wait3A_255] : memref<61440x128xf32, #tpu.memory_space<hbm>> -> memref<80x128xf32, #tpu.memory_space<hbm>>
      tpu.wait_dma2 semaphore(%run_scoped3A_248 : memref<!tpu.dma_semaphore, #tpu.memory_space<semaphore_mem>>) src(%arg12 : memref<80x128xf32, #tpu.memory_space<vmem>>) dst(%dma_wait3A_256 : memref<80x128xf32, #tpu.memory_space<hbm>>)
      tpu.yield
    }) : () -> ()
    %add3A_159 = arith.constant 240 : i32
    %add3A_160 = arith.addi %mul3A_2, %add3A_159 : i32
    "tpu.region"() ({
      %run_scoped3A_248 = tpu.sem_alloc : memref<!tpu.dma_semaphore, #tpu.memory_space<semaphore_mem>>
      %dma_start3A_249 = arith.constant 0 : i32
      %dma_start3A_250 = tpu.memref_slice %arg8[%add3A_160, %dma_start3A_249] : memref<10240x128xf32, #tpu.memory_space<vmem_shared>> -> memref<80x128xf32, #tpu.memory_space<vmem_shared>>
      %dma_start3A_251 = arith.constant 0 : i32
      %dma_start3A_252 = tpu.memref_slice %arg8[%add3A_160, %dma_start3A_251] : memref<10240x128xf32, #tpu.memory_space<vmem_shared>> -> memref<80x128xf32, #tpu.memory_space<vmem_shared>>
      tpu.enqueue_dma source(%dma_start3A_252 : memref<80x128xf32, #tpu.memory_space<vmem_shared>>) target(%arg12 : memref<80x128xf32, #tpu.memory_space<vmem>>) target_semaphore(%run_scoped3A_248 : memref<!tpu.dma_semaphore, #tpu.memory_space<semaphore_mem>>)
      %dma_wait3A_253 = arith.constant 0 : i32
      %dma_wait3A_254 = tpu.memref_slice %arg8[%add3A_160, %dma_wait3A_253] : memref<10240x128xf32, #tpu.memory_space<vmem_shared>> -> memref<80x128xf32, #tpu.memory_space<vmem_shared>>
      %dma_wait3A_255 = arith.constant 0 : i32
      %dma_wait3A_256 = tpu.memref_slice %arg8[%add3A_160, %dma_wait3A_255] : memref<10240x128xf32, #tpu.memory_space<vmem_shared>> -> memref<80x128xf32, #tpu.memory_space<vmem_shared>>
      tpu.wait_dma2 semaphore(%run_scoped3A_248 : memref<!tpu.dma_semaphore, #tpu.memory_space<semaphore_mem>>) src(%dma_wait3A_256 : memref<80x128xf32, #tpu.memory_space<vmem_shared>>) dst(%arg12 : memref<80x128xf32, #tpu.memory_space<vmem>>)
      tpu.yield
    }) : () -> ()
    %add3A_161 = arith.constant 240 : i32
    %add3A_162 = arith.addi %add3A_146, %add3A_161 : i32
    "tpu.region"() ({
      %run_scoped3A_248 = tpu.sem_alloc : memref<!tpu.dma_semaphore, #tpu.memory_space<semaphore_mem>>
      %dma_start3A_249 = arith.constant 0 : i32
      %dma_start3A_250 = tpu.memref_slice %arg7[%add3A_162, %dma_start3A_249] : memref<61440x128xf32, #tpu.memory_space<hbm>> -> memref<80x128xf32, #tpu.memory_space<hbm>>
      %dma_start3A_251 = arith.constant 0 : i32
      %dma_start3A_252 = tpu.memref_slice %arg7[%add3A_162, %dma_start3A_251] : memref<61440x128xf32, #tpu.memory_space<hbm>> -> memref<80x128xf32, #tpu.memory_space<hbm>>
      tpu.enqueue_dma source(%arg12 : memref<80x128xf32, #tpu.memory_space<vmem>>) target(%dma_start3A_252 : memref<80x128xf32, #tpu.memory_space<hbm>>) target_semaphore(%run_scoped3A_248 : memref<!tpu.dma_semaphore, #tpu.memory_space<semaphore_mem>>)
      %dma_wait3A_253 = arith.constant 0 : i32
      %dma_wait3A_254 = tpu.memref_slice %arg7[%add3A_162, %dma_wait3A_253] : memref<61440x128xf32, #tpu.memory_space<hbm>> -> memref<80x128xf32, #tpu.memory_space<hbm>>
      %dma_wait3A_255 = arith.constant 0 : i32
      %dma_wait3A_256 = tpu.memref_slice %arg7[%add3A_162, %dma_wait3A_255] : memref<61440x128xf32, #tpu.memory_space<hbm>> -> memref<80x128xf32, #tpu.memory_space<hbm>>
      tpu.wait_dma2 semaphore(%run_scoped3A_248 : memref<!tpu.dma_semaphore, #tpu.memory_space<semaphore_mem>>) src(%arg12 : memref<80x128xf32, #tpu.memory_space<vmem>>) dst(%dma_wait3A_256 : memref<80x128xf32, #tpu.memory_space<hbm>>)
      tpu.yield
    }) : () -> ()
    %add3A_163 = arith.constant 320 : i32
    %add3A_164 = arith.addi %mul3A_2, %add3A_163 : i32
    "tpu.region"() ({
      %run_scoped3A_248 = tpu.sem_alloc : memref<!tpu.dma_semaphore, #tpu.memory_space<semaphore_mem>>
      %dma_start3A_249 = arith.constant 0 : i32
      %dma_start3A_250 = tpu.memref_slice %arg8[%add3A_164, %dma_start3A_249] : memref<10240x128xf32, #tpu.memory_space<vmem_shared>> -> memref<80x128xf32, #tpu.memory_space<vmem_shared>>
      %dma_start3A_251 = arith.constant 0 : i32
      %dma_start3A_252 = tpu.memref_slice %arg8[%add3A_164, %dma_start3A_251] : memref<10240x128xf32, #tpu.memory_space<vmem_shared>> -> memref<80x128xf32, #tpu.memory_space<vmem_shared>>
      tpu.enqueue_dma source(%dma_start3A_252 : memref<80x128xf32, #tpu.memory_space<vmem_shared>>) target(%arg12 : memref<80x128xf32, #tpu.memory_space<vmem>>) target_semaphore(%run_scoped3A_248 : memref<!tpu.dma_semaphore, #tpu.memory_space<semaphore_mem>>)
      %dma_wait3A_253 = arith.constant 0 : i32
      %dma_wait3A_254 = tpu.memref_slice %arg8[%add3A_164, %dma_wait3A_253] : memref<10240x128xf32, #tpu.memory_space<vmem_shared>> -> memref<80x128xf32, #tpu.memory_space<vmem_shared>>
      %dma_wait3A_255 = arith.constant 0 : i32
      %dma_wait3A_256 = tpu.memref_slice %arg8[%add3A_164, %dma_wait3A_255] : memref<10240x128xf32, #tpu.memory_space<vmem_shared>> -> memref<80x128xf32, #tpu.memory_space<vmem_shared>>
      tpu.wait_dma2 semaphore(%run_scoped3A_248 : memref<!tpu.dma_semaphore, #tpu.memory_space<semaphore_mem>>) src(%dma_wait3A_256 : memref<80x128xf32, #tpu.memory_space<vmem_shared>>) dst(%arg12 : memref<80x128xf32, #tpu.memory_space<vmem>>)
      tpu.yield
    }) : () -> ()
    %add3A_165 = arith.constant 320 : i32
    %add3A_166 = arith.addi %add3A_146, %add3A_165 : i32
    "tpu.region"() ({
      %run_scoped3A_248 = tpu.sem_alloc : memref<!tpu.dma_semaphore, #tpu.memory_space<semaphore_mem>>
      %dma_start3A_249 = arith.constant 0 : i32
      %dma_start3A_250 = tpu.memref_slice %arg7[%add3A_166, %dma_start3A_249] : memref<61440x128xf32, #tpu.memory_space<hbm>> -> memref<80x128xf32, #tpu.memory_space<hbm>>
      %dma_start3A_251 = arith.constant 0 : i32
      %dma_start3A_252 = tpu.memref_slice %arg7[%add3A_166, %dma_start3A_251] : memref<61440x128xf32, #tpu.memory_space<hbm>> -> memref<80x128xf32, #tpu.memory_space<hbm>>
      tpu.enqueue_dma source(%arg12 : memref<80x128xf32, #tpu.memory_space<vmem>>) target(%dma_start3A_252 : memref<80x128xf32, #tpu.memory_space<hbm>>) target_semaphore(%run_scoped3A_248 : memref<!tpu.dma_semaphore, #tpu.memory_space<semaphore_mem>>)
      %dma_wait3A_253 = arith.constant 0 : i32
      %dma_wait3A_254 = tpu.memref_slice %arg7[%add3A_166, %dma_wait3A_253] : memref<61440x128xf32, #tpu.memory_space<hbm>> -> memref<80x128xf32, #tpu.memory_space<hbm>>
      %dma_wait3A_255 = arith.constant 0 : i32
      %dma_wait3A_256 = tpu.memref_slice %arg7[%add3A_166, %dma_wait3A_255] : memref<61440x128xf32, #tpu.memory_space<hbm>> -> memref<80x128xf32, #tpu.memory_space<hbm>>
      tpu.wait_dma2 semaphore(%run_scoped3A_248 : memref<!tpu.dma_semaphore, #tpu.memory_space<semaphore_mem>>) src(%arg12 : memref<80x128xf32, #tpu.memory_space<vmem>>) dst(%dma_wait3A_256 : memref<80x128xf32, #tpu.memory_space<hbm>>)
      tpu.yield
    }) : () -> ()
    %add3A_167 = arith.constant 400 : i32
    %add3A_168 = arith.addi %mul3A_2, %add3A_167 : i32
    "tpu.region"() ({
      %run_scoped3A_248 = tpu.sem_alloc : memref<!tpu.dma_semaphore, #tpu.memory_space<semaphore_mem>>
      %dma_start3A_249 = arith.constant 0 : i32
      %dma_start3A_250 = tpu.memref_slice %arg8[%add3A_168, %dma_start3A_249] : memref<10240x128xf32, #tpu.memory_space<vmem_shared>> -> memref<80x128xf32, #tpu.memory_space<vmem_shared>>
      %dma_start3A_251 = arith.constant 0 : i32
      %dma_start3A_252 = tpu.memref_slice %arg8[%add3A_168, %dma_start3A_251] : memref<10240x128xf32, #tpu.memory_space<vmem_shared>> -> memref<80x128xf32, #tpu.memory_space<vmem_shared>>
      tpu.enqueue_dma source(%dma_start3A_252 : memref<80x128xf32, #tpu.memory_space<vmem_shared>>) target(%arg12 : memref<80x128xf32, #tpu.memory_space<vmem>>) target_semaphore(%run_scoped3A_248 : memref<!tpu.dma_semaphore, #tpu.memory_space<semaphore_mem>>)
      %dma_wait3A_253 = arith.constant 0 : i32
      %dma_wait3A_254 = tpu.memref_slice %arg8[%add3A_168, %dma_wait3A_253] : memref<10240x128xf32, #tpu.memory_space<vmem_shared>> -> memref<80x128xf32, #tpu.memory_space<vmem_shared>>
      %dma_wait3A_255 = arith.constant 0 : i32
      %dma_wait3A_256 = tpu.memref_slice %arg8[%add3A_168, %dma_wait3A_255] : memref<10240x128xf32, #tpu.memory_space<vmem_shared>> -> memref<80x128xf32, #tpu.memory_space<vmem_shared>>
      tpu.wait_dma2 semaphore(%run_scoped3A_248 : memref<!tpu.dma_semaphore, #tpu.memory_space<semaphore_mem>>) src(%dma_wait3A_256 : memref<80x128xf32, #tpu.memory_space<vmem_shared>>) dst(%arg12 : memref<80x128xf32, #tpu.memory_space<vmem>>)
      tpu.yield
    }) : () -> ()
    %add3A_169 = arith.constant 400 : i32
    %add3A_170 = arith.addi %add3A_146, %add3A_169 : i32
    "tpu.region"() ({
      %run_scoped3A_248 = tpu.sem_alloc : memref<!tpu.dma_semaphore, #tpu.memory_space<semaphore_mem>>
      %dma_start3A_249 = arith.constant 0 : i32
      %dma_start3A_250 = tpu.memref_slice %arg7[%add3A_170, %dma_start3A_249] : memref<61440x128xf32, #tpu.memory_space<hbm>> -> memref<80x128xf32, #tpu.memory_space<hbm>>
      %dma_start3A_251 = arith.constant 0 : i32
      %dma_start3A_252 = tpu.memref_slice %arg7[%add3A_170, %dma_start3A_251] : memref<61440x128xf32, #tpu.memory_space<hbm>> -> memref<80x128xf32, #tpu.memory_space<hbm>>
      tpu.enqueue_dma source(%arg12 : memref<80x128xf32, #tpu.memory_space<vmem>>) target(%dma_start3A_252 : memref<80x128xf32, #tpu.memory_space<hbm>>) target_semaphore(%run_scoped3A_248 : memref<!tpu.dma_semaphore, #tpu.memory_space<semaphore_mem>>)
      %dma_wait3A_253 = arith.constant 0 : i32
      %dma_wait3A_254 = tpu.memref_slice %arg7[%add3A_170, %dma_wait3A_253] : memref<61440x128xf32, #tpu.memory_space<hbm>> -> memref<80x128xf32, #tpu.memory_space<hbm>>
      %dma_wait3A_255 = arith.constant 0 : i32
      %dma_wait3A_256 = tpu.memref_slice %arg7[%add3A_170, %dma_wait3A_255] : memref<61440x128xf32, #tpu.memory_space<hbm>> -> memref<80x128xf32, #tpu.memory_space<hbm>>
      tpu.wait_dma2 semaphore(%run_scoped3A_248 : memref<!tpu.dma_semaphore, #tpu.memory_space<semaphore_mem>>) src(%arg12 : memref<80x128xf32, #tpu.memory_space<vmem>>) dst(%dma_wait3A_256 : memref<80x128xf32, #tpu.memory_space<hbm>>)
      tpu.yield
    }) : () -> ()
    %add3A_171 = arith.constant 480 : i32
    %add3A_172 = arith.addi %mul3A_2, %add3A_171 : i32
    "tpu.region"() ({
      %run_scoped3A_248 = tpu.sem_alloc : memref<!tpu.dma_semaphore, #tpu.memory_space<semaphore_mem>>
      %dma_start3A_249 = arith.constant 0 : i32
      %dma_start3A_250 = tpu.memref_slice %arg8[%add3A_172, %dma_start3A_249] : memref<10240x128xf32, #tpu.memory_space<vmem_shared>> -> memref<80x128xf32, #tpu.memory_space<vmem_shared>>
      %dma_start3A_251 = arith.constant 0 : i32
      %dma_start3A_252 = tpu.memref_slice %arg8[%add3A_172, %dma_start3A_251] : memref<10240x128xf32, #tpu.memory_space<vmem_shared>> -> memref<80x128xf32, #tpu.memory_space<vmem_shared>>
      tpu.enqueue_dma source(%dma_start3A_252 : memref<80x128xf32, #tpu.memory_space<vmem_shared>>) target(%arg12 : memref<80x128xf32, #tpu.memory_space<vmem>>) target_semaphore(%run_scoped3A_248 : memref<!tpu.dma_semaphore, #tpu.memory_space<semaphore_mem>>)
      %dma_wait3A_253 = arith.constant 0 : i32
      %dma_wait3A_254 = tpu.memref_slice %arg8[%add3A_172, %dma_wait3A_253] : memref<10240x128xf32, #tpu.memory_space<vmem_shared>> -> memref<80x128xf32, #tpu.memory_space<vmem_shared>>
      %dma_wait3A_255 = arith.constant 0 : i32
      %dma_wait3A_256 = tpu.memref_slice %arg8[%add3A_172, %dma_wait3A_255] : memref<10240x128xf32, #tpu.memory_space<vmem_shared>> -> memref<80x128xf32, #tpu.memory_space<vmem_shared>>
      tpu.wait_dma2 semaphore(%run_scoped3A_248 : memref<!tpu.dma_semaphore, #tpu.memory_space<semaphore_mem>>) src(%dma_wait3A_256 : memref<80x128xf32, #tpu.memory_space<vmem_shared>>) dst(%arg12 : memref<80x128xf32, #tpu.memory_space<vmem>>)
      tpu.yield
    }) : () -> ()
    %add3A_173 = arith.constant 480 : i32
    %add3A_174 = arith.addi %add3A_146, %add3A_173 : i32
    "tpu.region"() ({
      %run_scoped3A_248 = tpu.sem_alloc : memref<!tpu.dma_semaphore, #tpu.memory_space<semaphore_mem>>
      %dma_start3A_249 = arith.constant 0 : i32
      %dma_start3A_250 = tpu.memref_slice %arg7[%add3A_174, %dma_start3A_249] : memref<61440x128xf32, #tpu.memory_space<hbm>> -> memref<80x128xf32, #tpu.memory_space<hbm>>
      %dma_start3A_251 = arith.constant 0 : i32
      %dma_start3A_252 = tpu.memref_slice %arg7[%add3A_174, %dma_start3A_251] : memref<61440x128xf32, #tpu.memory_space<hbm>> -> memref<80x128xf32, #tpu.memory_space<hbm>>
      tpu.enqueue_dma source(%arg12 : memref<80x128xf32, #tpu.memory_space<vmem>>) target(%dma_start3A_252 : memref<80x128xf32, #tpu.memory_space<hbm>>) target_semaphore(%run_scoped3A_248 : memref<!tpu.dma_semaphore, #tpu.memory_space<semaphore_mem>>)
      %dma_wait3A_253 = arith.constant 0 : i32
      %dma_wait3A_254 = tpu.memref_slice %arg7[%add3A_174, %dma_wait3A_253] : memref<61440x128xf32, #tpu.memory_space<hbm>> -> memref<80x128xf32, #tpu.memory_space<hbm>>
      %dma_wait3A_255 = arith.constant 0 : i32
      %dma_wait3A_256 = tpu.memref_slice %arg7[%add3A_174, %dma_wait3A_255] : memref<61440x128xf32, #tpu.memory_space<hbm>> -> memref<80x128xf32, #tpu.memory_space<hbm>>
      tpu.wait_dma2 semaphore(%run_scoped3A_248 : memref<!tpu.dma_semaphore, #tpu.memory_space<semaphore_mem>>) src(%arg12 : memref<80x128xf32, #tpu.memory_space<vmem>>) dst(%dma_wait3A_256 : memref<80x128xf32, #tpu.memory_space<hbm>>)
      tpu.yield
    }) : () -> ()
    %add3A_175 = arith.constant 560 : i32
    %add3A_176 = arith.addi %mul3A_2, %add3A_175 : i32
    "tpu.region"() ({
      %run_scoped3A_248 = tpu.sem_alloc : memref<!tpu.dma_semaphore, #tpu.memory_space<semaphore_mem>>
      %dma_start3A_249 = arith.constant 0 : i32
      %dma_start3A_250 = tpu.memref_slice %arg8[%add3A_176, %dma_start3A_249] : memref<10240x128xf32, #tpu.memory_space<vmem_shared>> -> memref<80x128xf32, #tpu.memory_space<vmem_shared>>
      %dma_start3A_251 = arith.constant 0 : i32
      %dma_start3A_252 = tpu.memref_slice %arg8[%add3A_176, %dma_start3A_251] : memref<10240x128xf32, #tpu.memory_space<vmem_shared>> -> memref<80x128xf32, #tpu.memory_space<vmem_shared>>
      tpu.enqueue_dma source(%dma_start3A_252 : memref<80x128xf32, #tpu.memory_space<vmem_shared>>) target(%arg12 : memref<80x128xf32, #tpu.memory_space<vmem>>) target_semaphore(%run_scoped3A_248 : memref<!tpu.dma_semaphore, #tpu.memory_space<semaphore_mem>>)
      %dma_wait3A_253 = arith.constant 0 : i32
      %dma_wait3A_254 = tpu.memref_slice %arg8[%add3A_176, %dma_wait3A_253] : memref<10240x128xf32, #tpu.memory_space<vmem_shared>> -> memref<80x128xf32, #tpu.memory_space<vmem_shared>>
      %dma_wait3A_255 = arith.constant 0 : i32
      %dma_wait3A_256 = tpu.memref_slice %arg8[%add3A_176, %dma_wait3A_255] : memref<10240x128xf32, #tpu.memory_space<vmem_shared>> -> memref<80x128xf32, #tpu.memory_space<vmem_shared>>
      tpu.wait_dma2 semaphore(%run_scoped3A_248 : memref<!tpu.dma_semaphore, #tpu.memory_space<semaphore_mem>>) src(%dma_wait3A_256 : memref<80x128xf32, #tpu.memory_space<vmem_shared>>) dst(%arg12 : memref<80x128xf32, #tpu.memory_space<vmem>>)
      tpu.yield
    }) : () -> ()
    %add3A_177 = arith.constant 560 : i32
    %add3A_178 = arith.addi %add3A_146, %add3A_177 : i32
    "tpu.region"() ({
      %run_scoped3A_248 = tpu.sem_alloc : memref<!tpu.dma_semaphore, #tpu.memory_space<semaphore_mem>>
      %dma_start3A_249 = arith.constant 0 : i32
      %dma_start3A_250 = tpu.memref_slice %arg7[%add3A_178, %dma_start3A_249] : memref<61440x128xf32, #tpu.memory_space<hbm>> -> memref<80x128xf32, #tpu.memory_space<hbm>>
      %dma_start3A_251 = arith.constant 0 : i32
      %dma_start3A_252 = tpu.memref_slice %arg7[%add3A_178, %dma_start3A_251] : memref<61440x128xf32, #tpu.memory_space<hbm>> -> memref<80x128xf32, #tpu.memory_space<hbm>>
      tpu.enqueue_dma source(%arg12 : memref<80x128xf32, #tpu.memory_space<vmem>>) target(%dma_start3A_252 : memref<80x128xf32, #tpu.memory_space<hbm>>) target_semaphore(%run_scoped3A_248 : memref<!tpu.dma_semaphore, #tpu.memory_space<semaphore_mem>>)
      %dma_wait3A_253 = arith.constant 0 : i32
      %dma_wait3A_254 = tpu.memref_slice %arg7[%add3A_178, %dma_wait3A_253] : memref<61440x128xf32, #tpu.memory_space<hbm>> -> memref<80x128xf32, #tpu.memory_space<hbm>>
      %dma_wait3A_255 = arith.constant 0 : i32
      %dma_wait3A_256 = tpu.memref_slice %arg7[%add3A_178, %dma_wait3A_255] : memref<61440x128xf32, #tpu.memory_space<hbm>> -> memref<80x128xf32, #tpu.memory_space<hbm>>
      tpu.wait_dma2 semaphore(%run_scoped3A_248 : memref<!tpu.dma_semaphore, #tpu.memory_space<semaphore_mem>>) src(%arg12 : memref<80x128xf32, #tpu.memory_space<vmem>>) dst(%dma_wait3A_256 : memref<80x128xf32, #tpu.memory_space<hbm>>)
      tpu.yield
    }) : () -> ()
    "tpu.region"() ({
      %run_scoped3A_248 = tpu.sem_alloc : memref<!tpu.dma_semaphore, #tpu.memory_space<semaphore_mem>>
      tpu.enqueue_dma source(%arg5 : memref<80x128xf32, #tpu.memory_space<hbm>>) target(%arg12 : memref<80x128xf32, #tpu.memory_space<vmem>>) target_semaphore(%run_scoped3A_248 : memref<!tpu.dma_semaphore, #tpu.memory_space<semaphore_mem>>)
      tpu.wait_dma2 semaphore(%run_scoped3A_248 : memref<!tpu.dma_semaphore, #tpu.memory_space<semaphore_mem>>) src(%arg5 : memref<80x128xf32, #tpu.memory_space<hbm>>) dst(%arg12 : memref<80x128xf32, #tpu.memory_space<vmem>>)
      tpu.yield
    }) : () -> ()
    %add3A_179 = arith.constant 0 : i32
    %add3A_180 = arith.addi %mul3A_2, %add3A_179 : i32
    "tpu.region"() ({
      %run_scoped3A_248 = tpu.sem_alloc : memref<!tpu.dma_semaphore, #tpu.memory_space<semaphore_mem>>
      %dma_start3A_249 = arith.constant 0 : i32
      %dma_start3A_250 = tpu.memref_slice %arg8[%add3A_180, %dma_start3A_249] : memref<10240x128xf32, #tpu.memory_space<vmem_shared>> -> memref<80x128xf32, #tpu.memory_space<vmem_shared>>
      %dma_start3A_251 = arith.constant 0 : i32
      %dma_start3A_252 = tpu.memref_slice %arg8[%add3A_180, %dma_start3A_251] : memref<10240x128xf32, #tpu.memory_space<vmem_shared>> -> memref<80x128xf32, #tpu.memory_space<vmem_shared>>
      tpu.enqueue_dma source(%arg12 : memref<80x128xf32, #tpu.memory_space<vmem>>) target(%dma_start3A_252 : memref<80x128xf32, #tpu.memory_space<vmem_shared>>) target_semaphore(%run_scoped3A_248 : memref<!tpu.dma_semaphore, #tpu.memory_space<semaphore_mem>>)
      %dma_wait3A_253 = arith.constant 0 : i32
      %dma_wait3A_254 = tpu.memref_slice %arg8[%add3A_180, %dma_wait3A_253] : memref<10240x128xf32, #tpu.memory_space<vmem_shared>> -> memref<80x128xf32, #tpu.memory_space<vmem_shared>>
      %dma_wait3A_255 = arith.constant 0 : i32
      %dma_wait3A_256 = tpu.memref_slice %arg8[%add3A_180, %dma_wait3A_255] : memref<10240x128xf32, #tpu.memory_space<vmem_shared>> -> memref<80x128xf32, #tpu.memory_space<vmem_shared>>
      tpu.wait_dma2 semaphore(%run_scoped3A_248 : memref<!tpu.dma_semaphore, #tpu.memory_space<semaphore_mem>>) src(%arg12 : memref<80x128xf32, #tpu.memory_space<vmem>>) dst(%dma_wait3A_256 : memref<80x128xf32, #tpu.memory_space<vmem_shared>>)
      tpu.yield
    }) : () -> ()
    %add3A_181 = arith.constant 80 : i32
    %add3A_182 = arith.addi %mul3A_2, %add3A_181 : i32
    "tpu.region"() ({
      %run_scoped3A_248 = tpu.sem_alloc : memref<!tpu.dma_semaphore, #tpu.memory_space<semaphore_mem>>
      %dma_start3A_249 = arith.constant 0 : i32
      %dma_start3A_250 = tpu.memref_slice %arg8[%add3A_182, %dma_start3A_249] : memref<10240x128xf32, #tpu.memory_space<vmem_shared>> -> memref<80x128xf32, #tpu.memory_space<vmem_shared>>
      %dma_start3A_251 = arith.constant 0 : i32
      %dma_start3A_252 = tpu.memref_slice %arg8[%add3A_182, %dma_start3A_251] : memref<10240x128xf32, #tpu.memory_space<vmem_shared>> -> memref<80x128xf32, #tpu.memory_space<vmem_shared>>
      tpu.enqueue_dma source(%arg12 : memref<80x128xf32, #tpu.memory_space<vmem>>) target(%dma_start3A_252 : memref<80x128xf32, #tpu.memory_space<vmem_shared>>) target_semaphore(%run_scoped3A_248 : memref<!tpu.dma_semaphore, #tpu.memory_space<semaphore_mem>>)
      %dma_wait3A_253 = arith.constant 0 : i32
      %dma_wait3A_254 = tpu.memref_slice %arg8[%add3A_182, %dma_wait3A_253] : memref<10240x128xf32, #tpu.memory_space<vmem_shared>> -> memref<80x128xf32, #tpu.memory_space<vmem_shared>>
      %dma_wait3A_255 = arith.constant 0 : i32
      %dma_wait3A_256 = tpu.memref_slice %arg8[%add3A_182, %dma_wait3A_255] : memref<10240x128xf32, #tpu.memory_space<vmem_shared>> -> memref<80x128xf32, #tpu.memory_space<vmem_shared>>
      tpu.wait_dma2 semaphore(%run_scoped3A_248 : memref<!tpu.dma_semaphore, #tpu.memory_space<semaphore_mem>>) src(%arg12 : memref<80x128xf32, #tpu.memory_space<vmem>>) dst(%dma_wait3A_256 : memref<80x128xf32, #tpu.memory_space<vmem_shared>>)
      tpu.yield
    }) : () -> ()
    %add3A_183 = arith.constant 160 : i32
    %add3A_184 = arith.addi %mul3A_2, %add3A_183 : i32
    "tpu.region"() ({
      %run_scoped3A_248 = tpu.sem_alloc : memref<!tpu.dma_semaphore, #tpu.memory_space<semaphore_mem>>
      %dma_start3A_249 = arith.constant 0 : i32
      %dma_start3A_250 = tpu.memref_slice %arg8[%add3A_184, %dma_start3A_249] : memref<10240x128xf32, #tpu.memory_space<vmem_shared>> -> memref<80x128xf32, #tpu.memory_space<vmem_shared>>
      %dma_start3A_251 = arith.constant 0 : i32
      %dma_start3A_252 = tpu.memref_slice %arg8[%add3A_184, %dma_start3A_251] : memref<10240x128xf32, #tpu.memory_space<vmem_shared>> -> memref<80x128xf32, #tpu.memory_space<vmem_shared>>
      tpu.enqueue_dma source(%arg12 : memref<80x128xf32, #tpu.memory_space<vmem>>) target(%dma_start3A_252 : memref<80x128xf32, #tpu.memory_space<vmem_shared>>) target_semaphore(%run_scoped3A_248 : memref<!tpu.dma_semaphore, #tpu.memory_space<semaphore_mem>>)
      %dma_wait3A_253 = arith.constant 0 : i32
      %dma_wait3A_254 = tpu.memref_slice %arg8[%add3A_184, %dma_wait3A_253] : memref<10240x128xf32, #tpu.memory_space<vmem_shared>> -> memref<80x128xf32, #tpu.memory_space<vmem_shared>>
      %dma_wait3A_255 = arith.constant 0 : i32
      %dma_wait3A_256 = tpu.memref_slice %arg8[%add3A_184, %dma_wait3A_255] : memref<10240x128xf32, #tpu.memory_space<vmem_shared>> -> memref<80x128xf32, #tpu.memory_space<vmem_shared>>
      tpu.wait_dma2 semaphore(%run_scoped3A_248 : memref<!tpu.dma_semaphore, #tpu.memory_space<semaphore_mem>>) src(%arg12 : memref<80x128xf32, #tpu.memory_space<vmem>>) dst(%dma_wait3A_256 : memref<80x128xf32, #tpu.memory_space<vmem_shared>>)
      tpu.yield
    }) : () -> ()
    %add3A_185 = arith.constant 240 : i32
    %add3A_186 = arith.addi %mul3A_2, %add3A_185 : i32
    "tpu.region"() ({
      %run_scoped3A_248 = tpu.sem_alloc : memref<!tpu.dma_semaphore, #tpu.memory_space<semaphore_mem>>
      %dma_start3A_249 = arith.constant 0 : i32
      %dma_start3A_250 = tpu.memref_slice %arg8[%add3A_186, %dma_start3A_249] : memref<10240x128xf32, #tpu.memory_space<vmem_shared>> -> memref<80x128xf32, #tpu.memory_space<vmem_shared>>
      %dma_start3A_251 = arith.constant 0 : i32
      %dma_start3A_252 = tpu.memref_slice %arg8[%add3A_186, %dma_start3A_251] : memref<10240x128xf32, #tpu.memory_space<vmem_shared>> -> memref<80x128xf32, #tpu.memory_space<vmem_shared>>
      tpu.enqueue_dma source(%arg12 : memref<80x128xf32, #tpu.memory_space<vmem>>) target(%dma_start3A_252 : memref<80x128xf32, #tpu.memory_space<vmem_shared>>) target_semaphore(%run_scoped3A_248 : memref<!tpu.dma_semaphore, #tpu.memory_space<semaphore_mem>>)
      %dma_wait3A_253 = arith.constant 0 : i32
      %dma_wait3A_254 = tpu.memref_slice %arg8[%add3A_186, %dma_wait3A_253] : memref<10240x128xf32, #tpu.memory_space<vmem_shared>> -> memref<80x128xf32, #tpu.memory_space<vmem_shared>>
      %dma_wait3A_255 = arith.constant 0 : i32
      %dma_wait3A_256 = tpu.memref_slice %arg8[%add3A_186, %dma_wait3A_255] : memref<10240x128xf32, #tpu.memory_space<vmem_shared>> -> memref<80x128xf32, #tpu.memory_space<vmem_shared>>
      tpu.wait_dma2 semaphore(%run_scoped3A_248 : memref<!tpu.dma_semaphore, #tpu.memory_space<semaphore_mem>>) src(%arg12 : memref<80x128xf32, #tpu.memory_space<vmem>>) dst(%dma_wait3A_256 : memref<80x128xf32, #tpu.memory_space<vmem_shared>>)
      tpu.yield
    }) : () -> ()
    %add3A_187 = arith.constant 320 : i32
    %add3A_188 = arith.addi %mul3A_2, %add3A_187 : i32
    "tpu.region"() ({
      %run_scoped3A_248 = tpu.sem_alloc : memref<!tpu.dma_semaphore, #tpu.memory_space<semaphore_mem>>
      %dma_start3A_249 = arith.constant 0 : i32
      %dma_start3A_250 = tpu.memref_slice %arg8[%add3A_188, %dma_start3A_249] : memref<10240x128xf32, #tpu.memory_space<vmem_shared>> -> memref<80x128xf32, #tpu.memory_space<vmem_shared>>
      %dma_start3A_251 = arith.constant 0 : i32
      %dma_start3A_252 = tpu.memref_slice %arg8[%add3A_188, %dma_start3A_251] : memref<10240x128xf32, #tpu.memory_space<vmem_shared>> -> memref<80x128xf32, #tpu.memory_space<vmem_shared>>
      tpu.enqueue_dma source(%arg12 : memref<80x128xf32, #tpu.memory_space<vmem>>) target(%dma_start3A_252 : memref<80x128xf32, #tpu.memory_space<vmem_shared>>) target_semaphore(%run_scoped3A_248 : memref<!tpu.dma_semaphore, #tpu.memory_space<semaphore_mem>>)
      %dma_wait3A_253 = arith.constant 0 : i32
      %dma_wait3A_254 = tpu.memref_slice %arg8[%add3A_188, %dma_wait3A_253] : memref<10240x128xf32, #tpu.memory_space<vmem_shared>> -> memref<80x128xf32, #tpu.memory_space<vmem_shared>>
      %dma_wait3A_255 = arith.constant 0 : i32
      %dma_wait3A_256 = tpu.memref_slice %arg8[%add3A_188, %dma_wait3A_255] : memref<10240x128xf32, #tpu.memory_space<vmem_shared>> -> memref<80x128xf32, #tpu.memory_space<vmem_shared>>
      tpu.wait_dma2 semaphore(%run_scoped3A_248 : memref<!tpu.dma_semaphore, #tpu.memory_space<semaphore_mem>>) src(%arg12 : memref<80x128xf32, #tpu.memory_space<vmem>>) dst(%dma_wait3A_256 : memref<80x128xf32, #tpu.memory_space<vmem_shared>>)
      tpu.yield
    }) : () -> ()
    %add3A_189 = arith.constant 400 : i32
    %add3A_190 = arith.addi %mul3A_2, %add3A_189 : i32
    "tpu.region"() ({
      %run_scoped3A_248 = tpu.sem_alloc : memref<!tpu.dma_semaphore, #tpu.memory_space<semaphore_mem>>
      %dma_start3A_249 = arith.constant 0 : i32
      %dma_start3A_250 = tpu.memref_slice %arg8[%add3A_190, %dma_start3A_249] : memref<10240x128xf32, #tpu.memory_space<vmem_shared>> -> memref<80x128xf32, #tpu.memory_space<vmem_shared>>
      %dma_start3A_251 = arith.constant 0 : i32
      %dma_start3A_252 = tpu.memref_slice %arg8[%add3A_190, %dma_start3A_251] : memref<10240x128xf32, #tpu.memory_space<vmem_shared>> -> memref<80x128xf32, #tpu.memory_space<vmem_shared>>
      tpu.enqueue_dma source(%arg12 : memref<80x128xf32, #tpu.memory_space<vmem>>) target(%dma_start3A_252 : memref<80x128xf32, #tpu.memory_space<vmem_shared>>) target_semaphore(%run_scoped3A_248 : memref<!tpu.dma_semaphore, #tpu.memory_space<semaphore_mem>>)
      %dma_wait3A_253 = arith.constant 0 : i32
      %dma_wait3A_254 = tpu.memref_slice %arg8[%add3A_190, %dma_wait3A_253] : memref<10240x128xf32, #tpu.memory_space<vmem_shared>> -> memref<80x128xf32, #tpu.memory_space<vmem_shared>>
      %dma_wait3A_255 = arith.constant 0 : i32
      %dma_wait3A_256 = tpu.memref_slice %arg8[%add3A_190, %dma_wait3A_255] : memref<10240x128xf32, #tpu.memory_space<vmem_shared>> -> memref<80x128xf32, #tpu.memory_space<vmem_shared>>
      tpu.wait_dma2 semaphore(%run_scoped3A_248 : memref<!tpu.dma_semaphore, #tpu.memory_space<semaphore_mem>>) src(%arg12 : memref<80x128xf32, #tpu.memory_space<vmem>>) dst(%dma_wait3A_256 : memref<80x128xf32, #tpu.memory_space<vmem_shared>>)
      tpu.yield
    }) : () -> ()
    %add3A_191 = arith.constant 480 : i32
    %add3A_192 = arith.addi %mul3A_2, %add3A_191 : i32
    "tpu.region"() ({
      %run_scoped3A_248 = tpu.sem_alloc : memref<!tpu.dma_semaphore, #tpu.memory_space<semaphore_mem>>
      %dma_start3A_249 = arith.constant 0 : i32
      %dma_start3A_250 = tpu.memref_slice %arg8[%add3A_192, %dma_start3A_249] : memref<10240x128xf32, #tpu.memory_space<vmem_shared>> -> memref<80x128xf32, #tpu.memory_space<vmem_shared>>
      %dma_start3A_251 = arith.constant 0 : i32
      %dma_start3A_252 = tpu.memref_slice %arg8[%add3A_192, %dma_start3A_251] : memref<10240x128xf32, #tpu.memory_space<vmem_shared>> -> memref<80x128xf32, #tpu.memory_space<vmem_shared>>
      tpu.enqueue_dma source(%arg12 : memref<80x128xf32, #tpu.memory_space<vmem>>) target(%dma_start3A_252 : memref<80x128xf32, #tpu.memory_space<vmem_shared>>) target_semaphore(%run_scoped3A_248 : memref<!tpu.dma_semaphore, #tpu.memory_space<semaphore_mem>>)
      %dma_wait3A_253 = arith.constant 0 : i32
      %dma_wait3A_254 = tpu.memref_slice %arg8[%add3A_192, %dma_wait3A_253] : memref<10240x128xf32, #tpu.memory_space<vmem_shared>> -> memref<80x128xf32, #tpu.memory_space<vmem_shared>>
      %dma_wait3A_255 = arith.constant 0 : i32
      %dma_wait3A_256 = tpu.memref_slice %arg8[%add3A_192, %dma_wait3A_255] : memref<10240x128xf32, #tpu.memory_space<vmem_shared>> -> memref<80x128xf32, #tpu.memory_space<vmem_shared>>
      tpu.wait_dma2 semaphore(%run_scoped3A_248 : memref<!tpu.dma_semaphore, #tpu.memory_space<semaphore_mem>>) src(%arg12 : memref<80x128xf32, #tpu.memory_space<vmem>>) dst(%dma_wait3A_256 : memref<80x128xf32, #tpu.memory_space<vmem_shared>>)
      tpu.yield
    }) : () -> ()
    %add3A_193 = arith.constant 560 : i32
    %add3A_194 = arith.addi %mul3A_2, %add3A_193 : i32
    "tpu.region"() ({
      %run_scoped3A_248 = tpu.sem_alloc : memref<!tpu.dma_semaphore, #tpu.memory_space<semaphore_mem>>
      %dma_start3A_249 = arith.constant 0 : i32
      %dma_start3A_250 = tpu.memref_slice %arg8[%add3A_194, %dma_start3A_249] : memref<10240x128xf32, #tpu.memory_space<vmem_shared>> -> memref<80x128xf32, #tpu.memory_space<vmem_shared>>
      %dma_start3A_251 = arith.constant 0 : i32
      %dma_start3A_252 = tpu.memref_slice %arg8[%add3A_194, %dma_start3A_251] : memref<10240x128xf32, #tpu.memory_space<vmem_shared>> -> memref<80x128xf32, #tpu.memory_space<vmem_shared>>
      tpu.enqueue_dma source(%arg12 : memref<80x128xf32, #tpu.memory_space<vmem>>) target(%dma_start3A_252 : memref<80x128xf32, #tpu.memory_space<vmem_shared>>) target_semaphore(%run_scoped3A_248 : memref<!tpu.dma_semaphore, #tpu.memory_space<semaphore_mem>>)
      %dma_wait3A_253 = arith.constant 0 : i32
      %dma_wait3A_254 = tpu.memref_slice %arg8[%add3A_194, %dma_wait3A_253] : memref<10240x128xf32, #tpu.memory_space<vmem_shared>> -> memref<80x128xf32, #tpu.memory_space<vmem_shared>>
      %dma_wait3A_255 = arith.constant 0 : i32
      %dma_wait3A_256 = tpu.memref_slice %arg8[%add3A_194, %dma_wait3A_255] : memref<10240x128xf32, #tpu.memory_space<vmem_shared>> -> memref<80x128xf32, #tpu.memory_space<vmem_shared>>
      tpu.wait_dma2 semaphore(%run_scoped3A_248 : memref<!tpu.dma_semaphore, #tpu.memory_space<semaphore_mem>>) src(%arg12 : memref<80x128xf32, #tpu.memory_space<vmem>>) dst(%dma_wait3A_256 : memref<80x128xf32, #tpu.memory_space<vmem_shared>>)
      tpu.yield
    }) : () -> ()
    "tpu.region"() ({
      %run_scoped3A_248 = tpu.sem_alloc : memref<!tpu.dma_semaphore, #tpu.memory_space<semaphore_mem>>
      tpu.enqueue_dma source(%arg6 : memref<80x128xf32, #tpu.memory_space<hbm>>) target(%arg12 : memref<80x128xf32, #tpu.memory_space<vmem>>) target_semaphore(%run_scoped3A_248 : memref<!tpu.dma_semaphore, #tpu.memory_space<semaphore_mem>>)
      tpu.wait_dma2 semaphore(%run_scoped3A_248 : memref<!tpu.dma_semaphore, #tpu.memory_space<semaphore_mem>>) src(%arg6 : memref<80x128xf32, #tpu.memory_space<hbm>>) dst(%arg12 : memref<80x128xf32, #tpu.memory_space<vmem>>)
      tpu.yield
    }) : () -> ()
    %barrier3A_195 = arith.constant 0 : index
    tpu.barrier barrier_id(%barrier3A_195)
    %mul3A_196 = arith.constant 63 : i32
    %mul3A_197 = arith.muli %mul3A_196, %arg0 : i32
    %mul3A_198 = arith.constant 62 : i32
    %mul3A_199 = arith.muli %arg0, %mul3A_198 : i32
    %add3A_200 = arith.constant 63 : i32
    %add3A_201 = arith.addi %add3A_200, %mul3A_199 : i32
    %while3A = arith.constant 0 : i32
    %while3A_202 = arith.subi %add3A_201, %mul3A_197 : i32
    %while3A_203 = arith.addi %mul3A_197, %while3A_202 : i32
    %while3A_204 = arith.constant 1 : i32
    %while3A_205 = arith.divsi %while3A_202, %while3A_204 : i32
    %while3A_206 = arith.muli %while3A_205, %while3A_204 : i32
    %while3A_207 = arith.addi %mul3A_197, %while3A_206 : i32
    %while3A_208 = arith.constant 1 : i32
    scf.for %while3A_248 = %mul3A_197 to %while3A_207 step %while3A_208  : i32 {
      "tpu.region"() ({
        %run_scoped3A_249 = tpu.sem_alloc : memref<!tpu.dma_semaphore, #tpu.memory_space<semaphore_mem>>
        %dma_start3A_250 = arith.constant 0 : i32
        %dma_start3A_251 = tpu.memref_slice %arg11[%while3A_248, %dma_start3A_250] : memref<125x80xi32, #tpu.memory_space<vmem>> -> memref<1x80xi32, #tpu.memory_space<vmem>>
        %dma_start3A_252 = tpu.memref_squeeze %dma_start3A_251 : memref<1x80xi32, #tpu.memory_space<vmem>> -> memref<80xi32, #tpu.memory_space<vmem>>
        %dma_start3A_253 = arith.constant 0 : i32
        %dma_start3A_254 = arith.constant 0 : i32
        %dma_start3A_255 = tpu.memref_slice %arg8[%dma_start3A_253, %dma_start3A_254] : memref<10240x128xf32, #tpu.memory_space<vmem_shared>> -> memref<10240x128xf32, #tpu.memory_space<vmem_shared>>
        tpu.enqueue_indirect_dma source(%arg12 : memref<80x128xf32, #tpu.memory_space<vmem>>) target(%dma_start3A_255 : memref<10240x128xf32, #tpu.memory_space<vmem_shared>>) offsets(%dma_start3A_252 : memref<80xi32, #tpu.memory_space<vmem>>) semaphore(%run_scoped3A_249 : memref<!tpu.dma_semaphore, #tpu.memory_space<semaphore_mem>>) {add = true}
        %dma_wait3A_256 = arith.constant 0 : i32
        %dma_wait3A_257 = tpu.memref_slice %arg11[%while3A_248, %dma_wait3A_256] : memref<125x80xi32, #tpu.memory_space<vmem>> -> memref<1x80xi32, #tpu.memory_space<vmem>>
        %dma_wait3A_258 = tpu.memref_squeeze %dma_wait3A_257 : memref<1x80xi32, #tpu.memory_space<vmem>> -> memref<80xi32, #tpu.memory_space<vmem>>
        %dma_wait3A_259 = arith.constant 0 : i32
        %dma_wait3A_260 = arith.constant 0 : i32
        %dma_wait3A_261 = tpu.memref_slice %arg8[%dma_wait3A_259, %dma_wait3A_260] : memref<10240x128xf32, #tpu.memory_space<vmem_shared>> -> memref<10240x128xf32, #tpu.memory_space<vmem_shared>>
        tpu.wait_indirect_dma semaphore(%run_scoped3A_249 : memref<!tpu.dma_semaphore, #tpu.memory_space<semaphore_mem>>) src(%arg12 : memref<80x128xf32, #tpu.memory_space<vmem>>) dst(%dma_wait3A_261 : memref<10240x128xf32, #tpu.memory_space<vmem_shared>>)
        tpu.yield
      }) : () -> ()
    }
    %while3A_209 = arith.constant 1 : i32
    scf.for %while3A_248 = %while3A_207 to %while3A_203 step %while3A_209  : i32 {
      "tpu.region"() ({
        %run_scoped3A_249 = tpu.sem_alloc : memref<!tpu.dma_semaphore, #tpu.memory_space<semaphore_mem>>
        %dma_start3A_250 = arith.constant 0 : i32
        %dma_start3A_251 = tpu.memref_slice %arg11[%while3A_248, %dma_start3A_250] : memref<125x80xi32, #tpu.memory_space<vmem>> -> memref<1x80xi32, #tpu.memory_space<vmem>>
        %dma_start3A_252 = tpu.memref_squeeze %dma_start3A_251 : memref<1x80xi32, #tpu.memory_space<vmem>> -> memref<80xi32, #tpu.memory_space<vmem>>
        %dma_start3A_253 = arith.constant 0 : i32
        %dma_start3A_254 = arith.constant 0 : i32
        %dma_start3A_255 = tpu.memref_slice %arg8[%dma_start3A_253, %dma_start3A_254] : memref<10240x128xf32, #tpu.memory_space<vmem_shared>> -> memref<10240x128xf32, #tpu.memory_space<vmem_shared>>
        tpu.enqueue_indirect_dma source(%arg12 : memref<80x128xf32, #tpu.memory_space<vmem>>) target(%dma_start3A_255 : memref<10240x128xf32, #tpu.memory_space<vmem_shared>>) offsets(%dma_start3A_252 : memref<80xi32, #tpu.memory_space<vmem>>) semaphore(%run_scoped3A_249 : memref<!tpu.dma_semaphore, #tpu.memory_space<semaphore_mem>>) {add = true}
        %dma_wait3A_256 = arith.constant 0 : i32
        %dma_wait3A_257 = tpu.memref_slice %arg11[%while3A_248, %dma_wait3A_256] : memref<125x80xi32, #tpu.memory_space<vmem>> -> memref<1x80xi32, #tpu.memory_space<vmem>>
        %dma_wait3A_258 = tpu.memref_squeeze %dma_wait3A_257 : memref<1x80xi32, #tpu.memory_space<vmem>> -> memref<80xi32, #tpu.memory_space<vmem>>
        %dma_wait3A_259 = arith.constant 0 : i32
        %dma_wait3A_260 = arith.constant 0 : i32
        %dma_wait3A_261 = tpu.memref_slice %arg8[%dma_wait3A_259, %dma_wait3A_260] : memref<10240x128xf32, #tpu.memory_space<vmem_shared>> -> memref<10240x128xf32, #tpu.memory_space<vmem_shared>>
        tpu.wait_indirect_dma semaphore(%run_scoped3A_249 : memref<!tpu.dma_semaphore, #tpu.memory_space<semaphore_mem>>) src(%arg12 : memref<80x128xf32, #tpu.memory_space<vmem>>) dst(%dma_wait3A_261 : memref<10240x128xf32, #tpu.memory_space<vmem_shared>>)
        tpu.yield
      }) : () -> ()
    }
    %barrier3A_210 = arith.constant 0 : index
    tpu.barrier barrier_id(%barrier3A_210)
    %add3A_211 = arith.constant 4 : i32
    %add3A_212 = arith.addi %add3A_211, %arg0 : i32
    %mul3A_213 = arith.constant 10240 : i32
    %mul3A_214 = arith.muli %add3A_212, %mul3A_213 : i32
    %add3A_215 = arith.addi %mul3A_214, %mul3A_2 : i32
    %add3A_216 = arith.constant 0 : i32
    %add3A_217 = arith.addi %mul3A_2, %add3A_216 : i32
    "tpu.region"() ({
      %run_scoped3A_248 = tpu.sem_alloc : memref<!tpu.dma_semaphore, #tpu.memory_space<semaphore_mem>>
      %dma_start3A_249 = arith.constant 0 : i32
      %dma_start3A_250 = tpu.memref_slice %arg8[%add3A_217, %dma_start3A_249] : memref<10240x128xf32, #tpu.memory_space<vmem_shared>> -> memref<80x128xf32, #tpu.memory_space<vmem_shared>>
      %dma_start3A_251 = arith.constant 0 : i32
      %dma_start3A_252 = tpu.memref_slice %arg8[%add3A_217, %dma_start3A_251] : memref<10240x128xf32, #tpu.memory_space<vmem_shared>> -> memref<80x128xf32, #tpu.memory_space<vmem_shared>>
      tpu.enqueue_dma source(%dma_start3A_252 : memref<80x128xf32, #tpu.memory_space<vmem_shared>>) target(%arg12 : memref<80x128xf32, #tpu.memory_space<vmem>>) target_semaphore(%run_scoped3A_248 : memref<!tpu.dma_semaphore, #tpu.memory_space<semaphore_mem>>)
      %dma_wait3A_253 = arith.constant 0 : i32
      %dma_wait3A_254 = tpu.memref_slice %arg8[%add3A_217, %dma_wait3A_253] : memref<10240x128xf32, #tpu.memory_space<vmem_shared>> -> memref<80x128xf32, #tpu.memory_space<vmem_shared>>
      %dma_wait3A_255 = arith.constant 0 : i32
      %dma_wait3A_256 = tpu.memref_slice %arg8[%add3A_217, %dma_wait3A_255] : memref<10240x128xf32, #tpu.memory_space<vmem_shared>> -> memref<80x128xf32, #tpu.memory_space<vmem_shared>>
      tpu.wait_dma2 semaphore(%run_scoped3A_248 : memref<!tpu.dma_semaphore, #tpu.memory_space<semaphore_mem>>) src(%dma_wait3A_256 : memref<80x128xf32, #tpu.memory_space<vmem_shared>>) dst(%arg12 : memref<80x128xf32, #tpu.memory_space<vmem>>)
      tpu.yield
    }) : () -> ()
    %add3A_218 = arith.constant 0 : i32
    %add3A_219 = arith.addi %add3A_215, %add3A_218 : i32
    "tpu.region"() ({
      %run_scoped3A_248 = tpu.sem_alloc : memref<!tpu.dma_semaphore, #tpu.memory_space<semaphore_mem>>
      %dma_start3A_249 = arith.constant 0 : i32
      %dma_start3A_250 = tpu.memref_slice %arg7[%add3A_219, %dma_start3A_249] : memref<61440x128xf32, #tpu.memory_space<hbm>> -> memref<80x128xf32, #tpu.memory_space<hbm>>
      %dma_start3A_251 = arith.constant 0 : i32
      %dma_start3A_252 = tpu.memref_slice %arg7[%add3A_219, %dma_start3A_251] : memref<61440x128xf32, #tpu.memory_space<hbm>> -> memref<80x128xf32, #tpu.memory_space<hbm>>
      tpu.enqueue_dma source(%arg12 : memref<80x128xf32, #tpu.memory_space<vmem>>) target(%dma_start3A_252 : memref<80x128xf32, #tpu.memory_space<hbm>>) target_semaphore(%run_scoped3A_248 : memref<!tpu.dma_semaphore, #tpu.memory_space<semaphore_mem>>)
      %dma_wait3A_253 = arith.constant 0 : i32
      %dma_wait3A_254 = tpu.memref_slice %arg7[%add3A_219, %dma_wait3A_253] : memref<61440x128xf32, #tpu.memory_space<hbm>> -> memref<80x128xf32, #tpu.memory_space<hbm>>
      %dma_wait3A_255 = arith.constant 0 : i32
      %dma_wait3A_256 = tpu.memref_slice %arg7[%add3A_219, %dma_wait3A_255] : memref<61440x128xf32, #tpu.memory_space<hbm>> -> memref<80x128xf32, #tpu.memory_space<hbm>>
      tpu.wait_dma2 semaphore(%run_scoped3A_248 : memref<!tpu.dma_semaphore, #tpu.memory_space<semaphore_mem>>) src(%arg12 : memref<80x128xf32, #tpu.memory_space<vmem>>) dst(%dma_wait3A_256 : memref<80x128xf32, #tpu.memory_space<hbm>>)
      tpu.yield
    }) : () -> ()
    %add3A_220 = arith.constant 80 : i32
    %add3A_221 = arith.addi %mul3A_2, %add3A_220 : i32
    "tpu.region"() ({
      %run_scoped3A_248 = tpu.sem_alloc : memref<!tpu.dma_semaphore, #tpu.memory_space<semaphore_mem>>
      %dma_start3A_249 = arith.constant 0 : i32
      %dma_start3A_250 = tpu.memref_slice %arg8[%add3A_221, %dma_start3A_249] : memref<10240x128xf32, #tpu.memory_space<vmem_shared>> -> memref<80x128xf32, #tpu.memory_space<vmem_shared>>
      %dma_start3A_251 = arith.constant 0 : i32
      %dma_start3A_252 = tpu.memref_slice %arg8[%add3A_221, %dma_start3A_251] : memref<10240x128xf32, #tpu.memory_space<vmem_shared>> -> memref<80x128xf32, #tpu.memory_space<vmem_shared>>
      tpu.enqueue_dma source(%dma_start3A_252 : memref<80x128xf32, #tpu.memory_space<vmem_shared>>) target(%arg12 : memref<80x128xf32, #tpu.memory_space<vmem>>) target_semaphore(%run_scoped3A_248 : memref<!tpu.dma_semaphore, #tpu.memory_space<semaphore_mem>>)
      %dma_wait3A_253 = arith.constant 0 : i32
      %dma_wait3A_254 = tpu.memref_slice %arg8[%add3A_221, %dma_wait3A_253] : memref<10240x128xf32, #tpu.memory_space<vmem_shared>> -> memref<80x128xf32, #tpu.memory_space<vmem_shared>>
      %dma_wait3A_255 = arith.constant 0 : i32
      %dma_wait3A_256 = tpu.memref_slice %arg8[%add3A_221, %dma_wait3A_255] : memref<10240x128xf32, #tpu.memory_space<vmem_shared>> -> memref<80x128xf32, #tpu.memory_space<vmem_shared>>
      tpu.wait_dma2 semaphore(%run_scoped3A_248 : memref<!tpu.dma_semaphore, #tpu.memory_space<semaphore_mem>>) src(%dma_wait3A_256 : memref<80x128xf32, #tpu.memory_space<vmem_shared>>) dst(%arg12 : memref<80x128xf32, #tpu.memory_space<vmem>>)
      tpu.yield
    }) : () -> ()
    %add3A_222 = arith.constant 80 : i32
    %add3A_223 = arith.addi %add3A_215, %add3A_222 : i32
    "tpu.region"() ({
      %run_scoped3A_248 = tpu.sem_alloc : memref<!tpu.dma_semaphore, #tpu.memory_space<semaphore_mem>>
      %dma_start3A_249 = arith.constant 0 : i32
      %dma_start3A_250 = tpu.memref_slice %arg7[%add3A_223, %dma_start3A_249] : memref<61440x128xf32, #tpu.memory_space<hbm>> -> memref<80x128xf32, #tpu.memory_space<hbm>>
      %dma_start3A_251 = arith.constant 0 : i32
      %dma_start3A_252 = tpu.memref_slice %arg7[%add3A_223, %dma_start3A_251] : memref<61440x128xf32, #tpu.memory_space<hbm>> -> memref<80x128xf32, #tpu.memory_space<hbm>>
      tpu.enqueue_dma source(%arg12 : memref<80x128xf32, #tpu.memory_space<vmem>>) target(%dma_start3A_252 : memref<80x128xf32, #tpu.memory_space<hbm>>) target_semaphore(%run_scoped3A_248 : memref<!tpu.dma_semaphore, #tpu.memory_space<semaphore_mem>>)
      %dma_wait3A_253 = arith.constant 0 : i32
      %dma_wait3A_254 = tpu.memref_slice %arg7[%add3A_223, %dma_wait3A_253] : memref<61440x128xf32, #tpu.memory_space<hbm>> -> memref<80x128xf32, #tpu.memory_space<hbm>>
      %dma_wait3A_255 = arith.constant 0 : i32
      %dma_wait3A_256 = tpu.memref_slice %arg7[%add3A_223, %dma_wait3A_255] : memref<61440x128xf32, #tpu.memory_space<hbm>> -> memref<80x128xf32, #tpu.memory_space<hbm>>
      tpu.wait_dma2 semaphore(%run_scoped3A_248 : memref<!tpu.dma_semaphore, #tpu.memory_space<semaphore_mem>>) src(%arg12 : memref<80x128xf32, #tpu.memory_space<vmem>>) dst(%dma_wait3A_256 : memref<80x128xf32, #tpu.memory_space<hbm>>)
      tpu.yield
    }) : () -> ()
    %add3A_224 = arith.constant 160 : i32
    %add3A_225 = arith.addi %mul3A_2, %add3A_224 : i32
    "tpu.region"() ({
      %run_scoped3A_248 = tpu.sem_alloc : memref<!tpu.dma_semaphore, #tpu.memory_space<semaphore_mem>>
      %dma_start3A_249 = arith.constant 0 : i32
      %dma_start3A_250 = tpu.memref_slice %arg8[%add3A_225, %dma_start3A_249] : memref<10240x128xf32, #tpu.memory_space<vmem_shared>> -> memref<80x128xf32, #tpu.memory_space<vmem_shared>>
      %dma_start3A_251 = arith.constant 0 : i32
      %dma_start3A_252 = tpu.memref_slice %arg8[%add3A_225, %dma_start3A_251] : memref<10240x128xf32, #tpu.memory_space<vmem_shared>> -> memref<80x128xf32, #tpu.memory_space<vmem_shared>>
      tpu.enqueue_dma source(%dma_start3A_252 : memref<80x128xf32, #tpu.memory_space<vmem_shared>>) target(%arg12 : memref<80x128xf32, #tpu.memory_space<vmem>>) target_semaphore(%run_scoped3A_248 : memref<!tpu.dma_semaphore, #tpu.memory_space<semaphore_mem>>)
      %dma_wait3A_253 = arith.constant 0 : i32
      %dma_wait3A_254 = tpu.memref_slice %arg8[%add3A_225, %dma_wait3A_253] : memref<10240x128xf32, #tpu.memory_space<vmem_shared>> -> memref<80x128xf32, #tpu.memory_space<vmem_shared>>
      %dma_wait3A_255 = arith.constant 0 : i32
      %dma_wait3A_256 = tpu.memref_slice %arg8[%add3A_225, %dma_wait3A_255] : memref<10240x128xf32, #tpu.memory_space<vmem_shared>> -> memref<80x128xf32, #tpu.memory_space<vmem_shared>>
      tpu.wait_dma2 semaphore(%run_scoped3A_248 : memref<!tpu.dma_semaphore, #tpu.memory_space<semaphore_mem>>) src(%dma_wait3A_256 : memref<80x128xf32, #tpu.memory_space<vmem_shared>>) dst(%arg12 : memref<80x128xf32, #tpu.memory_space<vmem>>)
      tpu.yield
    }) : () -> ()
    %add3A_226 = arith.constant 160 : i32
    %add3A_227 = arith.addi %add3A_215, %add3A_226 : i32
    "tpu.region"() ({
      %run_scoped3A_248 = tpu.sem_alloc : memref<!tpu.dma_semaphore, #tpu.memory_space<semaphore_mem>>
      %dma_start3A_249 = arith.constant 0 : i32
      %dma_start3A_250 = tpu.memref_slice %arg7[%add3A_227, %dma_start3A_249] : memref<61440x128xf32, #tpu.memory_space<hbm>> -> memref<80x128xf32, #tpu.memory_space<hbm>>
      %dma_start3A_251 = arith.constant 0 : i32
      %dma_start3A_252 = tpu.memref_slice %arg7[%add3A_227, %dma_start3A_251] : memref<61440x128xf32, #tpu.memory_space<hbm>> -> memref<80x128xf32, #tpu.memory_space<hbm>>
      tpu.enqueue_dma source(%arg12 : memref<80x128xf32, #tpu.memory_space<vmem>>) target(%dma_start3A_252 : memref<80x128xf32, #tpu.memory_space<hbm>>) target_semaphore(%run_scoped3A_248 : memref<!tpu.dma_semaphore, #tpu.memory_space<semaphore_mem>>)
      %dma_wait3A_253 = arith.constant 0 : i32
      %dma_wait3A_254 = tpu.memref_slice %arg7[%add3A_227, %dma_wait3A_253] : memref<61440x128xf32, #tpu.memory_space<hbm>> -> memref<80x128xf32, #tpu.memory_space<hbm>>
      %dma_wait3A_255 = arith.constant 0 : i32
      %dma_wait3A_256 = tpu.memref_slice %arg7[%add3A_227, %dma_wait3A_255] : memref<61440x128xf32, #tpu.memory_space<hbm>> -> memref<80x128xf32, #tpu.memory_space<hbm>>
      tpu.wait_dma2 semaphore(%run_scoped3A_248 : memref<!tpu.dma_semaphore, #tpu.memory_space<semaphore_mem>>) src(%arg12 : memref<80x128xf32, #tpu.memory_space<vmem>>) dst(%dma_wait3A_256 : memref<80x128xf32, #tpu.memory_space<hbm>>)
      tpu.yield
    }) : () -> ()
    %add3A_228 = arith.constant 240 : i32
    %add3A_229 = arith.addi %mul3A_2, %add3A_228 : i32
    "tpu.region"() ({
      %run_scoped3A_248 = tpu.sem_alloc : memref<!tpu.dma_semaphore, #tpu.memory_space<semaphore_mem>>
      %dma_start3A_249 = arith.constant 0 : i32
      %dma_start3A_250 = tpu.memref_slice %arg8[%add3A_229, %dma_start3A_249] : memref<10240x128xf32, #tpu.memory_space<vmem_shared>> -> memref<80x128xf32, #tpu.memory_space<vmem_shared>>
      %dma_start3A_251 = arith.constant 0 : i32
      %dma_start3A_252 = tpu.memref_slice %arg8[%add3A_229, %dma_start3A_251] : memref<10240x128xf32, #tpu.memory_space<vmem_shared>> -> memref<80x128xf32, #tpu.memory_space<vmem_shared>>
      tpu.enqueue_dma source(%dma_start3A_252 : memref<80x128xf32, #tpu.memory_space<vmem_shared>>) target(%arg12 : memref<80x128xf32, #tpu.memory_space<vmem>>) target_semaphore(%run_scoped3A_248 : memref<!tpu.dma_semaphore, #tpu.memory_space<semaphore_mem>>)
      %dma_wait3A_253 = arith.constant 0 : i32
      %dma_wait3A_254 = tpu.memref_slice %arg8[%add3A_229, %dma_wait3A_253] : memref<10240x128xf32, #tpu.memory_space<vmem_shared>> -> memref<80x128xf32, #tpu.memory_space<vmem_shared>>
      %dma_wait3A_255 = arith.constant 0 : i32
      %dma_wait3A_256 = tpu.memref_slice %arg8[%add3A_229, %dma_wait3A_255] : memref<10240x128xf32, #tpu.memory_space<vmem_shared>> -> memref<80x128xf32, #tpu.memory_space<vmem_shared>>
      tpu.wait_dma2 semaphore(%run_scoped3A_248 : memref<!tpu.dma_semaphore, #tpu.memory_space<semaphore_mem>>) src(%dma_wait3A_256 : memref<80x128xf32, #tpu.memory_space<vmem_shared>>) dst(%arg12 : memref<80x128xf32, #tpu.memory_space<vmem>>)
      tpu.yield
    }) : () -> ()
    %add3A_230 = arith.constant 240 : i32
    %add3A_231 = arith.addi %add3A_215, %add3A_230 : i32
    "tpu.region"() ({
      %run_scoped3A_248 = tpu.sem_alloc : memref<!tpu.dma_semaphore, #tpu.memory_space<semaphore_mem>>
      %dma_start3A_249 = arith.constant 0 : i32
      %dma_start3A_250 = tpu.memref_slice %arg7[%add3A_231, %dma_start3A_249] : memref<61440x128xf32, #tpu.memory_space<hbm>> -> memref<80x128xf32, #tpu.memory_space<hbm>>
      %dma_start3A_251 = arith.constant 0 : i32
      %dma_start3A_252 = tpu.memref_slice %arg7[%add3A_231, %dma_start3A_251] : memref<61440x128xf32, #tpu.memory_space<hbm>> -> memref<80x128xf32, #tpu.memory_space<hbm>>
      tpu.enqueue_dma source(%arg12 : memref<80x128xf32, #tpu.memory_space<vmem>>) target(%dma_start3A_252 : memref<80x128xf32, #tpu.memory_space<hbm>>) target_semaphore(%run_scoped3A_248 : memref<!tpu.dma_semaphore, #tpu.memory_space<semaphore_mem>>)
      %dma_wait3A_253 = arith.constant 0 : i32
      %dma_wait3A_254 = tpu.memref_slice %arg7[%add3A_231, %dma_wait3A_253] : memref<61440x128xf32, #tpu.memory_space<hbm>> -> memref<80x128xf32, #tpu.memory_space<hbm>>
      %dma_wait3A_255 = arith.constant 0 : i32
      %dma_wait3A_256 = tpu.memref_slice %arg7[%add3A_231, %dma_wait3A_255] : memref<61440x128xf32, #tpu.memory_space<hbm>> -> memref<80x128xf32, #tpu.memory_space<hbm>>
      tpu.wait_dma2 semaphore(%run_scoped3A_248 : memref<!tpu.dma_semaphore, #tpu.memory_space<semaphore_mem>>) src(%arg12 : memref<80x128xf32, #tpu.memory_space<vmem>>) dst(%dma_wait3A_256 : memref<80x128xf32, #tpu.memory_space<hbm>>)
      tpu.yield
    }) : () -> ()
    %add3A_232 = arith.constant 320 : i32
    %add3A_233 = arith.addi %mul3A_2, %add3A_232 : i32
    "tpu.region"() ({
      %run_scoped3A_248 = tpu.sem_alloc : memref<!tpu.dma_semaphore, #tpu.memory_space<semaphore_mem>>
      %dma_start3A_249 = arith.constant 0 : i32
      %dma_start3A_250 = tpu.memref_slice %arg8[%add3A_233, %dma_start3A_249] : memref<10240x128xf32, #tpu.memory_space<vmem_shared>> -> memref<80x128xf32, #tpu.memory_space<vmem_shared>>
      %dma_start3A_251 = arith.constant 0 : i32
      %dma_start3A_252 = tpu.memref_slice %arg8[%add3A_233, %dma_start3A_251] : memref<10240x128xf32, #tpu.memory_space<vmem_shared>> -> memref<80x128xf32, #tpu.memory_space<vmem_shared>>
      tpu.enqueue_dma source(%dma_start3A_252 : memref<80x128xf32, #tpu.memory_space<vmem_shared>>) target(%arg12 : memref<80x128xf32, #tpu.memory_space<vmem>>) target_semaphore(%run_scoped3A_248 : memref<!tpu.dma_semaphore, #tpu.memory_space<semaphore_mem>>)
      %dma_wait3A_253 = arith.constant 0 : i32
      %dma_wait3A_254 = tpu.memref_slice %arg8[%add3A_233, %dma_wait3A_253] : memref<10240x128xf32, #tpu.memory_space<vmem_shared>> -> memref<80x128xf32, #tpu.memory_space<vmem_shared>>
      %dma_wait3A_255 = arith.constant 0 : i32
      %dma_wait3A_256 = tpu.memref_slice %arg8[%add3A_233, %dma_wait3A_255] : memref<10240x128xf32, #tpu.memory_space<vmem_shared>> -> memref<80x128xf32, #tpu.memory_space<vmem_shared>>
      tpu.wait_dma2 semaphore(%run_scoped3A_248 : memref<!tpu.dma_semaphore, #tpu.memory_space<semaphore_mem>>) src(%dma_wait3A_256 : memref<80x128xf32, #tpu.memory_space<vmem_shared>>) dst(%arg12 : memref<80x128xf32, #tpu.memory_space<vmem>>)
      tpu.yield
    }) : () -> ()
    %add3A_234 = arith.constant 320 : i32
    %add3A_235 = arith.addi %add3A_215, %add3A_234 : i32
    "tpu.region"() ({
      %run_scoped3A_248 = tpu.sem_alloc : memref<!tpu.dma_semaphore, #tpu.memory_space<semaphore_mem>>
      %dma_start3A_249 = arith.constant 0 : i32
      %dma_start3A_250 = tpu.memref_slice %arg7[%add3A_235, %dma_start3A_249] : memref<61440x128xf32, #tpu.memory_space<hbm>> -> memref<80x128xf32, #tpu.memory_space<hbm>>
      %dma_start3A_251 = arith.constant 0 : i32
      %dma_start3A_252 = tpu.memref_slice %arg7[%add3A_235, %dma_start3A_251] : memref<61440x128xf32, #tpu.memory_space<hbm>> -> memref<80x128xf32, #tpu.memory_space<hbm>>
      tpu.enqueue_dma source(%arg12 : memref<80x128xf32, #tpu.memory_space<vmem>>) target(%dma_start3A_252 : memref<80x128xf32, #tpu.memory_space<hbm>>) target_semaphore(%run_scoped3A_248 : memref<!tpu.dma_semaphore, #tpu.memory_space<semaphore_mem>>)
      %dma_wait3A_253 = arith.constant 0 : i32
      %dma_wait3A_254 = tpu.memref_slice %arg7[%add3A_235, %dma_wait3A_253] : memref<61440x128xf32, #tpu.memory_space<hbm>> -> memref<80x128xf32, #tpu.memory_space<hbm>>
      %dma_wait3A_255 = arith.constant 0 : i32
      %dma_wait3A_256 = tpu.memref_slice %arg7[%add3A_235, %dma_wait3A_255] : memref<61440x128xf32, #tpu.memory_space<hbm>> -> memref<80x128xf32, #tpu.memory_space<hbm>>
      tpu.wait_dma2 semaphore(%run_scoped3A_248 : memref<!tpu.dma_semaphore, #tpu.memory_space<semaphore_mem>>) src(%arg12 : memref<80x128xf32, #tpu.memory_space<vmem>>) dst(%dma_wait3A_256 : memref<80x128xf32, #tpu.memory_space<hbm>>)
      tpu.yield
    }) : () -> ()
    %add3A_236 = arith.constant 400 : i32
    %add3A_237 = arith.addi %mul3A_2, %add3A_236 : i32
    "tpu.region"() ({
      %run_scoped3A_248 = tpu.sem_alloc : memref<!tpu.dma_semaphore, #tpu.memory_space<semaphore_mem>>
      %dma_start3A_249 = arith.constant 0 : i32
      %dma_start3A_250 = tpu.memref_slice %arg8[%add3A_237, %dma_start3A_249] : memref<10240x128xf32, #tpu.memory_space<vmem_shared>> -> memref<80x128xf32, #tpu.memory_space<vmem_shared>>
      %dma_start3A_251 = arith.constant 0 : i32
      %dma_start3A_252 = tpu.memref_slice %arg8[%add3A_237, %dma_start3A_251] : memref<10240x128xf32, #tpu.memory_space<vmem_shared>> -> memref<80x128xf32, #tpu.memory_space<vmem_shared>>
      tpu.enqueue_dma source(%dma_start3A_252 : memref<80x128xf32, #tpu.memory_space<vmem_shared>>) target(%arg12 : memref<80x128xf32, #tpu.memory_space<vmem>>) target_semaphore(%run_scoped3A_248 : memref<!tpu.dma_semaphore, #tpu.memory_space<semaphore_mem>>)
      %dma_wait3A_253 = arith.constant 0 : i32
      %dma_wait3A_254 = tpu.memref_slice %arg8[%add3A_237, %dma_wait3A_253] : memref<10240x128xf32, #tpu.memory_space<vmem_shared>> -> memref<80x128xf32, #tpu.memory_space<vmem_shared>>
      %dma_wait3A_255 = arith.constant 0 : i32
      %dma_wait3A_256 = tpu.memref_slice %arg8[%add3A_237, %dma_wait3A_255] : memref<10240x128xf32, #tpu.memory_space<vmem_shared>> -> memref<80x128xf32, #tpu.memory_space<vmem_shared>>
      tpu.wait_dma2 semaphore(%run_scoped3A_248 : memref<!tpu.dma_semaphore, #tpu.memory_space<semaphore_mem>>) src(%dma_wait3A_256 : memref<80x128xf32, #tpu.memory_space<vmem_shared>>) dst(%arg12 : memref<80x128xf32, #tpu.memory_space<vmem>>)
      tpu.yield
    }) : () -> ()
    %add3A_238 = arith.constant 400 : i32
    %add3A_239 = arith.addi %add3A_215, %add3A_238 : i32
    "tpu.region"() ({
      %run_scoped3A_248 = tpu.sem_alloc : memref<!tpu.dma_semaphore, #tpu.memory_space<semaphore_mem>>
      %dma_start3A_249 = arith.constant 0 : i32
      %dma_start3A_250 = tpu.memref_slice %arg7[%add3A_239, %dma_start3A_249] : memref<61440x128xf32, #tpu.memory_space<hbm>> -> memref<80x128xf32, #tpu.memory_space<hbm>>
      %dma_start3A_251 = arith.constant 0 : i32
      %dma_start3A_252 = tpu.memref_slice %arg7[%add3A_239, %dma_start3A_251] : memref<61440x128xf32, #tpu.memory_space<hbm>> -> memref<80x128xf32, #tpu.memory_space<hbm>>
      tpu.enqueue_dma source(%arg12 : memref<80x128xf32, #tpu.memory_space<vmem>>) target(%dma_start3A_252 : memref<80x128xf32, #tpu.memory_space<hbm>>) target_semaphore(%run_scoped3A_248 : memref<!tpu.dma_semaphore, #tpu.memory_space<semaphore_mem>>)
      %dma_wait3A_253 = arith.constant 0 : i32
      %dma_wait3A_254 = tpu.memref_slice %arg7[%add3A_239, %dma_wait3A_253] : memref<61440x128xf32, #tpu.memory_space<hbm>> -> memref<80x128xf32, #tpu.memory_space<hbm>>
      %dma_wait3A_255 = arith.constant 0 : i32
      %dma_wait3A_256 = tpu.memref_slice %arg7[%add3A_239, %dma_wait3A_255] : memref<61440x128xf32, #tpu.memory_space<hbm>> -> memref<80x128xf32, #tpu.memory_space<hbm>>
      tpu.wait_dma2 semaphore(%run_scoped3A_248 : memref<!tpu.dma_semaphore, #tpu.memory_space<semaphore_mem>>) src(%arg12 : memref<80x128xf32, #tpu.memory_space<vmem>>) dst(%dma_wait3A_256 : memref<80x128xf32, #tpu.memory_space<hbm>>)
      tpu.yield
    }) : () -> ()
    %add3A_240 = arith.constant 480 : i32
    %add3A_241 = arith.addi %mul3A_2, %add3A_240 : i32
    "tpu.region"() ({
      %run_scoped3A_248 = tpu.sem_alloc : memref<!tpu.dma_semaphore, #tpu.memory_space<semaphore_mem>>
      %dma_start3A_249 = arith.constant 0 : i32
      %dma_start3A_250 = tpu.memref_slice %arg8[%add3A_241, %dma_start3A_249] : memref<10240x128xf32, #tpu.memory_space<vmem_shared>> -> memref<80x128xf32, #tpu.memory_space<vmem_shared>>
      %dma_start3A_251 = arith.constant 0 : i32
      %dma_start3A_252 = tpu.memref_slice %arg8[%add3A_241, %dma_start3A_251] : memref<10240x128xf32, #tpu.memory_space<vmem_shared>> -> memref<80x128xf32, #tpu.memory_space<vmem_shared>>
      tpu.enqueue_dma source(%dma_start3A_252 : memref<80x128xf32, #tpu.memory_space<vmem_shared>>) target(%arg12 : memref<80x128xf32, #tpu.memory_space<vmem>>) target_semaphore(%run_scoped3A_248 : memref<!tpu.dma_semaphore, #tpu.memory_space<semaphore_mem>>)
      %dma_wait3A_253 = arith.constant 0 : i32
      %dma_wait3A_254 = tpu.memref_slice %arg8[%add3A_241, %dma_wait3A_253] : memref<10240x128xf32, #tpu.memory_space<vmem_shared>> -> memref<80x128xf32, #tpu.memory_space<vmem_shared>>
      %dma_wait3A_255 = arith.constant 0 : i32
      %dma_wait3A_256 = tpu.memref_slice %arg8[%add3A_241, %dma_wait3A_255] : memref<10240x128xf32, #tpu.memory_space<vmem_shared>> -> memref<80x128xf32, #tpu.memory_space<vmem_shared>>
      tpu.wait_dma2 semaphore(%run_scoped3A_248 : memref<!tpu.dma_semaphore, #tpu.memory_space<semaphore_mem>>) src(%dma_wait3A_256 : memref<80x128xf32, #tpu.memory_space<vmem_shared>>) dst(%arg12 : memref<80x128xf32, #tpu.memory_space<vmem>>)
      tpu.yield
    }) : () -> ()
    %add3A_242 = arith.constant 480 : i32
    %add3A_243 = arith.addi %add3A_215, %add3A_242 : i32
    "tpu.region"() ({
      %run_scoped3A_248 = tpu.sem_alloc : memref<!tpu.dma_semaphore, #tpu.memory_space<semaphore_mem>>
      %dma_start3A_249 = arith.constant 0 : i32
      %dma_start3A_250 = tpu.memref_slice %arg7[%add3A_243, %dma_start3A_249] : memref<61440x128xf32, #tpu.memory_space<hbm>> -> memref<80x128xf32, #tpu.memory_space<hbm>>
      %dma_start3A_251 = arith.constant 0 : i32
      %dma_start3A_252 = tpu.memref_slice %arg7[%add3A_243, %dma_start3A_251] : memref<61440x128xf32, #tpu.memory_space<hbm>> -> memref<80x128xf32, #tpu.memory_space<hbm>>
      tpu.enqueue_dma source(%arg12 : memref<80x128xf32, #tpu.memory_space<vmem>>) target(%dma_start3A_252 : memref<80x128xf32, #tpu.memory_space<hbm>>) target_semaphore(%run_scoped3A_248 : memref<!tpu.dma_semaphore, #tpu.memory_space<semaphore_mem>>)
      %dma_wait3A_253 = arith.constant 0 : i32
      %dma_wait3A_254 = tpu.memref_slice %arg7[%add3A_243, %dma_wait3A_253] : memref<61440x128xf32, #tpu.memory_space<hbm>> -> memref<80x128xf32, #tpu.memory_space<hbm>>
      %dma_wait3A_255 = arith.constant 0 : i32
      %dma_wait3A_256 = tpu.memref_slice %arg7[%add3A_243, %dma_wait3A_255] : memref<61440x128xf32, #tpu.memory_space<hbm>> -> memref<80x128xf32, #tpu.memory_space<hbm>>
      tpu.wait_dma2 semaphore(%run_scoped3A_248 : memref<!tpu.dma_semaphore, #tpu.memory_space<semaphore_mem>>) src(%arg12 : memref<80x128xf32, #tpu.memory_space<vmem>>) dst(%dma_wait3A_256 : memref<80x128xf32, #tpu.memory_space<hbm>>)
      tpu.yield
    }) : () -> ()
    %add3A_244 = arith.constant 560 : i32
    %add3A_245 = arith.addi %mul3A_2, %add3A_244 : i32
    "tpu.region"() ({
      %run_scoped3A_248 = tpu.sem_alloc : memref<!tpu.dma_semaphore, #tpu.memory_space<semaphore_mem>>
      %dma_start3A_249 = arith.constant 0 : i32
      %dma_start3A_250 = tpu.memref_slice %arg8[%add3A_245, %dma_start3A_249] : memref<10240x128xf32, #tpu.memory_space<vmem_shared>> -> memref<80x128xf32, #tpu.memory_space<vmem_shared>>
      %dma_start3A_251 = arith.constant 0 : i32
      %dma_start3A_252 = tpu.memref_slice %arg8[%add3A_245, %dma_start3A_251] : memref<10240x128xf32, #tpu.memory_space<vmem_shared>> -> memref<80x128xf32, #tpu.memory_space<vmem_shared>>
      tpu.enqueue_dma source(%dma_start3A_252 : memref<80x128xf32, #tpu.memory_space<vmem_shared>>) target(%arg12 : memref<80x128xf32, #tpu.memory_space<vmem>>) target_semaphore(%run_scoped3A_248 : memref<!tpu.dma_semaphore, #tpu.memory_space<semaphore_mem>>)
      %dma_wait3A_253 = arith.constant 0 : i32
      %dma_wait3A_254 = tpu.memref_slice %arg8[%add3A_245, %dma_wait3A_253] : memref<10240x128xf32, #tpu.memory_space<vmem_shared>> -> memref<80x128xf32, #tpu.memory_space<vmem_shared>>
      %dma_wait3A_255 = arith.constant 0 : i32
      %dma_wait3A_256 = tpu.memref_slice %arg8[%add3A_245, %dma_wait3A_255] : memref<10240x128xf32, #tpu.memory_space<vmem_shared>> -> memref<80x128xf32, #tpu.memory_space<vmem_shared>>
      tpu.wait_dma2 semaphore(%run_scoped3A_248 : memref<!tpu.dma_semaphore, #tpu.memory_space<semaphore_mem>>) src(%dma_wait3A_256 : memref<80x128xf32, #tpu.memory_space<vmem_shared>>) dst(%arg12 : memref<80x128xf32, #tpu.memory_space<vmem>>)
      tpu.yield
    }) : () -> ()
    %add3A_246 = arith.constant 560 : i32
    %add3A_247 = arith.addi %add3A_215, %add3A_246 : i32
    "tpu.region"() ({
      %run_scoped3A_248 = tpu.sem_alloc : memref<!tpu.dma_semaphore, #tpu.memory_space<semaphore_mem>>
      %dma_start3A_249 = arith.constant 0 : i32
      %dma_start3A_250 = tpu.memref_slice %arg7[%add3A_247, %dma_start3A_249] : memref<61440x128xf32, #tpu.memory_space<hbm>> -> memref<80x128xf32, #tpu.memory_space<hbm>>
      %dma_start3A_251 = arith.constant 0 : i32
      %dma_start3A_252 = tpu.memref_slice %arg7[%add3A_247, %dma_start3A_251] : memref<61440x128xf32, #tpu.memory_space<hbm>> -> memref<80x128xf32, #tpu.memory_space<hbm>>
      tpu.enqueue_dma source(%arg12 : memref<80x128xf32, #tpu.memory_space<vmem>>) target(%dma_start3A_252 : memref<80x128xf32, #tpu.memory_space<hbm>>) target_semaphore(%run_scoped3A_248 : memref<!tpu.dma_semaphore, #tpu.memory_space<semaphore_mem>>)
      %dma_wait3A_253 = arith.constant 0 : i32
      %dma_wait3A_254 = tpu.memref_slice %arg7[%add3A_247, %dma_wait3A_253] : memref<61440x128xf32, #tpu.memory_space<hbm>> -> memref<80x128xf32, #tpu.memory_space<hbm>>
      %dma_wait3A_255 = arith.constant 0 : i32
      %dma_wait3A_256 = tpu.memref_slice %arg7[%add3A_247, %dma_wait3A_255] : memref<61440x128xf32, #tpu.memory_space<hbm>> -> memref<80x128xf32, #tpu.memory_space<hbm>>
      tpu.wait_dma2 semaphore(%run_scoped3A_248 : memref<!tpu.dma_semaphore, #tpu.memory_space<semaphore_mem>>) src(%arg12 : memref<80x128xf32, #tpu.memory_space<vmem>>) dst(%dma_wait3A_256 : memref<80x128xf32, #tpu.memory_space<hbm>>)
      tpu.yield
    }) : () -> ()
    return
  }
}

module attributes {stable_mosaic.version = 14 : i64} {
  func.func @_dense_body(%arg0: i32, %arg1: i32, %arg2: memref<1x2000x2x128xf32, #tpu.memory_space<vmem>>, %arg3: memref<2x2000x128xf32, #tpu.memory_space<vmem>>, %arg4: memref<2x2000x128xf32, #tpu.memory_space<vmem>>, %arg5: memref<128x128xf32, #tpu.memory_space<vmem>>, %arg6: memref<128x128xf32, #tpu.memory_space<vmem>>, %arg7: memref<1x128xf32, #tpu.memory_space<vmem>>, %arg8: memref<1x2000x2x128xf32, #tpu.memory_space<vmem>>) attributes {dimension_semantics = [#tpu.dimension_semantics<arbitrary>, #tpu.dimension_semantics<arbitrary>], iteration_bounds = array<i64: 2, 5>, scalar_prefetch = 0 : i64, scratch_operands = 0 : i64, tpu.core_type = #tpu.core_type<tc>, window_params = [{transform_indices = @transform_0, window_bounds = array<i64: 1, 2000, 2, 128>}, {transform_indices = @transform_1, window_bounds = array<i64: 2, 2000, 128>}, {transform_indices = @transform_2, window_bounds = array<i64: 2, 2000, 128>}, {pipeline_mode = #tpu.pipeline_mode<synchronous>, transform_indices = @transform_3, window_bounds = array<i64: 128, 128>}, {pipeline_mode = #tpu.pipeline_mode<synchronous>, transform_indices = @transform_4, window_bounds = array<i64: 128, 128>}, {pipeline_mode = #tpu.pipeline_mode<synchronous>, transform_indices = @transform_5, window_bounds = array<i64: 1, 128>}, {transform_indices = @transform_6, window_bounds = array<i64: 1, 2000, 2, 128>}]} {
    %get3A = arith.constant 0 : index
    %get3A_0 = arith.constant 0 : index
    %get3A_1 = arith.constant 0 : index
    %get3A_2 = arith.constant 0 : index
    %get3A_3 = vector.load %arg2[%get3A, %get3A_0, %get3A_1, %get3A_2] : memref<1x2000x2x128xf32, #tpu.memory_space<vmem>>, vector<1x2000x2x128xf32>
    %squeeze3A = vector.shape_cast %get3A_3 : vector<1x2000x2x128xf32> to vector<2000x2x128xf32>
    %get3A_4 = arith.constant 0 : index
    %get3A_5 = arith.constant 0 : index
    %get3A_6 = arith.constant 0 : index
    %get3A_7 = vector.load %arg3[%get3A_4, %get3A_5, %get3A_6] : memref<2x2000x128xf32, #tpu.memory_space<vmem>>, vector<2x2000x128xf32>
    %get3A_8 = arith.constant 0 : index
    %get3A_9 = arith.constant 0 : index
    %get3A_10 = arith.constant 0 : index
    %get3A_11 = vector.load %arg4[%get3A_8, %get3A_9, %get3A_10] : memref<2x2000x128xf32, #tpu.memory_space<vmem>>, vector<1x2000x1xf32>
    %get3A_12 = vector.shape_cast %get3A_11 : vector<1x2000x1xf32> to vector<2000x1xf32>
    %get3A_13 = arith.constant 1 : index
    %get3A_14 = arith.constant 0 : index
    %get3A_15 = arith.constant 0 : index
    %get3A_16 = vector.load %arg4[%get3A_13, %get3A_14, %get3A_15] : memref<2x2000x128xf32, #tpu.memory_space<vmem>>, vector<1x2000x1xf32>
    %get3A_17 = vector.shape_cast %get3A_16 : vector<1x2000x1xf32> to vector<2000x1xf32>
    %add3A = arith.addf %get3A_12, %get3A_17 : vector<2000x1xf32>
    %max3A = arith.constant 1.000000e+00 : f32
    %max3A_18 = vector.broadcast %max3A : f32 to vector<2000x1xf32>
    %max3A_19 = arith.maximumf %add3A, %max3A_18 : vector<2000x1xf32>
    %div3A = arith.constant 1.000000e+00 : f32
    %div3A_20 = vector.broadcast %div3A : f32 to vector<2000x1xf32>
    %div3A_21 = arith.divf %div3A_20, %max3A_19 : vector<2000x1xf32>
    %slice3A = vector.extract_strided_slice %get3A_7 {offsets = [0, 0, 0], sizes = [1, 2000, 128], strides = [1, 1, 1]} : vector<2x2000x128xf32> to vector<1x2000x128xf32>
    %squeeze3A_22 = vector.shape_cast %slice3A : vector<1x2000x128xf32> to vector<2000x128xf32>
    %mul3A = vector.broadcast %div3A_21 : vector<2000x1xf32> to vector<2000x128xf32>
    %mul3A_23 = arith.mulf %squeeze3A_22, %mul3A : vector<2000x128xf32>
    %get3A_24 = arith.constant 0 : index
    %get3A_25 = arith.constant 0 : index
    %get3A_26 = vector.load %arg5[%get3A_24, %get3A_25] : memref<128x128xf32, #tpu.memory_space<vmem>>, vector<128x128xf32>
    %dot_general3A = arith.constant dense<0.000000e+00> : vector<2000x128xf32>
    %dot_general3A_27 = tpu.matmul %mul3A_23, %get3A_26, %dot_general3A {dimension_numbers = #tpu.dot_dimension_numbers<[1], [1], [0], [0], [0, 0, 1, 0], [], []>, transpose_lhs_hint = false} : vector<2000x128xf32>, vector<128x128xf32>, vector<2000x128xf32> -> vector<2000x128xf32>
    %slice3A_28 = vector.extract_strided_slice %squeeze3A {offsets = [0, 0, 0], sizes = [2000, 1, 128], strides = [1, 1, 1]} : vector<2000x2x128xf32> to vector<2000x1x128xf32>
    %squeeze3A_29 = vector.shape_cast %slice3A_28 : vector<2000x1x128xf32> to vector<2000x128xf32>
    %get3A_30 = arith.constant 0 : index
    %get3A_31 = arith.constant 0 : index
    %get3A_32 = vector.load %arg6[%get3A_30, %get3A_31] : memref<128x128xf32, #tpu.memory_space<vmem>>, vector<128x128xf32>
    %dot_general3A_33 = arith.constant dense<0.000000e+00> : vector<2000x128xf32>
    %dot_general3A_34 = tpu.matmul %squeeze3A_29, %get3A_32, %dot_general3A_33 {dimension_numbers = #tpu.dot_dimension_numbers<[1], [1], [0], [0], [0, 0, 1, 0], [], []>, transpose_lhs_hint = false} : vector<2000x128xf32>, vector<128x128xf32>, vector<2000x128xf32> -> vector<2000x128xf32>
    %add3A_35 = arith.addf %dot_general3A_27, %dot_general3A_34 : vector<2000x128xf32>
    %get3A_36 = arith.constant 0 : index
    %get3A_37 = arith.constant 0 : index
    %get3A_38 = vector.load %arg7[%get3A_36, %get3A_37] : memref<1x128xf32, #tpu.memory_space<vmem>>, vector<1x128xf32>
    %add3A_39 = vector.broadcast %get3A_38 : vector<1x128xf32> to vector<2000x128xf32>
    %add3A_40 = arith.addf %add3A_35, %add3A_39 : vector<2000x128xf32>
    %max3A_41 = arith.constant 0.000000e+00 : f32
    %max3A_42 = vector.broadcast %max3A_41 : f32 to vector<2000x128xf32>
    %max3A_43 = arith.maximumf %add3A_40, %max3A_42 : vector<2000x128xf32>
    %slice3A_44 = vector.extract_strided_slice %get3A_7 {offsets = [1, 0, 0], sizes = [1, 2000, 128], strides = [1, 1, 1]} : vector<2x2000x128xf32> to vector<1x2000x128xf32>
    %squeeze3A_45 = vector.shape_cast %slice3A_44 : vector<1x2000x128xf32> to vector<2000x128xf32>
    %mul3A_46 = vector.broadcast %div3A_21 : vector<2000x1xf32> to vector<2000x128xf32>
    %mul3A_47 = arith.mulf %squeeze3A_45, %mul3A_46 : vector<2000x128xf32>
    %get3A_48 = arith.constant 0 : index
    %get3A_49 = arith.constant 0 : index
    %get3A_50 = vector.load %arg5[%get3A_48, %get3A_49] : memref<128x128xf32, #tpu.memory_space<vmem>>, vector<128x128xf32>
    %dot_general3A_51 = arith.constant dense<0.000000e+00> : vector<2000x128xf32>
    %dot_general3A_52 = tpu.matmul %mul3A_47, %get3A_50, %dot_general3A_51 {dimension_numbers = #tpu.dot_dimension_numbers<[1], [1], [0], [0], [0, 0, 1, 0], [], []>, transpose_lhs_hint = false} : vector<2000x128xf32>, vector<128x128xf32>, vector<2000x128xf32> -> vector<2000x128xf32>
    %slice3A_53 = vector.extract_strided_slice %squeeze3A {offsets = [0, 1, 0], sizes = [2000, 1, 128], strides = [1, 1, 1]} : vector<2000x2x128xf32> to vector<2000x1x128xf32>
    %squeeze3A_54 = vector.shape_cast %slice3A_53 : vector<2000x1x128xf32> to vector<2000x128xf32>
    %get3A_55 = arith.constant 0 : index
    %get3A_56 = arith.constant 0 : index
    %get3A_57 = vector.load %arg6[%get3A_55, %get3A_56] : memref<128x128xf32, #tpu.memory_space<vmem>>, vector<128x128xf32>
    %dot_general3A_58 = arith.constant dense<0.000000e+00> : vector<2000x128xf32>
    %dot_general3A_59 = tpu.matmul %squeeze3A_54, %get3A_57, %dot_general3A_58 {dimension_numbers = #tpu.dot_dimension_numbers<[1], [1], [0], [0], [0, 0, 1, 0], [], []>, transpose_lhs_hint = false} : vector<2000x128xf32>, vector<128x128xf32>, vector<2000x128xf32> -> vector<2000x128xf32>
    %add3A_60 = arith.addf %dot_general3A_52, %dot_general3A_59 : vector<2000x128xf32>
    %get3A_61 = arith.constant 0 : index
    %get3A_62 = arith.constant 0 : index
    %get3A_63 = vector.load %arg7[%get3A_61, %get3A_62] : memref<1x128xf32, #tpu.memory_space<vmem>>, vector<1x128xf32>
    %add3A_64 = vector.broadcast %get3A_63 : vector<1x128xf32> to vector<2000x128xf32>
    %add3A_65 = arith.addf %add3A_60, %add3A_64 : vector<2000x128xf32>
    %max3A_66 = arith.constant 0.000000e+00 : f32
    %max3A_67 = vector.broadcast %max3A_66 : f32 to vector<2000x128xf32>
    %max3A_68 = arith.maximumf %add3A_65, %max3A_67 : vector<2000x128xf32>
    %stack3A = vector.shape_cast %max3A_43 : vector<2000x128xf32> to vector<2000x1x128xf32>
    %stack3A_69 = vector.shape_cast %max3A_68 : vector<2000x128xf32> to vector<2000x1x128xf32>
    %stack3A_70 = tpu.concatenate %stack3A, %stack3A_69 in 1 : vector<2000x1x128xf32>, vector<2000x1x128xf32> -> vector<2000x2x128xf32>
    %broadcast_in_dim3A = vector.shape_cast %stack3A_70 : vector<2000x2x128xf32> to vector<1x2000x2x128xf32>
    %swap3A = arith.constant 0 : index
    %swap3A_71 = arith.constant 0 : index
    %swap3A_72 = arith.constant 0 : index
    %swap3A_73 = arith.constant 0 : index
    %swap3A_74 = vector.load %arg8[%swap3A, %swap3A_71, %swap3A_72, %swap3A_73] : memref<1x2000x2x128xf32, #tpu.memory_space<vmem>>, vector<1x2000x2x128xf32>
    tpu.vector_store %arg8[%swap3A, %swap3A_71, %swap3A_72, %swap3A_73], %broadcast_in_dim3A {strides = array<i32>} : memref<1x2000x2x128xf32, #tpu.memory_space<vmem>>, vector<1x2000x2x128xf32>,
    return
  }
  func.func @transform_0(%arg0: i32, %arg1: i32) -> (i32, i32, i32, i32) {
    %c0_i32 = arith.constant 0 : i32
    %c0_i32_0 = arith.constant 0 : i32
    %c0_i32_1 = arith.constant 0 : i32
    return %arg0, %arg1, %c0_i32, %c0_i32_0 : i32, i32, i32, i32
  }
  func.func @transform_1(%arg0: i32, %arg1: i32) -> (i32, i32, i32) {
    %c0_i32 = arith.constant 0 : i32
    %c0_i32_0 = arith.constant 0 : i32
    return %arg0, %arg1, %c0_i32 : i32, i32, i32
  }
  func.func @transform_2(%arg0: i32, %arg1: i32) -> (i32, i32, i32) {
    %c2_i32 = arith.constant 2 : i32
    %c0_i32 = arith.constant 0 : i32
    %c0_i32_0 = arith.constant 0 : i32
    return %c2_i32, %arg1, %c0_i32 : i32, i32, i32
  }
  func.func @transform_3(%arg0: i32, %arg1: i32) -> (i32, i32) {
    %c0_i32 = arith.constant 0 : i32
    %c0_i32_0 = arith.constant 0 : i32
    %c0_i32_1 = arith.constant 0 : i32
    return %c0_i32, %c0_i32_0 : i32, i32
  }
  func.func @transform_4(%arg0: i32, %arg1: i32) -> (i32, i32) {
    %c0_i32 = arith.constant 0 : i32
    %c0_i32_0 = arith.constant 0 : i32
    %c0_i32_1 = arith.constant 0 : i32
    return %c0_i32, %c0_i32_0 : i32, i32
  }
  func.func @transform_5(%arg0: i32, %arg1: i32) -> (i32, i32) {
    %c0_i32 = arith.constant 0 : i32
    %c0_i32_0 = arith.constant 0 : i32
    %c0_i32_1 = arith.constant 0 : i32
    return %c0_i32, %c0_i32_0 : i32, i32
  }
  func.func @transform_6(%arg0: i32, %arg1: i32) -> (i32, i32, i32, i32) {
    %c0_i32 = arith.constant 0 : i32
    %c0_i32_0 = arith.constant 0 : i32
    %c0_i32_1 = arith.constant 0 : i32
    return %arg0, %arg1, %c0_i32, %c0_i32_0 : i32, i32, i32, i32
  }
}

</mosaic_0001>

<sc_bundles>
// kernel: kernel.4.cloned.1.call-start
scs
__scs_entry_jumppad:
0x0: {  	(pc) =	sbr.rel $0x88, $3  }
0x1: {  	(tag) =	ssettag $0x0;
	lr =	simm.s32 $0x1  }
0x2: {  	[smem:$0x3F9C] =	sst lr;
	_ =	strace $0xD0000000  }
0x3: {  	_ = 	snop  }
0x4: {  	_ = 	snop  }
0x5: {  	_ = 	snop  }
0x6: {  	_ = 	snop  }
0x7: {  	_ = 	snop  }
__scs_overlays_trampoline_lowered:
0x8: {  	[smem:$0x3FAB] =	sst s0  }
0x9: {  	[smem:$0x3FAC] =	sst s1  }
0xa: {  	[smem:$0x3FAD] =	sst s2  }
0xb: {  	[smem:$0x3FAE] =	sst s3  }
0xc: {  	[smem:$0x3FAF] =	sst s4  }
0xd: {  	[smem:$0x3FB0] =	sst s5  }
0xe: {  	[smem:$0x3FB1] =	sst s6  }
0xf: {  	[smem:$0x3FB2] =	sst s7  }
0x10: {  	[smem:$0x3FB3] =	sst s8  }
0x11: {  	[smem:$0x3FB4] =	sst s9;
	s0 =	simm.s32 @!p0 $0x0  }
0x12: {  	s1 =	sld [smem:$0x3F9A];
	s0 =	simm.s32 @p0 $0x1  }
0x13: {  	[smem:$0x3FB5] =	sst s0;
	s0 =	simm.s32 @!p1 $0x0  }
0x14: {  	s2 =	sld [smem:$0x3F99];
	s0 =	simm.s32 @p1 $0x1  }
0x15: {  	[smem:$0x3FB6] =	sst s0;
	s0 =	simm.s32 @!p2 $0x0  }
0x16: {  	s3 =	sld [smem:$0x3FDB];
	s0 =	simm.s32 @p2 $0x1  }
0x17: {  	s4 =	simm.s32 $0x1BF5;
	[smem:$0x3FB8] =	sst s0  }
0x18: {  	s0 =	sld [smem:$0x3F9B];
	_ =	swait.ge [sflag:s4], $0x0  }
0x19: {  	s7 =	sld [smem:$0x3F9C]  }
0x1a: {  	s8 =	sadd.s32 $0xFFFFE003, lr  }
0x1b: {  	s9 =	sadd.s32 $0xFFFFFEF7, lr;
	s5 =	simm.s32 $0xFFFFFFFF;
	p2 =	slt.u32 s8, $0xFFFFF086  }
0x1c: {  	p1 =	slt.u32 s9, $0xF7A;
	s5 =	simm.s32 @!p2 $0x0  }
0x1d: {  	s5 =	simm.s32 @p1 $0x1;
	p0 =	seq.s32 s7, s2  }
0x1e: {  	s7 =	smul.u32 @!p0 $0xF7A, s2;
	p2 =	seq.s32 @!p0 s5, $0x0  }
0x1f: {  	s9 =	smul.u32 $0xF7A, s1;
	s8 =	simm.s32 @!p0 $0x1BF5;
	p2 =	por !p2, p0  }
0x20: {  	[sflag:s8] =	ssyncset.s32 @!p0 $0xFFFFF086;
	s6 =	sadd.s32 @!p0 s3, s7;
	s7 =	simm.s32 @!p0 $0x108  }
0x21: {  	s3 =	sadd.s32 s3, s9;
	s6 =	sadd.s32 @!p0 $0x88, s6;
	s7 =	simm.s32 @p2 $0x1082  }
0x22: {  	[simem:s7], [sflag:s8] =	dma.local @!p0 [hbm:s6], $0xF7A  }
0x23: {  	s9 =	sor.u32 $0xD0000000, s2;
	s6 =	simm.s32 $0x108;
	_ =	swait.ge @!p0 [sflag:s8], $0x0  }
0x24: {  	s3 =	sadd.s32 $0x88, s3;
	s6 =	simm.s32 @!p1 $0x1082;
	[sflag:s4] =	ssyncset.s32 $0xFFFFF086  }
0x25: {  	[simem:s6], [sflag:s4] =	dma.local [hbm:s3], $0xF7A  }
0x26: {  	[smem:$0x3F9C] =	sst s1;
	(tag) =	ssettag s2;
	_ =	strace s9  }
0x27: {  	s1 =	sld [smem:$0x3FAC]  }
0x28: {  	s2 =	sld [smem:$0x3FAD]  }
0x29: {  	s4 =	sld [smem:$0x3FAF]  }
0x2a: {  	p0 =	seq.s32 s5, $0x0;
	s5 =	sld [smem:$0x3FB0]  }
0x2b: {  	s6 =	sld [smem:$0x3FB1]  }
0x2c: {  	s7 =	sld [smem:$0x3FB2]  }
0x2d: {  	s3 =	simm.s32 $0x108;
	s8 =	sld [smem:$0x3FB3]  }
0x2e: {  	s3 =	simm.s32 @!p0 $0x1082;
	s9 =	sld [smem:$0x3FB4]  }
0x2f: {  	lr =	sadd.s32 s0, s3;
	s0 =	sld [smem:$0x3FAB]  }
0x30: {  	s3 =	sld [smem:$0x3FAE]  }
0x31: {  	[smem:$0x3FB7] =	sst s10  }
0x32: {  	s10 =	sld [smem:$0x3FB5];
	_ =	sdelay $0x3  }
0x33: {  	p0 =	seq.s32 s10, $0x1;
	s10 =	sld [smem:$0x3FB7];
	_ =	sdelay $0x3  }
0x34: {  	[smem:$0x3FB7] =	sst s10  }
0x35: {  	s10 =	sld [smem:$0x3FB6];
	_ =	sdelay $0x3  }
0x36: {  	p1 =	seq.s32 s10, $0x1;
	s10 =	sld [smem:$0x3FB7];
	_ =	sdelay $0x3  }
0x37: {  	[smem:$0x3FB7] =	sst s10  }
0x38: {  	s10 =	sld [smem:$0x3FB8]  }
0x39: {  	_ = 	snop;
	(pc) =	sbr.ind lr, $3  }
0x3a: {  	_ = 	snop  }
0x3b: {  	_ = 	snop  }
0x3c: {  	p2 =	seq.s32 s10, $0x1;
	s10 =	sld [smem:$0x3FB7]  }
0x3d: {  	_ =	shalt  }
0x3e: {  	_ =	shalt  }
0x3f: {  	_ =	shalt  }
0x40: {  	_ =	shalt  }
0x41: {  	_ =	shalt  }
0x42: {  	_ =	shalt  }
0x43: {  	_ =	shalt  }
0x44: {  	_ =	shalt  }
0x45: {  	_ =	shalt  }
0x46: {  	_ =	shalt  }
0x47: {  	_ =	shalt  }
0x48: {  	_ =	shalt  }
0x49: {  	_ =	shalt  }
0x4a: {  	_ =	shalt  }
0x4b: {  	_ =	shalt  }
0x4c: {  	_ =	shalt  }
0x4d: {  	_ =	shalt  }
0x4e: {  	_ =	shalt  }
0x4f: {  	_ =	shalt  }
0x50: {  	_ =	shalt  }
0x51: {  	_ =	shalt  }
0x52: {  	_ =	shalt  }
0x53: {  	_ =	shalt  }
0x54: {  	_ =	shalt  }
0x55: {  	_ =	shalt  }
0x56: {  	_ =	shalt  }
0x57: {  	_ =	shalt  }
0x58: {  	_ =	shalt  }
0x59: {  	_ =	shalt  }
0x5a: {  	_ =	shalt  }
0x5b: {  	_ =	shalt  }
0x5c: {  	_ =	shalt  }
0x5d: {  	_ =	shalt  }
0x5e: {  	_ =	shalt  }
0x5f: {  	_ =	shalt  }
0x60: {  	_ =	shalt  }
0x61: {  	_ =	shalt  }
0x62: {  	_ =	shalt  }
0x63: {  	_ =	shalt  }
0x64: {  	_ =	shalt  }
0x65: {  	_ =	shalt  }
0x66: {  	_ =	shalt  }
0x67: {  	_ =	shalt  }
0x68: {  	_ =	shalt  }
0x69: {  	_ =	shalt  }
0x6a: {  	_ =	shalt  }
0x6b: {  	_ =	shalt  }
0x6c: {  	_ =	shalt  }
0x6d: {  	_ =	shalt  }
0x6e: {  	_ =	shalt  }
0x6f: {  	_ =	shalt  }
0x70: {  	_ =	shalt  }
0x71: {  	_ =	shalt  }
0x72: {  	_ =	shalt  }
0x73: {  	_ =	shalt  }
0x74: {  	_ =	shalt  }
0x75: {  	_ =	shalt  }
0x76: {  	_ =	shalt  }
0x77: {  	_ =	shalt  }
0x78: {  	_ =	shalt  }
0x79: {  	_ =	shalt  }
0x7a: {  	_ =	shalt  }
0x7b: {  	_ =	shalt  }
0x7c: {  	_ =	shalt  }
0x7d: {  	_ =	shalt  }
0x7e: {  	_ =	shalt  }
0x7f: {  	_ =	shalt  }
0x80: {  	_ =	shalt  }
0x81: {  	_ =	shalt  }
0x82: {  	_ =	shalt  }
0x83: {  	_ =	shalt  }
0x84: {  	_ =	shalt  }
0x85: {  	_ =	shalt  }
0x86: {  	_ =	shalt  }
0x87: {  	_ =	shalt  }
.Lfunc_end0:
.L_simem_size_0:
called_computation_lowered:
.L_overlay_start_0:
0x88: {  	s2 =	sld [smem:$0x3FD9]  }
0x89: {  	s3 =	sld [smem:$0x3FFE];
	_ =	sdelay $0x1  }
0x8a: {  	s1 =	srdreg.scid  }
0x8b: {  	s0 =	sand.u32 $0x1, s1  }
0x8c: {  	s17 =	sshll.u32 s0, $0xA;
	s2 =	sadd.s32 s3, s2  }
0x8d: {  	s2 =	sadd.s32 s2, s17  }
0x8e: {  	[smem:$0x3FC3] =	sst s2  }
0x8f: {  	_ = 	snop  }
0x90: {  	s2 =	sld [smem:$0x3FC9]  }
0x91: {  	s18 =	sld [smem:$0x3FD0];
	(tm) =	ssettm $0x1  }
0x92: {  	s4 =	sld [smem:$0x3FFB];
	_ =	sdelay $0x3  }
0x93: {  	_ =	strace s4  }
0x94: {  	s4 =	sld [smem:$0x3FFC];
	_ =	sdelay $0x3  }
0x95: {  	_ =	strace s4  }
0x96: {  	s4 =	sld [smem:$0x3FFD];
	_ =	sdelay $0x3  }
0x97: {  	_ =	strace s4  }
0x98: {  	_ =	strace $0x8FFFFFFF  }
0x99: {  	s19 =	sld [smem:$0x3FDB];
	_ =	sdelay $0x1  }
0x9a: {  	s5 =	simm.s32 $_scs_section_size  }
0x9b: {  	s6 =	simm.s32 $_size__tile_overlayer_lowered;
	s7 =	simm.s32 $_tile_overlayer_lowered  }
0x9c: {  	s22 =	simm.s32 $0x1BFF;
	s21 =	sshll.u32 s7, $0x1;
	s4 =	sadd.s32 s5, s19  }
0x9d: {  	s8 =	simm.s32 $0x0;
	s20 =	sshll.u32 s6, $0x1;
	s6 =	sadd.s32 s21, s4  }
0x9e: {  	[timem:s8], [sflag:s22] =	dma.local [hbm:s6], s20  }
0x9f: {  	_ =	swait.ge [sflag:s22], s20  }
0xa0: {  	s5 =	ssub.s32 $0x0, s20;
	[sflag:s22] =	ssyncset.done $0x0  }
0xa1: {  	[sflag:s22] =	ssyncadd.s32 s5;
	_ =	sdelay $0x1  }
0xa2: {  	s23 =	simm.s32 $0x1B8B  }
0xa3: {  	_ =	swait.ge [sflag:s23], $0x1  }
0xa4: {  	[sflag:s23] =	ssyncset.done $0x0  }
0xa5: {  	s25 =	simm.s32 $0x1B8E;
	s24 =	sld [smem:$0x3FFE];
	[sflag:s23] =	ssyncadd.s32 $0xFFFFFFFF  }
0xa6: {  	s26 =	simm.s32 $execute0_lowered;
	[smem:$0x3FD2] =	sst s25  }
0xa7: {  	s6 =	sshll.u32 s26, $0x1;
	_ =	strace $0x80000046;
	[dreg:$0x1] =	wrdreg $0xFFFFFFFF  }
0xa8: {  	s28 =	simm.s32 $_size_execute0_lowered;
	s4 =	sadd.s32 s4, s6;
	[dreg:$0x0] =	wrdreg $0x0  }
0xa9: {  	s6 =	sshll.u32 s28, $0x1;
	[dreg:$0x2] =	wrdreg s4  }
0xaa: {  	[dreg:$0x3] =	wrdreg s6  }
0xab: {  	[dreg:$0x4] =	wrdreg $0xC0  }
0xac: {  	_ =	task [dreg:s8], $0x5FFFF  }
0xad: {  	[dreg:$0x1] =	wrdreg $0xFFFFFFFF  }
0xae: {  	[dreg:$0x0] =	wrdreg $0x60  }
0xaf: {  	[dreg:$0x2] =	wrdreg s2  }
0xb0: {  	[dreg:$0x3] =	wrdreg s18  }
0xb1: {  	[dreg:$0x4] =	wrdreg s24  }
0xb2: {  	[dreg:$0x5] =	wrdreg $0x0  }
0xb3: {  	[dreg:$0x6] =	wrdreg $0x9  }
0xb4: {  	_ =	task.clear_ibuf [dreg:s8], $0x7FFFF;
	_ =	strace $0x90000046  }
0xb5: {  	s29 =	simm.s32 $0x9;
	_ =	strace $0x80000048  }
0xb6: {  	_ =	swait.ge [sflag:s29], $0x1  }
0xb7: {  	[sflag:s29] =	ssyncadd.s32 $0xFFFFFFFF  }
0xb8: {  	_ =	strace $0x90000048  }
0xb9: {  	_ =	sfence  }
0xba: {  	s30 =	sld [smem:$0x0];
	_ =	sdelay $0x2  }
0xbb: {  	s31 =	sshll.u32 s1, $0xD;
	s1 =	sshrl.u32 s1, $0x2  }
0xbc: {  	s3 =	sand.u32 $0x4000, s31;
	s1 =	sadd.s32 s1, s30  }
0xbd: {  	s0 =	sor.u32 s3, s0;
	s1 =	sshll.u32 s1, $0x11  }
0xbe: {  	s0 =	sor.u32 s1, s0  }
0xbf: {  	s0 =	sadd.s32 $0x8F2B, s0  }
0xc0: {  	[sflag:s0] =	ssyncadd.remote.s32 $0x1  }
0xc1: {  	_ =	sfence.sel $0xFFFF  }
0xc2: {  	[dreg:$0x0] =	wrdreg $0xFFFFFFFF;
	(pc) =	sbr.abs _section_cstart, $3  }
0xc3: {  	[dreg:$0x1] =	wrdreg $0xFFFFFFFF  }
0xc4: {  	_ =	task.clear_ibuf [dreg:s8], $0x2FFFF;
	_ =	strace $0x9FFFFFFF  }
0xc5: {  	(tm) =	ssettm $0x7FFFFFFF  }
tec
execute0_lowered:
.L_overlay_start_1:
0x0: {  	(tag) =	ssettag $0x1  }
0x1: {  	s1 =	rddreg [dreg:$0x0]  }
0x2: {  	s2 =	rddreg [dreg:$0x1]  }
0x3: {  	s0 =	rddreg [dreg:$0x2]  }
0x4: {  	s4 =	rddreg [dreg:$0x3]  }
0x5: {  	s5 =	simm.s32 $0x0;
	s14 =	stileid.u32;
	s7 =	srdreg.scid  }
0x6: {  	[smem:$0x7FF] =	sst s5;
	s3 =	sshll.u32 s14, $0xB;
	s8 =	smul.u32 $0x2710, s14  }
0x7: {  	s6 =	sadd.s32 $0x9C00, s0;
	s7 =	sand.u32 $0x1, s7;
	s11 =	smul.u32 $0x280, s14  }
0x8: {  	s9 =	sadd.s32 $0x9600, s0;
	s12 =	sadd.s32 $0xA200, s0;
	s14 =	smul.u32 $0x50000, s14  }
0x9: {  	_ =	strace $0x80000047;
	s3 =	sadd.s32 s3, s0;
	s10 =	smul.u32 $0x27100, s7  }
0xa: {  	[dreg:$0x5] =	wrdreg s9;
	s16 =	ssub.s32 $0x2, s7;
	s17 =	smul.u32 $0x2800, s7  }
0xb: {  	s19 =	sor.u32 $0x2, s7;
	s0 =	sadd.s32 $0xA700, s0;
	s22 =	smul.u32 $0x3E, s7  }
0xc: {  	s23 =	smul.u32 $0x3F, s7;
	s13 =	sshrl.u32 s16, $0x1;
	s3 =	sadd.s32 $0x1600, s3  }
0xd: {  	s18 =	sshrl.u32 s14, $0x2;
	s20 =	smul.u32 $0x27100, s19;
	s13 =	ssub.s32 s16, s13  }
0xe: {  	[dreg:$0x6] =	wrdreg s3;
	s16 =	sadd.s32 s8, s10;
	s9 =	sadd.s32 s18, s4  }
0xf: {  	s3 =	sadd.s32 s11, s17;
	s17 =	smul.u32 $0x2800, s19;
	s15 =	sshrl.u32 s16, $0x3  }
0x10: {  	s3 =	sshll.u32 s3, $0x4;
	s8 =	sadd.s32 s8, s20;
	s24 =	sadd.s32 $0xF0, s16  }
0x11: {  	s26 =	sadd.s32 $0x4E2F0, s16;
	s15 =	sadd.s32 s2, s15;
	s21 =	sadd.s32 s3, s0  }
0x12: {  	s18 =	sadd.s32 s12, s3;
	s8 =	sshrl.u32 s8, $0x3;
	[dreg:$0x9] =	wrdreg s21  }
0x13: {  	s25 =	sshrl.u32 s24, $0x3;
	s14 =	sadd.s32 s2, s8;
	[dreg:$0x7] =	wrdreg s15  }
0x14: {  	s8 =	sadd.s32 $0x3F, s22;
	s21 =	smax.u32 s13, $0x1;
	[dreg:$0x8] =	wrdreg s18  }
0x15: {  	s22 =	sshrl.u32 s26, $0x3;
	s26 =	sxor.u32 $0x3F, s7;
	[dreg:$0xf] =	wrdreg s21  }
0x16: {  	s24 =	smul.u32 $0x7E00, s7;
	s7 =	sadd.s32 $0xA, s15;
	[dreg:$0x10] =	wrdreg s26  }
0x17: {  	s13 =	sadd.s32 $0x1400, s18;
	[dreg:$0x12] =	wrdreg s7  }
0x18: {  	s11 =	sadd.s32 s11, s17;
	s3 =	sadd.s32 $0xA0000, s3;
	[dreg:$0x16] =	wrdreg s13  }
0x19: {  	s11 =	sshll.u32 s11, $0x4;
	s19 =	sadd.s32 s12, s3;
	[dreg:$0xa] =	wrdreg s14  }
0x1a: {  	s17 =	sadd.s32 s12, s11;
	s11 =	sadd.s32 s11, s0;
	[dreg:$0xd] =	wrdreg s19  }
0x1b: {  	s0 =	sadd.s32 s3, s0;
	[dreg:$0xc] =	wrdreg s11  }
0x1c: {  	p0 =	sge.u32 s23, s8;
	s8 =	sadd.s32 $0x4D8, s15;
	[dreg:$0xe] =	wrdreg s0  }
0x1d: {  	s12 =	sadd.s32 $0xF00, s18;
	[dreg:$0x13] =	wrdreg s8  }
0x1e: {  	s23 =	sadd.s32 $0x4E2A0, s16;
	s15 =	sadd.s32 $0x1900, s18;
	[dreg:$0x15] =	wrdreg s12  }
0x1f: {  	s21 =	sadd.s32 $0xA0, s16;
	s16 =	sadd.s32 $0x1E00, s18;
	[dreg:$0x17] =	wrdreg s15  }
0x20: {  	s3 =	sshrl.u32 s24, $0x2;
	s24 =	sadd.s32 $0xA, s14;
	[dreg:$0x18] =	wrdreg s16  }
0x21: {  	[dreg:$0x1a] =	wrdreg s24  }
0x22: {  	s10 =	sadd.s32 $0x2800, s9;
	s0 =	sadd.s32 $0x14100, s3;
	[dreg:$0xb] =	wrdreg s17  }
0x23: {  	s28 =	sadd.s32 $0x7800, s9;
	s11 =	sadd.s32 $0xA00, s18;
	[dreg:$0x11] =	wrdreg s0  }
0x24: {  	s29 =	sadd.s32 $0xA000, s9;
	s18 =	sadd.s32 $0x2300, s18;
	[dreg:$0x14] =	wrdreg s11  }
0x25: {  	s30 =	sadd.s32 $0xC800, s9;
	s7 =	sadd.s32 $0xA00, s17;
	[dreg:$0x19] =	wrdreg s18  }
0x26: {  	s31 =	sadd.s32 $0xF000, s9;
	s8 =	sadd.s32 $0xF00, s17;
	[dreg:$0x1c] =	wrdreg s7  }
0x27: {  	s20 =	sadd.s32 s25, s2;
	s12 =	sadd.s32 $0x1900, s17;
	[dreg:$0x1d] =	wrdreg s8  }
0x28: {  	s22 =	sadd.s32 s22, s2;
	s13 =	sadd.s32 $0x1E00, s17;
	[dreg:$0x1f] =	wrdreg s12  }
0x29: {  	s26 =	sadd.s32 $0x5000, s9;
	s15 =	sadd.s32 $0xA00, s19;
	[smem:$0x7F6] =	sst s13  }
0x2a: {  	s25 =	sshrl.u32 s23, $0x3;
	s16 =	sadd.s32 $0xF00, s19;
	[smem:$0x7F8] =	sst s15  }
0x2b: {  	s24 =	sadd.s32 $0x1E00, s19;
	s23 =	sadd.s32 s25, s2;
	[smem:$0x7F9] =	sst s16  }
0x2c: {  	s0 =	sadd.s32 $0x11800, s9;
	s25 =	sadd.s32 $0x4D8, s14;
	[smem:$0x7FC] =	sst s24  }
0x2d: {  	s11 =	sadd.s32 $0x1400, s17;
	s14 =	sadd.s32 $0x2300, s17;
	[dreg:$0x1b] =	wrdreg s25  }
0x2e: {  	s17 =	sadd.s32 $0x1400, s19;
	s18 =	sadd.s32 $0x1900, s19;
	[dreg:$0x1e] =	wrdreg s11  }
.Ltmp0:
0x2f: {  	s8 =	simm.s32 $0x18100;
	[smem:$0x7F7] =	sst s14;
	(pc) =	sbr.rel .LBB2_1-.Ltmp0, $4  }
0x30: {  	s13 =	simm.s32 $0x14000;
	s16 =	simm.s32 $0x50;
	[smem:$0x7FA] =	sst s17  }
0x31: {  	s24 =	simm.s32 $0x1;
	[smem:$0x7FB] =	sst s18;
	s25 =	sadd.s32 $0x2300, s19  }
0x32: {  	s11 =	simm.s32 $0x3;
	s18 =	simm.s32 $0x14080;
	s19 =	simm.s32 $0x1A900  }
0x33: {  	s14 =	simm.s32 $0x0;
	[smem:$0x7FD] =	sst s25;
	s25 =	simm.s32 $0x2  }
.LBB2_8:
0x34: {  	[sflag:s11] =	ssyncadd.s32 $0xFFFFD800  }
.LBB2_9:
0x35: {  	[bflag:$0x0] =	sbarrier.arrive $0xFFFF  }
0x36: {  	[tilespmem:s8], [sflag:$0x3] =	stream.linear.gather [spmem:s9], $0x2800, $0x38;
	[tilespmem:$0x1D100] =	vst v63  }
0x37: {  	_ =	swait.ge [sflag:s11], $0x2800  }
0x38: {  	[sflag:s11] =	ssyncset.done $0x0  }
0x39: {  	s3 =	rddreg [dreg:$0xd];
	[sflag:s11] =	ssyncadd.s32 $0xFFFFD800  }
0x3a: {  	[hbm4b:s3+s5] =	stream.linear.scatter [tilespmem:s8], [sflag:$0x3], $0x2800, $0x38;
	[tilespmem:$0x1D100] =	vst v63  }
0x3b: {  	_ =	swait.ge [sflag:s11], $0x2800  }
0x3c: {  	[sflag:s11] =	ssyncset.done $0x0  }
0x3d: {  	[sflag:s11] =	ssyncadd.s32 $0xFFFFD800  }
0x3e: {  	[tilespmem:s8], [sflag:$0x3] =	stream.linear.gather [spmem:s10], $0x2800, $0x38;
	[tilespmem:$0x1D100] =	vst v63  }
0x3f: {  	_ =	swait.ge [sflag:s11], $0x2800  }
0x40: {  	[sflag:s11] =	ssyncset.done $0x0  }
0x41: {  	s7 =	rddreg [dreg:$0xe];
	[sflag:s11] =	ssyncadd.s32 $0xFFFFD800  }
0x42: {  	[hbm4b:s7+s5] =	stream.linear.scatter [tilespmem:s8], [sflag:$0x3], $0x2800, $0x38;
	[tilespmem:$0x1D100] =	vst v63  }
0x43: {  	_ =	swait.ge [sflag:s11], $0x2800  }
0x44: {  	[sflag:s11] =	ssyncset.done $0x0  }
0x45: {  	[sflag:s11] =	ssyncadd.s32 $0xFFFFD800  }
0x46: {  	[tilespmem:s8], [sflag:$0x3] =	stream.linear.gather [spmem:s26], $0x2800, $0x38;
	[tilespmem:$0x1D100] =	vst v63  }
0x47: {  	_ =	swait.ge [sflag:s11], $0x2800  }
0x48: {  	s12 =	sld [smem:$0x7F8]  }
0x49: {  	[sflag:s11] =	ssyncset.done $0x0  }
0x4a: {  	[sflag:s11] =	ssyncadd.s32 $0xFFFFD800  }
0x4b: {  	[hbm4b:s12+s5] =	stream.linear.scatter [tilespmem:s8], [sflag:$0x3], $0x2800, $0x38;
	[tilespmem:$0x1D100] =	vst v63  }
0x4c: {  	_ =	swait.ge [sflag:s11], $0x2800  }
0x4d: {  	[sflag:s11] =	ssyncset.done $0x0  }
0x4e: {  	[sflag:s11] =	ssyncadd.s32 $0xFFFFD800  }
0x4f: {  	[tilespmem:s8], [sflag:$0x3] =	stream.linear.gather [spmem:s28], $0x2800, $0x38;
	[tilespmem:$0x1D100] =	vst v63  }
0x50: {  	_ =	swait.ge [sflag:s11], $0x2800  }
0x51: {  	s15 =	sld [smem:$0x7F9]  }
0x52: {  	[sflag:s11] =	ssyncset.done $0x0  }
0x53: {  	[sflag:s11] =	ssyncadd.s32 $0xFFFFD800  }
0x54: {  	[hbm4b:s15+s5] =	stream.linear.scatter [tilespmem:s8], [sflag:$0x3], $0x2800, $0x38;
	[tilespmem:$0x1D100] =	vst v63  }
0x55: {  	_ =	swait.ge [sflag:s11], $0x2800  }
0x56: {  	[sflag:s11] =	ssyncset.done $0x0  }
0x57: {  	[sflag:s11] =	ssyncadd.s32 $0xFFFFD800  }
0x58: {  	[tilespmem:s8], [sflag:$0x3] =	stream.linear.gather [spmem:s29], $0x2800, $0x38;
	[tilespmem:$0x1D100] =	vst v63  }
0x59: {  	_ =	swait.ge [sflag:s11], $0x2800  }
0x5a: {  	s17 =	sld [smem:$0x7FA]  }
0x5b: {  	[sflag:s11] =	ssyncset.done $0x0  }
0x5c: {  	[sflag:s11] =	ssyncadd.s32 $0xFFFFD800  }
0x5d: {  	[hbm4b:s17+s5] =	stream.linear.scatter [tilespmem:s8], [sflag:$0x3], $0x2800, $0x38;
	[tilespmem:$0x1D100] =	vst v63  }
0x5e: {  	_ =	swait.ge [sflag:s11], $0x2800  }
0x5f: {  	[sflag:s11] =	ssyncset.done $0x0  }
0x60: {  	[sflag:s11] =	ssyncadd.s32 $0xFFFFD800  }
0x61: {  	[tilespmem:s8], [sflag:$0x3] =	stream.linear.gather [spmem:s30], $0x2800, $0x38;
	[tilespmem:$0x1D100] =	vst v63  }
0x62: {  	_ =	swait.ge [sflag:s11], $0x2800  }
0x63: {  	s7 =	sld [smem:$0x7FB]  }
0x64: {  	[sflag:s11] =	ssyncset.done $0x0  }
0x65: {  	[sflag:s11] =	ssyncadd.s32 $0xFFFFD800  }
0x66: {  	[hbm4b:s7+s5] =	stream.linear.scatter [tilespmem:s8], [sflag:$0x3], $0x2800, $0x38;
	[tilespmem:$0x1D100] =	vst v63  }
0x67: {  	_ =	swait.ge [sflag:s11], $0x2800  }
0x68: {  	[sflag:s11] =	ssyncset.done $0x0  }
0x69: {  	[sflag:s11] =	ssyncadd.s32 $0xFFFFD800  }
0x6a: {  	[tilespmem:s8], [sflag:$0x3] =	stream.linear.gather [spmem:s31], $0x2800, $0x38;
	[tilespmem:$0x1D100] =	vst v63  }
0x6b: {  	_ =	swait.ge [sflag:s11], $0x2800  }
0x6c: {  	s12 =	sld [smem:$0x7FC]  }
0x6d: {  	[sflag:s11] =	ssyncset.done $0x0  }
0x6e: {  	[sflag:s11] =	ssyncadd.s32 $0xFFFFD800  }
0x6f: {  	[hbm4b:s12+s5] =	stream.linear.scatter [tilespmem:s8], [sflag:$0x3], $0x2800, $0x38;
	[tilespmem:$0x1D100] =	vst v63  }
0x70: {  	_ =	swait.ge [sflag:s11], $0x2800  }
0x71: {  	[sflag:s11] =	ssyncset.done $0x0  }
0x72: {  	[sflag:s11] =	ssyncadd.s32 $0xFFFFD800  }
0x73: {  	[tilespmem:s8], [sflag:$0x3] =	stream.linear.gather [spmem:s0], $0x2800, $0x38;
	[tilespmem:$0x1D100] =	vst v63  }
0x74: {  	_ =	swait.ge [sflag:s11], $0x2800  }
0x75: {  	s15 =	sld [smem:$0x7FD]  }
0x76: {  	[sflag:s11] =	ssyncset.done $0x0  }
0x77: {  	[sflag:s11] =	ssyncadd.s32 $0xFFFFD800  }
0x78: {  	[hbm4b:s15+s5] =	stream.linear.scatter [tilespmem:s8], [sflag:$0x3], $0x2800, $0x38;
	[tilespmem:$0x1D100] =	vst v63  }
0x79: {  	_ =	swait.ge [sflag:s11], $0x2800  }
0x7a: {  	s14 =	sadd.s32 $0x1, s14;
	s17 =	rddreg [dreg:$0xf]  }
0x7b: {  	p1 =	sne.s32 s14, s17  }
.Ltmp1:
0x7c: {  	_ = 	snop;
	(pc) =	sbr.rel @!p1 .LBB2_10-.Ltmp1, $3  }
0x7d: {  	_ =	sdelay $0x1  }
0x7e: {  	[sflag:s11] =	ssyncset.done $0x0  }
0x7f: {  	[sflag:s11] =	ssyncadd.s32 $0xFFFFD800  }
.LBB2_1:
0x80: {  	s3 =	rddreg [dreg:$0x6];
	s7 =	simm.s32 $0x14100  }
0x81: {  	[tilespmem:s7], [sflag:$0x3] =	stream.linear.gather [hbm4b:s3+s5], $0x3E80, $0x38;
	[tilespmem:$0x1D100] =	vst v63  }
0x82: {  	_ =	swait.ge [sflag:s11], $0x3E80  }
0x83: {  	[sflag:s11] =	ssyncset.done $0x0  }
0x84: {  	[sflag:s11] =	ssyncadd.s32 $0xFFFFC180  }
0x85: {  	[tilespmem:s8], [sflag:$0x3] =	stream.linear.gather [hbm4b:s6+s5], $0x2800, $0x38;
	[tilespmem:$0x1D100] =	vst v63  }
0x86: {  	_ =	swait.ge [sflag:s11], $0x2800  }
0x87: {  	[sflag:s11] =	ssyncset.done $0x0  }
0x88: {  	[sflag:s11] =	ssyncadd.s32 $0xFFFFD800  }
0x89: {  	[spmem:s9] =	stream.linear.scatter [tilespmem:s8], [sflag:$0x3], $0x2800, $0x38;
	[tilespmem:$0x1D100] =	vst v63  }
0x8a: {  	_ =	swait.ge [sflag:s11], $0x2800  }
0x8b: {  	[sflag:s11] =	ssyncset.done $0x0  }
0x8c: {  	[sflag:s11] =	ssyncadd.s32 $0xFFFFD800  }
0x8d: {  	[spmem:s10] =	stream.linear.scatter [tilespmem:s8], [sflag:$0x3], $0x2800, $0x38;
	[tilespmem:$0x1D100] =	vst v63  }
0x8e: {  	_ =	swait.ge [sflag:s11], $0x2800  }
0x8f: {  	[sflag:s11] =	ssyncset.done $0x0  }
0x90: {  	[sflag:s11] =	ssyncadd.s32 $0xFFFFD800  }
0x91: {  	[spmem:s26] =	stream.linear.scatter [tilespmem:s8], [sflag:$0x3], $0x2800, $0x38;
	[tilespmem:$0x1D100] =	vst v63  }
0x92: {  	_ =	swait.ge [sflag:s11], $0x2800  }
0x93: {  	[sflag:s11] =	ssyncset.done $0x0  }
0x94: {  	[sflag:s11] =	ssyncadd.s32 $0xFFFFD800  }
0x95: {  	[spmem:s28] =	stream.linear.scatter [tilespmem:s8], [sflag:$0x3], $0x2800, $0x38;
	[tilespmem:$0x1D100] =	vst v63  }
0x96: {  	_ =	swait.ge [sflag:s11], $0x2800  }
0x97: {  	[sflag:s11] =	ssyncset.done $0x0  }
0x98: {  	[sflag:s11] =	ssyncadd.s32 $0xFFFFD800  }
0x99: {  	[spmem:s29] =	stream.linear.scatter [tilespmem:s8], [sflag:$0x3], $0x2800, $0x38;
	[tilespmem:$0x1D100] =	vst v63  }
0x9a: {  	_ =	swait.ge [sflag:s11], $0x2800  }
0x9b: {  	[sflag:s11] =	ssyncset.done $0x0  }
0x9c: {  	[sflag:s11] =	ssyncadd.s32 $0xFFFFD800  }
0x9d: {  	[spmem:s30] =	stream.linear.scatter [tilespmem:s8], [sflag:$0x3], $0x2800, $0x38;
	[tilespmem:$0x1D100] =	vst v63  }
0x9e: {  	_ =	swait.ge [sflag:s11], $0x2800  }
0x9f: {  	[sflag:s11] =	ssyncset.done $0x0  }
0xa0: {  	[sflag:s11] =	ssyncadd.s32 $0xFFFFD800  }
0xa1: {  	[spmem:s31] =	stream.linear.scatter [tilespmem:s8], [sflag:$0x3], $0x2800, $0x38;
	[tilespmem:$0x1D100] =	vst v63  }
0xa2: {  	_ =	swait.ge [sflag:s11], $0x2800  }
0xa3: {  	[sflag:s11] =	ssyncset.done $0x0  }
0xa4: {  	[sflag:s11] =	ssyncadd.s32 $0xFFFFD800  }
0xa5: {  	[spmem:s0] =	stream.linear.scatter [tilespmem:s8], [sflag:$0x3], $0x2800, $0x38;
	[tilespmem:$0x1D100] =	vst v63  }
0xa6: {  	_ =	swait.ge [sflag:s11], $0x2800  }
0xa7: {  	[sflag:s11] =	ssyncset.done $0x0  }
0xa8: {  	[sflag:s11] =	ssyncadd.s32 $0xFFFFD800  }
0xa9: {  	[bflag:$0x0] =	sbarrier.arrive $0xFFFF  }
0xaa: {  	s15 =	rddreg [dreg:$0x7]  }
0xab: {  	[tilespmem:s13], [sflag:$0x3] =	stream.linear.gather [hbm4b:s15+s5], $0x50, $0x38;
	[tilespmem:$0x1D100] =	vst v63  }
0xac: {  	_ =	swait.ge [sflag:s11], $0x50  }
0xad: {  	[sflag:s11] =	ssyncset.done $0x0  }
0xae: {  	[sflag:s11] =	ssyncadd.s32 $0xFFFFFFB0  }
0xaf: {  	[tilespmem:s8], [sflag:$0x1] =	stream.indirect.gather [hbm4b:s1+s16], $0x80, s13, s16, $0xb8;
	[tilespmem:$0x1D100] =	vst v63  }
0xb0: {  	s17 =	rddreg [dreg:$0x12]  }
0xb1: {  	[tilespmem:s18], [sflag:$0x3] =	stream.linear.gather [hbm4b:s17+s5], $0x50, $0x38;
	[tilespmem:$0x1D100] =	vst v63  }
0xb2: {  	_ =	swait.ge [sflag:s11], $0x50  }
0xb3: {  	[sflag:s11] =	ssyncset.done $0x0  }
0xb4: {  	[sflag:s11] =	ssyncadd.s32 $0xFFFFFFB0  }
0xb5: {  	[tilespmem:s19], [sflag:$0x2] =	stream.indirect.gather [hbm4b:s1+s16], $0x80, s18, s16, $0xb8;
	[tilespmem:$0x1D100] =	vst v63  }
0xb6: {  	_ =	swait.ge [sflag:s24], $0x2800  }
0xb7: {  	[sflag:s24] =	ssyncset.done $0x0  }
0xb8: {  	s7 =	simm.s32 $0x14100;
	[sflag:s24] =	ssyncadd.s32 $0xFFFFD800  }
0xb9: {  	[spmem:s4] =	stream.indirect.scatter.add.f32 [tilespmem:s8], [sflag:$0x3], $0x80, s7, s16, $0xb8;
	[tilespmem:$0x1D100] =	vst v63  }
0xba: {  	_ =	swait.ge [sflag:s11], $0x2800  }
0xbb: {  	s12 =	sshrl.u32 s21, $0x3;
	[sflag:s11] =	ssyncset.done $0x0  }
0xbc: {  	s3 =	sadd.s32 s2, s12;
	[sflag:s11] =	ssyncadd.s32 $0xFFFFD800  }
0xbd: {  	[tilespmem:s13], [sflag:$0x3] =	stream.linear.gather [hbm4b:s3+s5], $0x50, $0x38;
	[tilespmem:$0x1D100] =	vst v63  }
0xbe: {  	_ =	swait.ge [sflag:s11], $0x50  }
0xbf: {  	[sflag:s11] =	ssyncset.done $0x0  }
0xc0: {  	[sflag:s11] =	ssyncadd.s32 $0xFFFFFFB0  }
0xc1: {  	[tilespmem:s8], [sflag:$0x1] =	stream.indirect.gather [hbm4b:s1+s16], $0x80, s13, s16, $0xb8;
	[tilespmem:$0x1D100] =	vst v63  }
0xc2: {  	_ =	swait.ge [sflag:s25], $0x2800  }
0xc3: {  	[sflag:s25] =	ssyncset.done $0x0  }
0xc4: {  	s15 =	simm.s32 $0x14180;
	[sflag:s25] =	ssyncadd.s32 $0xFFFFD800  }
0xc5: {  	[spmem:s4] =	stream.indirect.scatter.add.f32 [tilespmem:s19], [sflag:$0x3], $0x80, s15, s16, $0xb8;
	[tilespmem:$0x1D100] =	vst v63  }
0xc6: {  	_ =	swait.ge [sflag:s11], $0x2800  }
0xc7: {  	[sflag:s11] =	ssyncset.done $0x0  }
0xc8: {  	s17 =	sadd.s32 $0x0, s20;
	[sflag:s11] =	ssyncadd.s32 $0xFFFFD800  }
0xc9: {  	[tilespmem:s18], [sflag:$0x3] =	stream.linear.gather [hbm4b:s17+s5], $0x50, $0x38;
	[tilespmem:$0x1D100] =	vst v63  }
0xca: {  	_ =	swait.ge [sflag:s11], $0x50  }
0xcb: {  	s12 =	simm.s32 $0x14280;
	[sflag:s11] =	ssyncset.done $0x0  }
0xcc: {  	s7 =	sadd.s32 $0xA0, s21;
	s3 =	simm.s32 $0x14;
	[sflag:s11] =	ssyncadd.s32 $0xFFFFFFB0  }
.LBB2_2:
0xcd: {  	[tilespmem:s19], [sflag:$0x2] =	stream.indirect.gather [hbm4b:s1+s16], $0x80, s18, s16, $0xb8;
	[tilespmem:$0x1D100] =	vst v63  }
0xce: {  	s15 =	smov.u32 s3  }
0xcf: {  	p1 =	sne.s32 s3, $0x4B0;
	s3 =	sadd.s32 $0x14, s3;
	_ =	swait.ge [sflag:s24], $0x2800  }
0xd0: {  	[sflag:s24] =	ssyncset.done $0x0  }
0xd1: {  	s17 =	sadd.s32 $0xFFFFFF80, s12;
	[sflag:s24] =	ssyncadd.s32 $0xFFFFD800  }
0xd2: {  	[spmem:s4] =	stream.indirect.scatter.add.f32 [tilespmem:s8], [sflag:$0x3], $0x80, s17, s16, $0xb8;
	[tilespmem:$0x1D100] =	vst v63  }
0xd3: {  	_ =	swait.ge [sflag:s11], $0x2800  }
0xd4: {  	s17 =	sshrl.u32 s7, $0x3;
	[sflag:s11] =	ssyncset.done $0x0  }
0xd5: {  	s17 =	sadd.s32 s2, s17;
	[sflag:s11] =	ssyncadd.s32 $0xFFFFD800  }
0xd6: {  	[tilespmem:s13], [sflag:$0x3] =	stream.linear.gather [hbm4b:s17+s5], $0x50, $0x38;
	[tilespmem:$0x1D100] =	vst v63  }
0xd7: {  	_ =	swait.ge [sflag:s11], $0x50  }
0xd8: {  	[sflag:s11] =	ssyncset.done $0x0  }
0xd9: {  	[sflag:s11] =	ssyncadd.s32 $0xFFFFFFB0  }
0xda: {  	[tilespmem:s8], [sflag:$0x1] =	stream.indirect.gather [hbm4b:s1+s16], $0x80, s13, s16, $0xb8;
	[tilespmem:$0x1D100] =	vst v63  }
0xdb: {  	_ =	swait.ge [sflag:s25], $0x2800  }
0xdc: {  	[sflag:s25] =	ssyncset.done $0x0  }
0xdd: {  	[sflag:s25] =	ssyncadd.s32 $0xFFFFD800  }
0xde: {  	[spmem:s4] =	stream.indirect.scatter.add.f32 [tilespmem:s19], [sflag:$0x3], $0x80, s12, s16, $0xb8;
	[tilespmem:$0x1D100] =	vst v63  }
0xdf: {  	_ =	swait.ge [sflag:s11], $0x2800  }
0xe0: {  	[sflag:s11] =	ssyncset.done $0x0  }
.Ltmp2:
0xe1: {  	s15 =	sadd.s32 s15, s20;
	[sflag:s11] =	ssyncadd.s32 $0xFFFFD800;
	(pc) =	sbr.rel @p1 .LBB2_2-.Ltmp2, $4  }
0xe2: {  	[tilespmem:s18], [sflag:$0x3] =	stream.linear.gather [hbm4b:s15+s5], $0x50, $0x38;
	[tilespmem:$0x1D100] =	vst v63  }
0xe3: {  	_ =	swait.ge [sflag:s11], $0x50  }
0xe4: {  	[sflag:s11] =	ssyncset.done $0x0  }
0xe5: {  	s7 =	sadd.s32 $0xA0, s7;
	s12 =	sadd.s32 $0x100, s12;
	[sflag:s11] =	ssyncadd.s32 $0xFFFFFFB0  }
0xe6: {  	[tilespmem:s19], [sflag:$0x2] =	stream.indirect.gather [hbm4b:s1+s16], $0x80, s18, s16, $0xb8;
	[tilespmem:$0x1D100] =	vst v63  }
0xe7: {  	_ =	swait.ge [sflag:s24], $0x2800  }
0xe8: {  	[sflag:s24] =	ssyncset.done $0x0  }
0xe9: {  	s17 =	simm.s32 $0x17E00;
	[sflag:s24] =	ssyncadd.s32 $0xFFFFD800  }
0xea: {  	[spmem:s4] =	stream.indirect.scatter.add.f32 [tilespmem:s8], [sflag:$0x3], $0x80, s17, s16, $0xb8;
	[tilespmem:$0x1D100] =	vst v63  }
0xeb: {  	_ =	swait.ge [sflag:s11], $0x2800  }
0xec: {  	[sflag:s11] =	ssyncset.done $0x0  }
0xed: {  	[sflag:s11] =	ssyncadd.s32 $0xFFFFD800  }
0xee: {  	_ =	swait.ge [sflag:s25], $0x2800  }
0xef: {  	[sflag:s25] =	ssyncset.done $0x0  }
0xf0: {  	s3 =	simm.s32 $0x17E80;
	[sflag:s25] =	ssyncadd.s32 $0xFFFFD800  }
0xf1: {  	[spmem:s4] =	stream.indirect.scatter.add.f32 [tilespmem:s19], [sflag:$0x3], $0x80, s3, s16, $0xb8;
	[tilespmem:$0x1D100] =	vst v63  }
0xf2: {  	_ =	swait.ge [sflag:s11], $0x2800  }
0xf3: {  	[sflag:s11] =	ssyncset.done $0x0  }
0xf4: {  	s3 =	simm.s32 $0x0;
	s7 =	rddreg [dreg:$0x13];
	[sflag:s11] =	ssyncadd.s32 $0xFFFFD800  }
0xf5: {  	[tilespmem:s13], [sflag:$0x3] =	stream.linear.gather [hbm4b:s7+s3], $0x50, $0x38;
	[tilespmem:$0x1D100] =	vst v63  }
0xf6: {  	_ =	swait.ge [sflag:s11], $0x50  }
0xf7: {  	[sflag:s11] =	ssyncset.done $0x0  }
0xf8: {  	[sflag:s11] =	ssyncadd.s32 $0xFFFFFFB0  }
0xf9: {  	[tilespmem:s8], [sflag:$0x1] =	stream.indirect.gather [hbm4b:s1+s16], $0x80, s13, s16, $0xb8;
	[tilespmem:$0x1D100] =	vst v63  }
0xfa: {  	_ =	swait.ge [sflag:s24], $0x2800  }
0xfb: {  	[sflag:s24] =	ssyncset.done $0x0  }
0xfc: {  	s12 =	simm.s32 $0x17F00;
	[sflag:s24] =	ssyncadd.s32 $0xFFFFD800  }
0xfd: {  	[spmem:s4] =	stream.indirect.scatter.add.f32 [tilespmem:s8], [sflag:$0x3], $0x80, s12, s16, $0xb8;
	[tilespmem:$0x1D100] =	vst v63  }
0xfe: {  	_ =	swait.ge [sflag:s11], $0x2800  }
0xff: {  	[sflag:s11] =	ssyncset.done $0x0  }
0x100: {  	[sflag:s11] =	ssyncadd.s32 $0xFFFFD800  }
0x101: {  	[bflag:$0x0] =	sbarrier.arrive $0xFFFF  }
0x102: {  	[tilespmem:s8], [sflag:$0x3] =	stream.linear.gather [spmem:s9], $0x2800, $0x38;
	[tilespmem:$0x1D100] =	vst v63  }
0x103: {  	_ =	swait.ge [sflag:s11], $0x2800  }
0x104: {  	[sflag:s11] =	ssyncset.done $0x0  }
0x105: {  	s15 =	rddreg [dreg:$0x8];
	[sflag:s11] =	ssyncadd.s32 $0xFFFFD800  }
0x106: {  	[hbm4b:s15+s3] =	stream.linear.scatter [tilespmem:s8], [sflag:$0x3], $0x2800, $0x38;
	[tilespmem:$0x1D100] =	vst v63  }
0x107: {  	_ =	swait.ge [sflag:s11], $0x2800  }
0x108: {  	[sflag:s11] =	ssyncset.done $0x0  }
0x109: {  	[sflag:s11] =	ssyncadd.s32 $0xFFFFD800  }
0x10a: {  	[tilespmem:s8], [sflag:$0x3] =	stream.linear.gather [spmem:s10], $0x2800, $0x38;
	[tilespmem:$0x1D100] =	vst v63  }
0x10b: {  	_ =	swait.ge [sflag:s11], $0x2800  }
0x10c: {  	[sflag:s11] =	ssyncset.done $0x0  }
0x10d: {  	s12 =	rddreg [dreg:$0x9];
	[sflag:s11] =	ssyncadd.s32 $0xFFFFD800  }
0x10e: {  	[hbm4b:s12+s3] =	stream.linear.scatter [tilespmem:s8], [sflag:$0x3], $0x2800, $0x38;
	[tilespmem:$0x1D100] =	vst v63  }
0x10f: {  	_ =	swait.ge [sflag:s11], $0x2800  }
0x110: {  	[sflag:s11] =	ssyncset.done $0x0  }
0x111: {  	[sflag:s11] =	ssyncadd.s32 $0xFFFFD800  }
0x112: {  	[tilespmem:s8], [sflag:$0x3] =	stream.linear.gather [spmem:s26], $0x2800, $0x38;
	[tilespmem:$0x1D100] =	vst v63  }
0x113: {  	_ =	swait.ge [sflag:s11], $0x2800  }
0x114: {  	[sflag:s11] =	ssyncset.done $0x0  }
0x115: {  	s15 =	rddreg [dreg:$0x14];
	[sflag:s11] =	ssyncadd.s32 $0xFFFFD800  }
0x116: {  	[hbm4b:s15+s3] =	stream.linear.scatter [tilespmem:s8], [sflag:$0x3], $0x2800, $0x38;
	[tilespmem:$0x1D100] =	vst v63  }
0x117: {  	_ =	swait.ge [sflag:s11], $0x2800  }
0x118: {  	[sflag:s11] =	ssyncset.done $0x0  }
0x119: {  	[sflag:s11] =	ssyncadd.s32 $0xFFFFD800  }
0x11a: {  	[tilespmem:s8], [sflag:$0x3] =	stream.linear.gather [spmem:s28], $0x2800, $0x38;
	[tilespmem:$0x1D100] =	vst v63  }
0x11b: {  	_ =	swait.ge [sflag:s11], $0x2800  }
0x11c: {  	[sflag:s11] =	ssyncset.done $0x0  }
0x11d: {  	s12 =	rddreg [dreg:$0x15];
	[sflag:s11] =	ssyncadd.s32 $0xFFFFD800  }
0x11e: {  	[hbm4b:s12+s3] =	stream.linear.scatter [tilespmem:s8], [sflag:$0x3], $0x2800, $0x38;
	[tilespmem:$0x1D100] =	vst v63  }
0x11f: {  	_ =	swait.ge [sflag:s11], $0x2800  }
0x120: {  	[sflag:s11] =	ssyncset.done $0x0  }
0x121: {  	[sflag:s11] =	ssyncadd.s32 $0xFFFFD800  }
0x122: {  	[tilespmem:s8], [sflag:$0x3] =	stream.linear.gather [spmem:s29], $0x2800, $0x38;
	[tilespmem:$0x1D100] =	vst v63  }
0x123: {  	_ =	swait.ge [sflag:s11], $0x2800  }
0x124: {  	[sflag:s11] =	ssyncset.done $0x0  }
0x125: {  	s15 =	rddreg [dreg:$0x16];
	[sflag:s11] =	ssyncadd.s32 $0xFFFFD800  }
0x126: {  	[hbm4b:s15+s3] =	stream.linear.scatter [tilespmem:s8], [sflag:$0x3], $0x2800, $0x38;
	[tilespmem:$0x1D100] =	vst v63  }
0x127: {  	_ =	swait.ge [sflag:s11], $0x2800  }
0x128: {  	[sflag:s11] =	ssyncset.done $0x0  }
0x129: {  	[sflag:s11] =	ssyncadd.s32 $0xFFFFD800  }
0x12a: {  	[tilespmem:s8], [sflag:$0x3] =	stream.linear.gather [spmem:s30], $0x2800, $0x38;
	[tilespmem:$0x1D100] =	vst v63  }
0x12b: {  	_ =	swait.ge [sflag:s11], $0x2800  }
0x12c: {  	[sflag:s11] =	ssyncset.done $0x0  }
0x12d: {  	s12 =	rddreg [dreg:$0x17];
	[sflag:s11] =	ssyncadd.s32 $0xFFFFD800  }
0x12e: {  	[hbm4b:s12+s3] =	stream.linear.scatter [tilespmem:s8], [sflag:$0x3], $0x2800, $0x38;
	[tilespmem:$0x1D100] =	vst v63  }
0x12f: {  	_ =	swait.ge [sflag:s11], $0x2800  }
0x130: {  	[sflag:s11] =	ssyncset.done $0x0  }
0x131: {  	[sflag:s11] =	ssyncadd.s32 $0xFFFFD800  }
0x132: {  	[tilespmem:s8], [sflag:$0x3] =	stream.linear.gather [spmem:s31], $0x2800, $0x38;
	[tilespmem:$0x1D100] =	vst v63  }
0x133: {  	_ =	swait.ge [sflag:s11], $0x2800  }
0x134: {  	[sflag:s11] =	ssyncset.done $0x0  }
0x135: {  	s15 =	rddreg [dreg:$0x18];
	[sflag:s11] =	ssyncadd.s32 $0xFFFFD800  }
0x136: {  	[hbm4b:s15+s3] =	stream.linear.scatter [tilespmem:s8], [sflag:$0x3], $0x2800, $0x38;
	[tilespmem:$0x1D100] =	vst v63  }
0x137: {  	_ =	swait.ge [sflag:s11], $0x2800  }
0x138: {  	[sflag:s11] =	ssyncset.done $0x0  }
0x139: {  	[sflag:s11] =	ssyncadd.s32 $0xFFFFD800  }
0x13a: {  	[tilespmem:s8], [sflag:$0x3] =	stream.linear.gather [spmem:s0], $0x2800, $0x38;
	[tilespmem:$0x1D100] =	vst v63  }
0x13b: {  	_ =	swait.ge [sflag:s11], $0x2800  }
0x13c: {  	[sflag:s11] =	ssyncset.done $0x0  }
0x13d: {  	s12 =	rddreg [dreg:$0x19];
	[sflag:s11] =	ssyncadd.s32 $0xFFFFD800  }
0x13e: {  	[hbm4b:s12+s3] =	stream.linear.scatter [tilespmem:s8], [sflag:$0x3], $0x2800, $0x38;
	[tilespmem:$0x1D100] =	vst v63  }
0x13f: {  	_ =	swait.ge [sflag:s11], $0x2800  }
0x140: {  	[sflag:s11] =	ssyncset.done $0x0  }
0x141: {  	[sflag:s11] =	ssyncadd.s32 $0xFFFFD800  }
0x142: {  	[tilespmem:s8], [sflag:$0x3] =	stream.linear.gather [hbm4b:s6+s3], $0x2800, $0x38;
	[tilespmem:$0x1D100] =	vst v63  }
0x143: {  	_ =	swait.ge [sflag:s11], $0x2800  }
0x144: {  	[sflag:s11] =	ssyncset.done $0x0  }
0x145: {  	[sflag:s11] =	ssyncadd.s32 $0xFFFFD800  }
0x146: {  	[spmem:s9] =	stream.linear.scatter [tilespmem:s8], [sflag:$0x3], $0x2800, $0x38;
	[tilespmem:$0x1D100] =	vst v63  }
0x147: {  	_ =	swait.ge [sflag:s11], $0x2800  }
0x148: {  	[sflag:s11] =	ssyncset.done $0x0  }
0x149: {  	[sflag:s11] =	ssyncadd.s32 $0xFFFFD800  }
0x14a: {  	[spmem:s10] =	stream.linear.scatter [tilespmem:s8], [sflag:$0x3], $0x2800, $0x38;
	[tilespmem:$0x1D100] =	vst v63  }
0x14b: {  	_ =	swait.ge [sflag:s11], $0x2800  }
0x14c: {  	[sflag:s11] =	ssyncset.done $0x0  }
0x14d: {  	[sflag:s11] =	ssyncadd.s32 $0xFFFFD800  }
0x14e: {  	[spmem:s26] =	stream.linear.scatter [tilespmem:s8], [sflag:$0x3], $0x2800, $0x38;
	[tilespmem:$0x1D100] =	vst v63  }
0x14f: {  	_ =	swait.ge [sflag:s11], $0x2800  }
0x150: {  	[sflag:s11] =	ssyncset.done $0x0  }
0x151: {  	[sflag:s11] =	ssyncadd.s32 $0xFFFFD800  }
0x152: {  	[spmem:s28] =	stream.linear.scatter [tilespmem:s8], [sflag:$0x3], $0x2800, $0x38;
	[tilespmem:$0x1D100] =	vst v63  }
0x153: {  	_ =	swait.ge [sflag:s11], $0x2800  }
0x154: {  	[sflag:s11] =	ssyncset.done $0x0  }
0x155: {  	[sflag:s11] =	ssyncadd.s32 $0xFFFFD800  }
0x156: {  	[spmem:s29] =	stream.linear.scatter [tilespmem:s8], [sflag:$0x3], $0x2800, $0x38;
	[tilespmem:$0x1D100] =	vst v63  }
0x157: {  	_ =	swait.ge [sflag:s11], $0x2800  }
0x158: {  	[sflag:s11] =	ssyncset.done $0x0  }
0x159: {  	[sflag:s11] =	ssyncadd.s32 $0xFFFFD800  }
0x15a: {  	[spmem:s30] =	stream.linear.scatter [tilespmem:s8], [sflag:$0x3], $0x2800, $0x38;
	[tilespmem:$0x1D100] =	vst v63  }
0x15b: {  	_ =	swait.ge [sflag:s11], $0x2800  }
0x15c: {  	[sflag:s11] =	ssyncset.done $0x0  }
0x15d: {  	[sflag:s11] =	ssyncadd.s32 $0xFFFFD800  }
0x15e: {  	[spmem:s31] =	stream.linear.scatter [tilespmem:s8], [sflag:$0x3], $0x2800, $0x38;
	[tilespmem:$0x1D100] =	vst v63  }
0x15f: {  	_ =	swait.ge [sflag:s11], $0x2800  }
0x160: {  	[sflag:s11] =	ssyncset.done $0x0  }
0x161: {  	[sflag:s11] =	ssyncadd.s32 $0xFFFFD800  }
0x162: {  	[spmem:s0] =	stream.linear.scatter [tilespmem:s8], [sflag:$0x3], $0x2800, $0x38;
	[tilespmem:$0x1D100] =	vst v63  }
0x163: {  	_ =	swait.ge [sflag:s11], $0x2800  }
0x164: {  	[sflag:s11] =	ssyncset.done $0x0  }
0x165: {  	[sflag:s11] =	ssyncadd.s32 $0xFFFFD800  }
0x166: {  	[bflag:$0x0] =	sbarrier.arrive $0xFFFF  }
0x167: {  	s15 =	rddreg [dreg:$0xa]  }
0x168: {  	[tilespmem:s13], [sflag:$0x3] =	stream.linear.gather [hbm4b:s15+s3], $0x50, $0x38;
	[tilespmem:$0x1D100] =	vst v63  }
0x169: {  	_ =	swait.ge [sflag:s11], $0x50  }
0x16a: {  	[sflag:s11] =	ssyncset.done $0x0  }
0x16b: {  	[sflag:s11] =	ssyncadd.s32 $0xFFFFFFB0  }
0x16c: {  	[tilespmem:s8], [sflag:$0x1] =	stream.indirect.gather [hbm4b:s1+s16], $0x80, s13, s16, $0xb8;
	[tilespmem:$0x1D100] =	vst v63  }
0x16d: {  	s12 =	rddreg [dreg:$0x1a]  }
0x16e: {  	[tilespmem:s18], [sflag:$0x3] =	stream.linear.gather [hbm4b:s12+s3], $0x50, $0x38;
	[tilespmem:$0x1D100] =	vst v63  }
0x16f: {  	_ =	swait.ge [sflag:s11], $0x50  }
0x170: {  	[sflag:s11] =	ssyncset.done $0x0  }
0x171: {  	[sflag:s11] =	ssyncadd.s32 $0xFFFFFFB0  }
0x172: {  	[tilespmem:s19], [sflag:$0x2] =	stream.indirect.gather [hbm4b:s1+s16], $0x80, s18, s16, $0xb8;
	[tilespmem:$0x1D100] =	vst v63  }
0x173: {  	_ =	swait.ge [sflag:s24], $0x2800  }
0x174: {  	[sflag:s24] =	ssyncset.done $0x0  }
0x175: {  	s15 =	simm.s32 $0x14100;
	[sflag:s24] =	ssyncadd.s32 $0xFFFFD800  }
0x176: {  	[spmem:s4] =	stream.indirect.scatter.add.f32 [tilespmem:s8], [sflag:$0x3], $0x80, s15, s16, $0xb8;
	[tilespmem:$0x1D100] =	vst v63  }
0x177: {  	_ =	swait.ge [sflag:s11], $0x2800  }
0x178: {  	[sflag:s11] =	ssyncset.done $0x0  }
0x179: {  	s7 =	sadd.s32 $0x0, s23;
	[sflag:s11] =	ssyncadd.s32 $0xFFFFD800  }
0x17a: {  	[tilespmem:s13], [sflag:$0x3] =	stream.linear.gather [hbm4b:s7+s5], $0x50, $0x38;
	[tilespmem:$0x1D100] =	vst v63  }
0x17b: {  	_ =	swait.ge [sflag:s11], $0x50  }
0x17c: {  	[sflag:s11] =	ssyncset.done $0x0  }
0x17d: {  	[sflag:s11] =	ssyncadd.s32 $0xFFFFFFB0  }
0x17e: {  	[tilespmem:s8], [sflag:$0x1] =	stream.indirect.gather [hbm4b:s1+s16], $0x80, s13, s16, $0xb8;
	[tilespmem:$0x1D100] =	vst v63  }
0x17f: {  	_ =	swait.ge [sflag:s25], $0x2800  }
0x180: {  	[sflag:s25] =	ssyncset.done $0x0  }
0x181: {  	s12 =	simm.s32 $0x14180;
	[sflag:s25] =	ssyncadd.s32 $0xFFFFD800  }
0x182: {  	[spmem:s4] =	stream.indirect.scatter.add.f32 [tilespmem:s19], [sflag:$0x3], $0x80, s12, s16, $0xb8;
	[tilespmem:$0x1D100] =	vst v63  }
0x183: {  	_ =	swait.ge [sflag:s11], $0x2800  }
0x184: {  	[sflag:s11] =	ssyncset.done $0x0  }
0x185: {  	s15 =	sadd.s32 $0x0, s22;
	[sflag:s11] =	ssyncadd.s32 $0xFFFFD800  }
0x186: {  	[tilespmem:s18], [sflag:$0x3] =	stream.linear.gather [hbm4b:s15+s5], $0x50, $0x38;
	[tilespmem:$0x1D100] =	vst v63  }
0x187: {  	_ =	swait.ge [sflag:s11], $0x50  }
0x188: {  	[sflag:s11] =	ssyncset.done $0x0  }
0x189: {  	s3 =	simm.s32 $0x14;
	s7 =	simm.s32 $0x14280;
	[sflag:s11] =	ssyncadd.s32 $0xFFFFFFB0  }
.LBB2_4:
0x18a: {  	[tilespmem:s19], [sflag:$0x2] =	stream.indirect.gather [hbm4b:s1+s16], $0x80, s18, s16, $0xb8;
	[tilespmem:$0x1D100] =	vst v63  }
0x18b: {  	s12 =	smov.u32 s3  }
0x18c: {  	p1 =	sne.s32 s3, $0x4B0;
	s3 =	sadd.s32 $0x14, s3;
	_ =	swait.ge [sflag:s24], $0x2800  }
0x18d: {  	[sflag:s24] =	ssyncset.done $0x0  }
0x18e: {  	s15 =	sadd.s32 $0xFFFFFF80, s7;
	[sflag:s24] =	ssyncadd.s32 $0xFFFFD800  }
0x18f: {  	[spmem:s4] =	stream.indirect.scatter.add.f32 [tilespmem:s8], [sflag:$0x3], $0x80, s15, s16, $0xb8;
	[tilespmem:$0x1D100] =	vst v63  }
0x190: {  	_ =	swait.ge [sflag:s11], $0x2800  }
0x191: {  	[sflag:s11] =	ssyncset.done $0x0  }
0x192: {  	s15 =	sadd.s32 s12, s23;
	[sflag:s11] =	ssyncadd.s32 $0xFFFFD800  }
0x193: {  	[tilespmem:s13], [sflag:$0x3] =	stream.linear.gather [hbm4b:s15+s5], $0x50, $0x38;
	[tilespmem:$0x1D100] =	vst v63  }
0x194: {  	_ =	swait.ge [sflag:s11], $0x50  }
0x195: {  	[sflag:s11] =	ssyncset.done $0x0  }
0x196: {  	[sflag:s11] =	ssyncadd.s32 $0xFFFFFFB0  }
0x197: {  	[tilespmem:s8], [sflag:$0x1] =	stream.indirect.gather [hbm4b:s1+s16], $0x80, s13, s16, $0xb8;
	[tilespmem:$0x1D100] =	vst v63  }
0x198: {  	_ =	swait.ge [sflag:s25], $0x2800  }
0x199: {  	[sflag:s25] =	ssyncset.done $0x0  }
0x19a: {  	[sflag:s25] =	ssyncadd.s32 $0xFFFFD800  }
0x19b: {  	[spmem:s4] =	stream.indirect.scatter.add.f32 [tilespmem:s19], [sflag:$0x3], $0x80, s7, s16, $0xb8;
	[tilespmem:$0x1D100] =	vst v63  }
0x19c: {  	_ =	swait.ge [sflag:s11], $0x2800  }
0x19d: {  	[sflag:s11] =	ssyncset.done $0x0  }
.Ltmp3:
0x19e: {  	s12 =	sadd.s32 s12, s22;
	[sflag:s11] =	ssyncadd.s32 $0xFFFFD800;
	(pc) =	sbr.rel @p1 .LBB2_4-.Ltmp3, $4  }
0x19f: {  	[tilespmem:s18], [sflag:$0x3] =	stream.linear.gather [hbm4b:s12+s5], $0x50, $0x38;
	[tilespmem:$0x1D100] =	vst v63  }
0x1a0: {  	_ =	swait.ge [sflag:s11], $0x50  }
0x1a1: {  	[sflag:s11] =	ssyncset.done $0x0  }
0x1a2: {  	s7 =	sadd.s32 $0x100, s7;
	[sflag:s11] =	ssyncadd.s32 $0xFFFFFFB0  }
0x1a3: {  	[tilespmem:s19], [sflag:$0x2] =	stream.indirect.gather [hbm4b:s1+s16], $0x80, s18, s16, $0xb8;
	[tilespmem:$0x1D100] =	vst v63  }
0x1a4: {  	_ =	swait.ge [sflag:s24], $0x2800  }
0x1a5: {  	[sflag:s24] =	ssyncset.done $0x0  }
0x1a6: {  	[sflag:s24] =	ssyncadd.s32 $0xFFFFD800  }
0x1a7: {  	[spmem:s4] =	stream.indirect.scatter.add.f32 [tilespmem:s8], [sflag:$0x3], $0x80, s17, s16, $0xb8;
	[tilespmem:$0x1D100] =	vst v63  }
0x1a8: {  	_ =	swait.ge [sflag:s11], $0x2800  }
0x1a9: {  	[sflag:s11] =	ssyncset.done $0x0  }
0x1aa: {  	[sflag:s11] =	ssyncadd.s32 $0xFFFFD800  }
0x1ab: {  	_ =	swait.ge [sflag:s25], $0x2800  }
0x1ac: {  	[sflag:s25] =	ssyncset.done $0x0  }
0x1ad: {  	s3 =	simm.s32 $0x17E80;
	[sflag:s25] =	ssyncadd.s32 $0xFFFFD800  }
0x1ae: {  	[spmem:s4] =	stream.indirect.scatter.add.f32 [tilespmem:s19], [sflag:$0x3], $0x80, s3, s16, $0xb8;
	[tilespmem:$0x1D100] =	vst v63  }
0x1af: {  	_ =	swait.ge [sflag:s11], $0x2800  }
0x1b0: {  	[sflag:s11] =	ssyncset.done $0x0  }
0x1b1: {  	s12 =	rddreg [dreg:$0x1b];
	[sflag:s11] =	ssyncadd.s32 $0xFFFFD800  }
0x1b2: {  	[tilespmem:s13], [sflag:$0x3] =	stream.linear.gather [hbm4b:s12+s5], $0x50, $0x38;
	[tilespmem:$0x1D100] =	vst v63  }
0x1b3: {  	_ =	swait.ge [sflag:s11], $0x50  }
0x1b4: {  	[sflag:s11] =	ssyncset.done $0x0  }
0x1b5: {  	[sflag:s11] =	ssyncadd.s32 $0xFFFFFFB0  }
0x1b6: {  	[tilespmem:s8], [sflag:$0x1] =	stream.indirect.gather [hbm4b:s1+s16], $0x80, s13, s16, $0xb8;
	[tilespmem:$0x1D100] =	vst v63  }
0x1b7: {  	_ =	swait.ge [sflag:s24], $0x2800  }
0x1b8: {  	[sflag:s24] =	ssyncset.done $0x0  }
0x1b9: {  	s15 =	simm.s32 $0x17F00;
	[sflag:s24] =	ssyncadd.s32 $0xFFFFD800  }
0x1ba: {  	[spmem:s4] =	stream.indirect.scatter.add.f32 [tilespmem:s8], [sflag:$0x3], $0x80, s15, s16, $0xb8;
	[tilespmem:$0x1D100] =	vst v63  }
0x1bb: {  	_ =	swait.ge [sflag:s11], $0x2800  }
0x1bc: {  	[sflag:s11] =	ssyncset.done $0x0  }
0x1bd: {  	[sflag:s11] =	ssyncadd.s32 $0xFFFFD800  }
0x1be: {  	[bflag:$0x0] =	sbarrier.arrive $0xFFFF  }
0x1bf: {  	[tilespmem:s8], [sflag:$0x3] =	stream.linear.gather [spmem:s9], $0x2800, $0x38;
	[tilespmem:$0x1D100] =	vst v63  }
0x1c0: {  	_ =	swait.ge [sflag:s11], $0x2800  }
0x1c1: {  	[sflag:s11] =	ssyncset.done $0x0  }
0x1c2: {  	s17 =	rddreg [dreg:$0xb];
	[sflag:s11] =	ssyncadd.s32 $0xFFFFD800  }
0x1c3: {  	[hbm4b:s17+s5] =	stream.linear.scatter [tilespmem:s8], [sflag:$0x3], $0x2800, $0x38;
	[tilespmem:$0x1D100] =	vst v63  }
0x1c4: {  	_ =	swait.ge [sflag:s11], $0x2800  }
0x1c5: {  	[sflag:s11] =	ssyncset.done $0x0  }
0x1c6: {  	[sflag:s11] =	ssyncadd.s32 $0xFFFFD800  }
0x1c7: {  	[tilespmem:s8], [sflag:$0x3] =	stream.linear.gather [spmem:s10], $0x2800, $0x38;
	[tilespmem:$0x1D100] =	vst v63  }
0x1c8: {  	_ =	swait.ge [sflag:s11], $0x2800  }
0x1c9: {  	[sflag:s11] =	ssyncset.done $0x0  }
0x1ca: {  	s7 =	rddreg [dreg:$0xc];
	[sflag:s11] =	ssyncadd.s32 $0xFFFFD800  }
0x1cb: {  	[hbm4b:s7+s5] =	stream.linear.scatter [tilespmem:s8], [sflag:$0x3], $0x2800, $0x38;
	[tilespmem:$0x1D100] =	vst v63  }
0x1cc: {  	_ =	swait.ge [sflag:s11], $0x2800  }
0x1cd: {  	[sflag:s11] =	ssyncset.done $0x0  }
0x1ce: {  	[sflag:s11] =	ssyncadd.s32 $0xFFFFD800  }
0x1cf: {  	[tilespmem:s8], [sflag:$0x3] =	stream.linear.gather [spmem:s26], $0x2800, $0x38;
	[tilespmem:$0x1D100] =	vst v63  }
0x1d0: {  	_ =	swait.ge [sflag:s11], $0x2800  }
0x1d1: {  	[sflag:s11] =	ssyncset.done $0x0  }
0x1d2: {  	s12 =	rddreg [dreg:$0x1c];
	[sflag:s11] =	ssyncadd.s32 $0xFFFFD800  }
0x1d3: {  	[hbm4b:s12+s5] =	stream.linear.scatter [tilespmem:s8], [sflag:$0x3], $0x2800, $0x38;
	[tilespmem:$0x1D100] =	vst v63  }
0x1d4: {  	_ =	swait.ge [sflag:s11], $0x2800  }
0x1d5: {  	[sflag:s11] =	ssyncset.done $0x0  }
0x1d6: {  	[sflag:s11] =	ssyncadd.s32 $0xFFFFD800  }
0x1d7: {  	[tilespmem:s8], [sflag:$0x3] =	stream.linear.gather [spmem:s28], $0x2800, $0x38;
	[tilespmem:$0x1D100] =	vst v63  }
0x1d8: {  	_ =	swait.ge [sflag:s11], $0x2800  }
0x1d9: {  	[sflag:s11] =	ssyncset.done $0x0  }
0x1da: {  	s15 =	rddreg [dreg:$0x1d];
	[sflag:s11] =	ssyncadd.s32 $0xFFFFD800  }
0x1db: {  	[hbm4b:s15+s5] =	stream.linear.scatter [tilespmem:s8], [sflag:$0x3], $0x2800, $0x38;
	[tilespmem:$0x1D100] =	vst v63  }
0x1dc: {  	_ =	swait.ge [sflag:s11], $0x2800  }
0x1dd: {  	[sflag:s11] =	ssyncset.done $0x0  }
0x1de: {  	[sflag:s11] =	ssyncadd.s32 $0xFFFFD800  }
0x1df: {  	[tilespmem:s8], [sflag:$0x3] =	stream.linear.gather [spmem:s29], $0x2800, $0x38;
	[tilespmem:$0x1D100] =	vst v63  }
0x1e0: {  	_ =	swait.ge [sflag:s11], $0x2800  }
0x1e1: {  	[sflag:s11] =	ssyncset.done $0x0  }
0x1e2: {  	s17 =	rddreg [dreg:$0x1e];
	[sflag:s11] =	ssyncadd.s32 $0xFFFFD800  }
0x1e3: {  	[hbm4b:s17+s5] =	stream.linear.scatter [tilespmem:s8], [sflag:$0x3], $0x2800, $0x38;
	[tilespmem:$0x1D100] =	vst v63  }
0x1e4: {  	_ =	swait.ge [sflag:s11], $0x2800  }
0x1e5: {  	[sflag:s11] =	ssyncset.done $0x0  }
0x1e6: {  	[sflag:s11] =	ssyncadd.s32 $0xFFFFD800  }
0x1e7: {  	[tilespmem:s8], [sflag:$0x3] =	stream.linear.gather [spmem:s30], $0x2800, $0x38;
	[tilespmem:$0x1D100] =	vst v63  }
0x1e8: {  	_ =	swait.ge [sflag:s11], $0x2800  }
0x1e9: {  	[sflag:s11] =	ssyncset.done $0x0  }
0x1ea: {  	s7 =	rddreg [dreg:$0x1f];
	[sflag:s11] =	ssyncadd.s32 $0xFFFFD800  }
0x1eb: {  	[hbm4b:s7+s5] =	stream.linear.scatter [tilespmem:s8], [sflag:$0x3], $0x2800, $0x38;
	[tilespmem:$0x1D100] =	vst v63  }
0x1ec: {  	_ =	swait.ge [sflag:s11], $0x2800  }
0x1ed: {  	[sflag:s11] =	ssyncset.done $0x0  }
0x1ee: {  	[sflag:s11] =	ssyncadd.s32 $0xFFFFD800  }
0x1ef: {  	[tilespmem:s8], [sflag:$0x3] =	stream.linear.gather [spmem:s31], $0x2800, $0x38;
	[tilespmem:$0x1D100] =	vst v63  }
0x1f0: {  	_ =	swait.ge [sflag:s11], $0x2800  }
0x1f1: {  	s12 =	sld [smem:$0x7F6]  }
0x1f2: {  	[sflag:s11] =	ssyncset.done $0x0  }
0x1f3: {  	[sflag:s11] =	ssyncadd.s32 $0xFFFFD800  }
0x1f4: {  	[hbm4b:s12+s5] =	stream.linear.scatter [tilespmem:s8], [sflag:$0x3], $0x2800, $0x38;
	[tilespmem:$0x1D100] =	vst v63  }
0x1f5: {  	_ =	swait.ge [sflag:s11], $0x2800  }
0x1f6: {  	[sflag:s11] =	ssyncset.done $0x0  }
0x1f7: {  	[sflag:s11] =	ssyncadd.s32 $0xFFFFD800  }
0x1f8: {  	[tilespmem:s8], [sflag:$0x3] =	stream.linear.gather [spmem:s0], $0x2800, $0x38;
	[tilespmem:$0x1D100] =	vst v63  }
0x1f9: {  	_ =	swait.ge [sflag:s11], $0x2800  }
0x1fa: {  	s15 =	sld [smem:$0x7F7]  }
0x1fb: {  	[sflag:s11] =	ssyncset.done $0x0  }
0x1fc: {  	[sflag:s11] =	ssyncadd.s32 $0xFFFFD800  }
0x1fd: {  	[hbm4b:s15+s5] =	stream.linear.scatter [tilespmem:s8], [sflag:$0x3], $0x2800, $0x38;
	[tilespmem:$0x1D100] =	vst v63  }
0x1fe: {  	_ =	swait.ge [sflag:s11], $0x2800  }
0x1ff: {  	[sflag:s11] =	ssyncset.done $0x0  }
0x200: {  	[sflag:s11] =	ssyncadd.s32 $0xFFFFD800  }
0x201: {  	[tilespmem:s8], [sflag:$0x3] =	stream.linear.gather [hbm4b:s6+s5], $0x2800, $0x38;
	[tilespmem:$0x1D100] =	vst v63  }
0x202: {  	_ =	swait.ge [sflag:s11], $0x2800  }
0x203: {  	[sflag:s11] =	ssyncset.done $0x0  }
0x204: {  	[sflag:s11] =	ssyncadd.s32 $0xFFFFD800  }
0x205: {  	[spmem:s9] =	stream.linear.scatter [tilespmem:s8], [sflag:$0x3], $0x2800, $0x38;
	[tilespmem:$0x1D100] =	vst v63  }
0x206: {  	_ =	swait.ge [sflag:s11], $0x2800  }
0x207: {  	[sflag:s11] =	ssyncset.done $0x0  }
0x208: {  	[sflag:s11] =	ssyncadd.s32 $0xFFFFD800  }
0x209: {  	[spmem:s10] =	stream.linear.scatter [tilespmem:s8], [sflag:$0x3], $0x2800, $0x38;
	[tilespmem:$0x1D100] =	vst v63  }
0x20a: {  	_ =	swait.ge [sflag:s11], $0x2800  }
0x20b: {  	[sflag:s11] =	ssyncset.done $0x0  }
0x20c: {  	[sflag:s11] =	ssyncadd.s32 $0xFFFFD800  }
0x20d: {  	[spmem:s26] =	stream.linear.scatter [tilespmem:s8], [sflag:$0x3], $0x2800, $0x38;
	[tilespmem:$0x1D100] =	vst v63  }
0x20e: {  	_ =	swait.ge [sflag:s11], $0x2800  }
0x20f: {  	[sflag:s11] =	ssyncset.done $0x0  }
0x210: {  	[sflag:s11] =	ssyncadd.s32 $0xFFFFD800  }
0x211: {  	[spmem:s28] =	stream.linear.scatter [tilespmem:s8], [sflag:$0x3], $0x2800, $0x38;
	[tilespmem:$0x1D100] =	vst v63  }
0x212: {  	_ =	swait.ge [sflag:s11], $0x2800  }
0x213: {  	[sflag:s11] =	ssyncset.done $0x0  }
0x214: {  	[sflag:s11] =	ssyncadd.s32 $0xFFFFD800  }
0x215: {  	[spmem:s29] =	stream.linear.scatter [tilespmem:s8], [sflag:$0x3], $0x2800, $0x38;
	[tilespmem:$0x1D100] =	vst v63  }
0x216: {  	_ =	swait.ge [sflag:s11], $0x2800  }
0x217: {  	[sflag:s11] =	ssyncset.done $0x0  }
0x218: {  	[sflag:s11] =	ssyncadd.s32 $0xFFFFD800  }
0x219: {  	[spmem:s30] =	stream.linear.scatter [tilespmem:s8], [sflag:$0x3], $0x2800, $0x38;
	[tilespmem:$0x1D100] =	vst v63  }
0x21a: {  	_ =	swait.ge [sflag:s11], $0x2800  }
0x21b: {  	[sflag:s11] =	ssyncset.done $0x0  }
0x21c: {  	[sflag:s11] =	ssyncadd.s32 $0xFFFFD800  }
0x21d: {  	[spmem:s31] =	stream.linear.scatter [tilespmem:s8], [sflag:$0x3], $0x2800, $0x38;
	[tilespmem:$0x1D100] =	vst v63  }
0x21e: {  	_ =	swait.ge [sflag:s11], $0x2800  }
0x21f: {  	[sflag:s11] =	ssyncset.done $0x0  }
0x220: {  	[sflag:s11] =	ssyncadd.s32 $0xFFFFD800  }
0x221: {  	[spmem:s0] =	stream.linear.scatter [tilespmem:s8], [sflag:$0x3], $0x2800, $0x38;
	[tilespmem:$0x1D100] =	vst v63  }
0x222: {  	_ =	swait.ge [sflag:s11], $0x2800  }
0x223: {  	[sflag:s11] =	ssyncset.done $0x0  }
0x224: {  	s17 =	rddreg [dreg:$0x5];
	[sflag:s11] =	ssyncadd.s32 $0xFFFFD800  }
0x225: {  	[tilespmem:s8], [sflag:$0x3] =	stream.linear.gather [hbm4b:s17+s5], $0x2800, $0x38;
	[tilespmem:$0x1D100] =	vst v63  }
.Ltmp4:
0x226: {  	_ =	swait.ge [sflag:s11], $0x2800;
	(pc) =	sbr.rel @p0 .LBB2_9-.Ltmp4, $3  }
0x227: {  	[sflag:s11] =	ssyncset.done $0x0  }
0x228: {  	[sflag:s11] =	ssyncadd.s32 $0xFFFFD800  }
0x229: {  	[bflag:$0x0] =	sbarrier.arrive $0xFFFF;
	_ =	sdelay $0x1  }
0x22a: {  	s3 =	rddreg [dreg:$0x10]  }
0x22b: {  	p1 =	sne.s32 s3, $0x1  }
.Ltmp5:
0x22c: {  	_ = 	snop;
	(pc) =	sbr.rel @!p1 .LBB2_8-.Ltmp5, $4  }
0x22d: {  	s7 =	rddreg [dreg:$0x11]  }
0x22e: {  	[spmem:s4] =	stream.indirect.scatter.add.f32 [tilespmem:s8], [sflag:$0x3], $0x80, s7, s16, $0xb8;
	[tilespmem:$0x1D100] =	vst v63  }
0x22f: {  	_ =	swait.ge [sflag:s11], $0x2800  }
0x230: {  	s3 =	sadd.s32 $0xFFFFFFFF, s3;
	[sflag:s11] =	ssyncset.done $0x0  }
.LBB2_7:
0x231: {  	p1 =	sne.s32 s3, $0x1;
	[sflag:s11] =	ssyncadd.s32 $0xFFFFD800;
	s7 =	sadd.s32 $0x80, s7  }
.Ltmp6:
0x232: {  	s3 =	sadd.s32 $0xFFFFFFFF, s3;
	(pc) =	sbr.rel @p1 .LBB2_7-.Ltmp6, $4  }
0x233: {  	_ = 	snop  }
0x234: {  	[spmem:s4] =	stream.indirect.scatter.add.f32 [tilespmem:s8], [sflag:$0x3], $0x80, s7, s16, $0xb8;
	[tilespmem:$0x1D100] =	vst v63  }
0x235: {  	_ =	swait.ge [sflag:s11], $0x2800  }
0x236: {  	[sflag:s11] =	ssyncset.done $0x0  }
.Ltmp7:
0x237: {  	_ = 	snop;
	(pc) =	sbr.rel .LBB2_8-.Ltmp7, $1  }
0x238: {  	_ =	sdelay $0x3  }
.LBB2_10:
0x239: {  	_ =	sfence.sel $0x180000  }
0x23a: {  	[bflag:$0x0] =	sbarrier.arrive $0xFFFF  }
0x23b: {  	_ =	strace $0x90000047  }
0x23c: {  	s0 =	stileid.u32;
	[bflag:$0x2] =	sbarrier.arrive $0xFFFF  }
0x23d: {  	p0 =	sne.s32 s0, $0x0;
	s0 =	rddreg [dreg:$0x4]  }
0x23e: {  	s0 =	sadd.s32 @!p0 $0x100000, s0  }
0x23f: {  	[sflag:s0] =	ssyncadd.tile.s32 @!p0 $0x1;
	_ =	shalt  }
.Lfunc_end2:
_tile_overlayer_lowered:
.L_overlay_start_2:
0x240: {  	(tag) =	ssettag $0x2  }
0x241: {  	s0 =	rddreg [dreg:$0x0];
	s2 =	stileid.u32  }
0x242: {  	s1 =	rddreg [dreg:$0x1];
	p0 =	sne.s32 s2, $0x0  }
0x243: {  	s3 =	rddreg [dreg:$0x2];
	[bflag:$0x3] =	sbarrier.arrive $0xFFFF;
	s2 =	simm.s32 @!p0 $0x1C03  }
0x244: {  	[timem:s3], [sflag:s2] =	dma.local @!p0 [hbm:s0], s1  }
0x245: {  	s0 =	simm.s32 @!p0 $0x3  }
0x246: {  	_ =	swait.ge @!p0 [sflag:s0], s1  }
0x247: {  	s1 =	ssub.s32 @!p0 $0x0, s1;
	[sflag:s0] =	ssyncset.done @!p0 $0x0  }
0x248: {  	[sflag:s0] =	ssyncadd.s32 @!p0 s1  }
0x249: {  	[bflag:$0x3] =	sbarrier.arrive $0xFFFF  }
0x24a: {  	_ =	shalt  }

</sc_bundles>
